<compile_context>
chip_gen: v7x
topology: tpu7x:2x2x1
jax: 0.10.2.dev20260603
libtpu: 0.0.44.dev20260713+nightly
codegen_flags: <defaults>
</compile_context>

<pallas_src>
import functools

import jax
import jax.numpy as jnp
from jax import lax
from jax.experimental import pallas as pl
from jax.experimental.pallas import tpu as pltpu
from jax.experimental.pallas import tpu_sc as plsc

_VOCAB = 1000000
_MAXLEN = 200
_EMBED = 32
_BATCH = 4096

_PITCH = 40
_INP = 136

_NC = 2
_NS = 16
_NW = _NC * _NS

_BB = _BATCH // 128
_UNITS = _MAXLEN * _BB
_PER_W = _UNITS // _NW

_VB_FULL = _VOCAB // 128
_VB_PER_W = 246
_TAIL_V = _VOCAB - _VB_FULL * 128
_TAIL_OFF = _VB_FULL * 128 * _PITCH


def _transpose_block(in_v, out_v):
    iota16 = lax.iota(jnp.int32, 16)

    def v0_body(v0, carry):
        col = jnp.full((16,), v0, jnp.int32)
        for h in range(2):
            v = plsc.load_gather(in_v, [iota16 + h * 16, col])
            out_v[pl.ds(v0 * _PITCH + h * 16, 16)] = v
        return carry

    lax.fori_loop(0, 128, v0_body, 0, unroll=4)


def _fmt_kernel(tblt_hbm, tail_hbm, out_hbm, in0, in1, out0, out1,
                tail_v, tail_out,
                gsem0, gsem1, wsem0, wsem1):
    wid = lax.axis_index("s") * _NC + lax.axis_index("c")

    @pl.when(wid == 0)
    def _():
        pltpu.sync_copy(tail_hbm, tail_v)
        for r in range(_TAIL_V):
            for h in range(2):
                tail_out[pl.ds(r * _PITCH + h * 16, 16)] = (
                    tail_v[pl.ds(r * _EMBED + h * 16, 16)])
        pltpu.sync_copy(tail_out,
                        out_hbm.at[pl.ds(_TAIL_OFF, _TAIL_V * _PITCH)])

    def vb_of(j):
        return lax.min(wid * _VB_PER_W + j, _VB_FULL - 1)

    def fire_in(j, in_v, gsem):
        vb = vb_of(j)
        pltpu.async_copy(
            tblt_hbm.at[:, pl.ds(vb * 128, 128)],
            in_v.at[:, pl.ds(0, 128)], gsem)

    def drain_in(in_v, gsem):
        pltpu.make_async_copy(
            tblt_hbm.at[:, pl.ds(0, 128)],
            in_v.at[:, pl.ds(0, 128)], gsem).wait()

    def drain_out(out_v, wsem):
        pltpu.make_async_copy(
            out_v, out_hbm.at[pl.ds(0, 128 * _PITCH)], wsem).wait()

    fire_in(0, in0, gsem0)

    def pair_body(k, carry):
        j = 2 * k
        fire_in(j + 1, in1, gsem1)
        drain_in(in0, gsem0)

        @pl.when(k > 0)
        def _():
            drain_out(out0, wsem0)

        _transpose_block(in0, out0)
        pltpu.async_copy(
            out0, out_hbm.at[pl.ds(vb_of(j) * (128 * _PITCH), 128 * _PITCH)],
            wsem0)

        fire_in(j + 2, in0, gsem0)
        drain_in(in1, gsem1)

        @pl.when(k > 0)
        def _():
            drain_out(out1, wsem1)

        _transpose_block(in1, out1)
        pltpu.async_copy(
            out1,
            out_hbm.at[pl.ds(vb_of(j + 1) * (128 * _PITCH), 128 * _PITCH)],
            wsem1)
        return carry

    lax.fori_loop(0, _VB_PER_W // 2, pair_body, 0)
    drain_in(in0, gsem0)
    drain_out(out0, wsem0)
    drain_out(out1, wsem1)


def _emb_compute(out_hbm, u, lmin, rows_v, ro, tiles_v, posl_v, wsem):
    l = u // _BB
    bb = u % _BB
    pbase = (l - lmin) * (_EMBED * 16)
    iota16 = lax.iota(jnp.int32, 16)

    def e_body(e, carry):
        p = posl_v[pl.ds(pbase + e * 16, 16)]
        col = jnp.full((16,), e, jnp.int32)
        for g in range(8):
            row = ro + iota16 + g * 16
            v = plsc.load_gather(rows_v, [row, col])
            tiles_v[pl.ds(e * 128 + g * 16, 16)] = v + p
        return carry

    lax.fori_loop(0, _EMBED, e_body, 0)
    for eb in range(4):
        off = (l * 4 + eb) * (_BB * 1024) + bb * 1024
        pltpu.async_copy(tiles_v.at[pl.ds(eb * 1024, 1024)],
                         out_hbm.at[pl.ds(off, 1024)], wsem)


def _emb_kernel(xt_hbm, tbl_hbm, pos_hbm, out_hbm,
                idxall, rows0, rows1, tiles0, tiles1, posl_v,
                gsem0, gsem1, wsem0, wsem1):
    wid = lax.axis_index("s") * _NC + lax.axis_index("c")
    base = wid * _PER_W
    pltpu.sync_copy(xt_hbm.at[pl.ds(base * 128, _PER_W * 128)], idxall)
    lmin = lax.min(base // _BB, _MAXLEN - 8)
    pltpu.sync_copy(pos_hbm.at[pl.ds(lmin * (_EMBED * 16), 8 * _EMBED * 16)],
                    posl_v)

    def fire(j, rows_v, gsem):
        return pltpu.async_copy(
            tbl_hbm.at[idxall.at[pl.ds(j * 128, 256)]], rows_v, gsem)

    def drain_tiles(tiles_v, wsem):
        pltpu.make_async_copy(
            tiles_v, out_hbm.at[pl.ds(0, 4096)], wsem).wait()

    cp = fire(0, rows0, gsem0)
    cp.wait()

    def quad_body(k, carry):
        u = base + 4 * k
        cp1 = fire(4 * k + 2, rows1, gsem1)

        @pl.when(k > 0)
        def _():
            drain_tiles(tiles0, wsem0)

        _emb_compute(out_hbm, u, lmin, rows0, 0, tiles0, posl_v, wsem0)

        @pl.when(k > 0)
        def _():
            drain_tiles(tiles1, wsem1)

        _emb_compute(out_hbm, u + 1, lmin, rows0, 128, tiles1, posl_v, wsem1)
        cp1.wait()
        j2 = lax.min(4 * k + 4, _PER_W - 2)
        cp0 = fire(j2, rows0, gsem0)
        drain_tiles(tiles0, wsem0)
        _emb_compute(out_hbm, u + 2, lmin, rows1, 0, tiles0, posl_v, wsem0)
        drain_tiles(tiles1, wsem1)
        _emb_compute(out_hbm, u + 3, lmin, rows1, 128, tiles1, posl_v, wsem1)
        cp0.wait()
        return carry

    lax.fori_loop(0, _PER_W // 4, quad_body, 0)
    drain_tiles(tiles0, wsem0)
    drain_tiles(tiles1, wsem1)


@jax.jit
def _run(tblt, tail_lin, xt_flat, pos_rep):
    mesh = plsc.VectorSubcoreMesh(core_axis_name="c", subcore_axis_name="s")

    fmt = functools.partial(
        pl.kernel,
        mesh=mesh,
        out_type=jax.ShapeDtypeStruct((_VOCAB * _PITCH,), jnp.float32),
        scratch_types=[
            pltpu.VMEM((_EMBED, _INP), jnp.float32),
            pltpu.VMEM((_EMBED, _INP), jnp.float32),
            pltpu.VMEM((128 * _PITCH,), jnp.float32),
            pltpu.VMEM((128 * _PITCH,), jnp.float32),
            pltpu.VMEM((_TAIL_V * _EMBED,), jnp.float32),
            pltpu.VMEM((_TAIL_V * _PITCH,), jnp.float32),
            pltpu.SemaphoreType.DMA,
            pltpu.SemaphoreType.DMA,
            pltpu.SemaphoreType.DMA,
            pltpu.SemaphoreType.DMA,
        ],
        compiler_params=pltpu.CompilerParams(
            use_tc_tiling_on_sc=True, needs_layout_passes=False),
    )(_fmt_kernel)
    tbl_flat = fmt(tblt, tail_lin)
    tbl = tbl_flat.reshape(_VOCAB, _PITCH)

    emb = functools.partial(
        pl.kernel,
        mesh=mesh,
        out_type=jax.ShapeDtypeStruct((_BATCH * _MAXLEN * _EMBED,), jnp.float32),
        scratch_types=[
            pltpu.VMEM((_PER_W * 128,), jnp.int32),
            pltpu.VMEM((256, _PITCH), jnp.float32),
            pltpu.VMEM((256, _PITCH), jnp.float32),
            pltpu.VMEM((4096,), jnp.float32),
            pltpu.VMEM((4096,), jnp.float32),
            pltpu.VMEM((8 * _EMBED * 16,), jnp.float32),
            pltpu.SemaphoreType.DMA,
            pltpu.SemaphoreType.DMA,
            pltpu.SemaphoreType.DMA,
            pltpu.SemaphoreType.DMA,
        ],
        compiler_params=pltpu.CompilerParams(
            use_tc_tiling_on_sc=False, needs_layout_passes=False),
    )(_emb_kernel)
    return emb(xt_flat, tbl, pos_rep)


def kernel(x, token_table, pos_table):
    tblt = token_table.T
    tail_lin = token_table[_VB_FULL * 128:, :].reshape(-1)
    xt_flat = jnp.swapaxes(x, 0, 1).reshape(-1).astype(jnp.int32)
    pos_rep = jnp.repeat(pos_table.reshape(-1), 16)
    out = _run(tblt, tail_lin, xt_flat, pos_rep)
    out5d = out.reshape(_MAXLEN, 4, _BB, 8, 128)
    return out5d.transpose(2, 4, 0, 1, 3).reshape(_BATCH, _MAXLEN, _EMBED)

# --- scband reference (transcript-rebuilt; emitter-appended) ---
"""Pipeline reference for scband-token-and-position-embedding-71296457114024 (READ-ONLY COPY).

The authoritative reference and input builder live on the scoring server;
editing this copy changes nothing except your own understanding.
"""

import jax, jax.numpy as jnp
import numpy as np

VOCAB = 1000000
MAXLEN = 200
EMBED = 32
BATCH = 4096

def setup_inputs(seed: int = 0) -> dict:
    key = jax.random.key(seed)
    k1, k2, k3 = jax.random.split(key, 3)
    x = jax.random.randint(k1, (BATCH, MAXLEN), 0, VOCAB, dtype=jnp.int64 if jax.config.jax_enable_x64 else jnp.int32)
    token_table = jax.random.normal(k2, (VOCAB, EMBED), dtype=jnp.float32) * 0.02
    pos_table = jax.random.normal(k3, (MAXLEN, EMBED), dtype=jnp.float32) * 0.02
    return {"x": x, "token_table": token_table, "pos_table": pos_table}

def reference(x, token_table, pos_table):
    # TokenAndPositionEmbedding.call
    seqlen = x.shape[-1]
    positions = jnp.arange(seqlen)
    pos_emb = jnp.take(pos_table, positions, axis=0)          # [L, E]
    tok_emb = jnp.take(token_table, x, axis=0)                # [B, L, E]
    return tok_emb + pos_emb[None, :, :]

if __name__ == "__main__":
    import jax
    _d = setup_inputs()
    print(jax.jit(kernel)(*tuple(_d.values())))

</pallas_src>

<mosaic_0001>
#map = affine_map<(d0, d1) -> (0, 0)>
#map1 = affine_map<(d0, d1) -> (0)>
module attributes {stable_mosaic.version = 14 : i64} {
  func.func @_fmt_kernel(%arg0: i32, %arg1: i32, %arg2: memref<32x1000000xf32, #tpu.memory_space<hbm>>, %arg3: memref<2048xf32, #tpu.memory_space<hbm>>, %arg4: memref<40000000xf32, #tpu.memory_space<hbm>>, %arg5: memref<32x136xf32, #tpu.memory_space<vmem>>, %arg6: memref<32x136xf32, #tpu.memory_space<vmem>>, %arg7: memref<5120xf32, #tpu.memory_space<vmem>>, %arg8: memref<5120xf32, #tpu.memory_space<vmem>>, %arg9: memref<2048xf32, #tpu.memory_space<vmem>>, %arg10: memref<2560xf32, #tpu.memory_space<vmem>>, %arg11: memref<!tpu.dma_semaphore, #tpu.memory_space<semaphore_mem>>, %arg12: memref<!tpu.dma_semaphore, #tpu.memory_space<semaphore_mem>>, %arg13: memref<!tpu.dma_semaphore, #tpu.memory_space<semaphore_mem>>, %arg14: memref<!tpu.dma_semaphore, #tpu.memory_space<semaphore_mem>>) attributes {dimension_semantics = [#tpu.dimension_semantics<core_parallel>, #tpu.dimension_semantics<subcore_parallel>], iteration_bounds = array<i64: 2, 16>, scalar_prefetch = 0 : i64, scratch_operands = 10 : i64, tpu.core_type = #tpu.core_type<sc_vector_subcore>, window_params = [{transform_indices = #map}, {transform_indices = #map1}, {transform_indices = #map1}]} {
    %mul3A = arith.constant 2 : i32
    %mul3A_0 = arith.muli %arg1, %mul3A : i32
    %add3A = arith.addi %mul3A_0, %arg0 : i32
    %eq3A = arith.constant 0 : i32
    %eq3A_1 = arith.cmpi eq, %add3A, %eq3A : i32
    %convert_element_type3A = arith.extui %eq3A_1 : i1 to i32
    %cond3A = arith.constant 0 : i32
    %cond3A_2 = arith.cmpi ne, %convert_element_type3A, %cond3A : i32
    scf.if %cond3A_2 {
      "tpu.region"() ({
        %run_scoped3A = tpu.sem_alloc : memref<!tpu.dma_semaphore, #tpu.memory_space<semaphore_mem>>
        tpu.enqueue_dma source(%arg3 : memref<2048xf32, #tpu.memory_space<hbm>>) target(%arg9 : memref<2048xf32, #tpu.memory_space<vmem>>) target_semaphore(%run_scoped3A : memref<!tpu.dma_semaphore, #tpu.memory_space<semaphore_mem>>)
        tpu.wait_dma2 semaphore(%run_scoped3A : memref<!tpu.dma_semaphore, #tpu.memory_space<semaphore_mem>>) src(%arg3 : memref<2048xf32, #tpu.memory_space<hbm>>) dst(%arg9 : memref<2048xf32, #tpu.memory_space<vmem>>)
        tpu.yield
      }) : () -> ()
      %get3A = arith.constant 0 : index
      %get3A_43 = tpu.vector_load %arg9[%get3A] {strides = array<i32>} : memref<2048xf32, #tpu.memory_space<vmem>>, vector<16xf32>,
      %swap3A = arith.constant 0 : index
      %swap3A_44 = tpu.vector_load %arg10[%swap3A] {strides = array<i32>} : memref<2560xf32, #tpu.memory_space<vmem>>, vector<16xf32>,
      tpu.vector_store %arg10[%swap3A], %get3A_43 {strides = array<i32>} : memref<2560xf32, #tpu.memory_space<vmem>>, vector<16xf32>,
      %get3A_45 = arith.constant 16 : index
      %get3A_46 = tpu.vector_load %arg9[%get3A_45] {strides = array<i32>} : memref<2048xf32, #tpu.memory_space<vmem>>, vector<16xf32>,
      %swap3A_47 = arith.constant 16 : index
      %swap3A_48 = tpu.vector_load %arg10[%swap3A_47] {strides = array<i32>} : memref<2560xf32, #tpu.memory_space<vmem>>, vector<16xf32>,
      tpu.vector_store %arg10[%swap3A_47], %get3A_46 {strides = array<i32>} : memref<2560xf32, #tpu.memory_space<vmem>>, vector<16xf32>,
      %get3A_49 = arith.constant 32 : index
      %get3A_50 = tpu.vector_load %arg9[%get3A_49] {strides = array<i32>} : memref<2048xf32, #tpu.memory_space<vmem>>, vector<16xf32>,
      %swap3A_51 = arith.constant 40 : index
      %swap3A_52 = tpu.vector_load %arg10[%swap3A_51] {strides = array<i32>} : memref<2560xf32, #tpu.memory_space<vmem>>, vector<16xf32>,
      tpu.vector_store %arg10[%swap3A_51], %get3A_50 {strides = array<i32>} : memref<2560xf32, #tpu.memory_space<vmem>>, vector<16xf32>,
      %get3A_53 = arith.constant 48 : index
      %get3A_54 = tpu.vector_load %arg9[%get3A_53] {strides = array<i32>} : memref<2048xf32, #tpu.memory_space<vmem>>, vector<16xf32>,
      %swap3A_55 = arith.constant 56 : index
      %swap3A_56 = tpu.vector_load %arg10[%swap3A_55] {strides = array<i32>} : memref<2560xf32, #tpu.memory_space<vmem>>, vector<16xf32>,
      tpu.vector_store %arg10[%swap3A_55], %get3A_54 {strides = array<i32>} : memref<2560xf32, #tpu.memory_space<vmem>>, vector<16xf32>,
      %get3A_57 = arith.constant 64 : index
      %get3A_58 = tpu.vector_load %arg9[%get3A_57] {strides = array<i32>} : memref<2048xf32, #tpu.memory_space<vmem>>, vector<16xf32>,
      %swap3A_59 = arith.constant 80 : index
      %swap3A_60 = tpu.vector_load %arg10[%swap3A_59] {strides = array<i32>} : memref<2560xf32, #tpu.memory_space<vmem>>, vector<16xf32>,
      tpu.vector_store %arg10[%swap3A_59], %get3A_58 {strides = array<i32>} : memref<2560xf32, #tpu.memory_space<vmem>>, vector<16xf32>,
      %get3A_61 = arith.constant 80 : index
      %get3A_62 = tpu.vector_load %arg9[%get3A_61] {strides = array<i32>} : memref<2048xf32, #tpu.memory_space<vmem>>, vector<16xf32>,
      %swap3A_63 = arith.constant 96 : index
      %swap3A_64 = tpu.vector_load %arg10[%swap3A_63] {strides = array<i32>} : memref<2560xf32, #tpu.memory_space<vmem>>, vector<16xf32>,
      tpu.vector_store %arg10[%swap3A_63], %get3A_62 {strides = array<i32>} : memref<2560xf32, #tpu.memory_space<vmem>>, vector<16xf32>,
      %get3A_65 = arith.constant 96 : index
      %get3A_66 = tpu.vector_load %arg9[%get3A_65] {strides = array<i32>} : memref<2048xf32, #tpu.memory_space<vmem>>, vector<16xf32>,
      %swap3A_67 = arith.constant 120 : index
      %swap3A_68 = tpu.vector_load %arg10[%swap3A_67] {strides = array<i32>} : memref<2560xf32, #tpu.memory_space<vmem>>, vector<16xf32>,
      tpu.vector_store %arg10[%swap3A_67], %get3A_66 {strides = array<i32>} : memref<2560xf32, #tpu.memory_space<vmem>>, vector<16xf32>,
      %get3A_69 = arith.constant 112 : index
      %get3A_70 = tpu.vector_load %arg9[%get3A_69] {strides = array<i32>} : memref<2048xf32, #tpu.memory_space<vmem>>, vector<16xf32>,
      %swap3A_71 = arith.constant 136 : index
      %swap3A_72 = tpu.vector_load %arg10[%swap3A_71] {strides = array<i32>} : memref<2560xf32, #tpu.memory_space<vmem>>, vector<16xf32>,
      tpu.vector_store %arg10[%swap3A_71], %get3A_70 {strides = array<i32>} : memref<2560xf32, #tpu.memory_space<vmem>>, vector<16xf32>,
      %get3A_73 = arith.constant 128 : index
      %get3A_74 = tpu.vector_load %arg9[%get3A_73] {strides = array<i32>} : memref<2048xf32, #tpu.memory_space<vmem>>, vector<16xf32>,
      %swap3A_75 = arith.constant 160 : index
      %swap3A_76 = tpu.vector_load %arg10[%swap3A_75] {strides = array<i32>} : memref<2560xf32, #tpu.memory_space<vmem>>, vector<16xf32>,
      tpu.vector_store %arg10[%swap3A_75], %get3A_74 {strides = array<i32>} : memref<2560xf32, #tpu.memory_space<vmem>>, vector<16xf32>,
      %get3A_77 = arith.constant 144 : index
      %get3A_78 = tpu.vector_load %arg9[%get3A_77] {strides = array<i32>} : memref<2048xf32, #tpu.memory_space<vmem>>, vector<16xf32>,
      %swap3A_79 = arith.constant 176 : index
      %swap3A_80 = tpu.vector_load %arg10[%swap3A_79] {strides = array<i32>} : memref<2560xf32, #tpu.memory_space<vmem>>, vector<16xf32>,
      tpu.vector_store %arg10[%swap3A_79], %get3A_78 {strides = array<i32>} : memref<2560xf32, #tpu.memory_space<vmem>>, vector<16xf32>,
      %get3A_81 = arith.constant 160 : index
      %get3A_82 = tpu.vector_load %arg9[%get3A_81] {strides = array<i32>} : memref<2048xf32, #tpu.memory_space<vmem>>, vector<16xf32>,
      %swap3A_83 = arith.constant 200 : index
      %swap3A_84 = tpu.vector_load %arg10[%swap3A_83] {strides = array<i32>} : memref<2560xf32, #tpu.memory_space<vmem>>, vector<16xf32>,
      tpu.vector_store %arg10[%swap3A_83], %get3A_82 {strides = array<i32>} : memref<2560xf32, #tpu.memory_space<vmem>>, vector<16xf32>,
      %get3A_85 = arith.constant 176 : index
      %get3A_86 = tpu.vector_load %arg9[%get3A_85] {strides = array<i32>} : memref<2048xf32, #tpu.memory_space<vmem>>, vector<16xf32>,
      %swap3A_87 = arith.constant 216 : index
      %swap3A_88 = tpu.vector_load %arg10[%swap3A_87] {strides = array<i32>} : memref<2560xf32, #tpu.memory_space<vmem>>, vector<16xf32>,
      tpu.vector_store %arg10[%swap3A_87], %get3A_86 {strides = array<i32>} : memref<2560xf32, #tpu.memory_space<vmem>>, vector<16xf32>,
      %get3A_89 = arith.constant 192 : index
      %get3A_90 = tpu.vector_load %arg9[%get3A_89] {strides = array<i32>} : memref<2048xf32, #tpu.memory_space<vmem>>, vector<16xf32>,
      %swap3A_91 = arith.constant 240 : index
      %swap3A_92 = tpu.vector_load %arg10[%swap3A_91] {strides = array<i32>} : memref<2560xf32, #tpu.memory_space<vmem>>, vector<16xf32>,
      tpu.vector_store %arg10[%swap3A_91], %get3A_90 {strides = array<i32>} : memref<2560xf32, #tpu.memory_space<vmem>>, vector<16xf32>,
      %get3A_93 = arith.constant 208 : index
      %get3A_94 = tpu.vector_load %arg9[%get3A_93] {strides = array<i32>} : memref<2048xf32, #tpu.memory_space<vmem>>, vector<16xf32>,
      %swap3A_95 = arith.constant 256 : index
      %swap3A_96 = tpu.vector_load %arg10[%swap3A_95] {strides = array<i32>} : memref<2560xf32, #tpu.memory_space<vmem>>, vector<16xf32>,
      tpu.vector_store %arg10[%swap3A_95], %get3A_94 {strides = array<i32>} : memref<2560xf32, #tpu.memory_space<vmem>>, vector<16xf32>,
      %get3A_97 = arith.constant 224 : index
      %get3A_98 = tpu.vector_load %arg9[%get3A_97] {strides = array<i32>} : memref<2048xf32, #tpu.memory_space<vmem>>, vector<16xf32>,
      %swap3A_99 = arith.constant 280 : index
      %swap3A_100 = tpu.vector_load %arg10[%swap3A_99] {strides = array<i32>} : memref<2560xf32, #tpu.memory_space<vmem>>, vector<16xf32>,
      tpu.vector_store %arg10[%swap3A_99], %get3A_98 {strides = array<i32>} : memref<2560xf32, #tpu.memory_space<vmem>>, vector<16xf32>,
      %get3A_101 = arith.constant 240 : index
      %get3A_102 = tpu.vector_load %arg9[%get3A_101] {strides = array<i32>} : memref<2048xf32, #tpu.memory_space<vmem>>, vector<16xf32>,
      %swap3A_103 = arith.constant 296 : index
      %swap3A_104 = tpu.vector_load %arg10[%swap3A_103] {strides = array<i32>} : memref<2560xf32, #tpu.memory_space<vmem>>, vector<16xf32>,
      tpu.vector_store %arg10[%swap3A_103], %get3A_102 {strides = array<i32>} : memref<2560xf32, #tpu.memory_space<vmem>>, vector<16xf32>,
      %get3A_105 = arith.constant 256 : index
      %get3A_106 = tpu.vector_load %arg9[%get3A_105] {strides = array<i32>} : memref<2048xf32, #tpu.memory_space<vmem>>, vector<16xf32>,
      %swap3A_107 = arith.constant 320 : index
      %swap3A_108 = tpu.vector_load %arg10[%swap3A_107] {strides = array<i32>} : memref<2560xf32, #tpu.memory_space<vmem>>, vector<16xf32>,
      tpu.vector_store %arg10[%swap3A_107], %get3A_106 {strides = array<i32>} : memref<2560xf32, #tpu.memory_space<vmem>>, vector<16xf32>,
      %get3A_109 = arith.constant 272 : index
      %get3A_110 = tpu.vector_load %arg9[%get3A_109] {strides = array<i32>} : memref<2048xf32, #tpu.memory_space<vmem>>, vector<16xf32>,
      %swap3A_111 = arith.constant 336 : index
      %swap3A_112 = tpu.vector_load %arg10[%swap3A_111] {strides = array<i32>} : memref<2560xf32, #tpu.memory_space<vmem>>, vector<16xf32>,
      tpu.vector_store %arg10[%swap3A_111], %get3A_110 {strides = array<i32>} : memref<2560xf32, #tpu.memory_space<vmem>>, vector<16xf32>,
      %get3A_113 = arith.constant 288 : index
      %get3A_114 = tpu.vector_load %arg9[%get3A_113] {strides = array<i32>} : memref<2048xf32, #tpu.memory_space<vmem>>, vector<16xf32>,
      %swap3A_115 = arith.constant 360 : index
      %swap3A_116 = tpu.vector_load %arg10[%swap3A_115] {strides = array<i32>} : memref<2560xf32, #tpu.memory_space<vmem>>, vector<16xf32>,
      tpu.vector_store %arg10[%swap3A_115], %get3A_114 {strides = array<i32>} : memref<2560xf32, #tpu.memory_space<vmem>>, vector<16xf32>,
      %get3A_117 = arith.constant 304 : index
      %get3A_118 = tpu.vector_load %arg9[%get3A_117] {strides = array<i32>} : memref<2048xf32, #tpu.memory_space<vmem>>, vector<16xf32>,
      %swap3A_119 = arith.constant 376 : index
      %swap3A_120 = tpu.vector_load %arg10[%swap3A_119] {strides = array<i32>} : memref<2560xf32, #tpu.memory_space<vmem>>, vector<16xf32>,
      tpu.vector_store %arg10[%swap3A_119], %get3A_118 {strides = array<i32>} : memref<2560xf32, #tpu.memory_space<vmem>>, vector<16xf32>,
      %get3A_121 = arith.constant 320 : index
      %get3A_122 = tpu.vector_load %arg9[%get3A_121] {strides = array<i32>} : memref<2048xf32, #tpu.memory_space<vmem>>, vector<16xf32>,
      %swap3A_123 = arith.constant 400 : index
      %swap3A_124 = tpu.vector_load %arg10[%swap3A_123] {strides = array<i32>} : memref<2560xf32, #tpu.memory_space<vmem>>, vector<16xf32>,
      tpu.vector_store %arg10[%swap3A_123], %get3A_122 {strides = array<i32>} : memref<2560xf32, #tpu.memory_space<vmem>>, vector<16xf32>,
      %get3A_125 = arith.constant 336 : index
      %get3A_126 = tpu.vector_load %arg9[%get3A_125] {strides = array<i32>} : memref<2048xf32, #tpu.memory_space<vmem>>, vector<16xf32>,
      %swap3A_127 = arith.constant 416 : index
      %swap3A_128 = tpu.vector_load %arg10[%swap3A_127] {strides = array<i32>} : memref<2560xf32, #tpu.memory_space<vmem>>, vector<16xf32>,
      tpu.vector_store %arg10[%swap3A_127], %get3A_126 {strides = array<i32>} : memref<2560xf32, #tpu.memory_space<vmem>>, vector<16xf32>,
      %get3A_129 = arith.constant 352 : index
      %get3A_130 = tpu.vector_load %arg9[%get3A_129] {strides = array<i32>} : memref<2048xf32, #tpu.memory_space<vmem>>, vector<16xf32>,
      %swap3A_131 = arith.constant 440 : index
      %swap3A_132 = tpu.vector_load %arg10[%swap3A_131] {strides = array<i32>} : memref<2560xf32, #tpu.memory_space<vmem>>, vector<16xf32>,
      tpu.vector_store %arg10[%swap3A_131], %get3A_130 {strides = array<i32>} : memref<2560xf32, #tpu.memory_space<vmem>>, vector<16xf32>,
      %get3A_133 = arith.constant 368 : index
      %get3A_134 = tpu.vector_load %arg9[%get3A_133] {strides = array<i32>} : memref<2048xf32, #tpu.memory_space<vmem>>, vector<16xf32>,
      %swap3A_135 = arith.constant 456 : index
      %swap3A_136 = tpu.vector_load %arg10[%swap3A_135] {strides = array<i32>} : memref<2560xf32, #tpu.memory_space<vmem>>, vector<16xf32>,
      tpu.vector_store %arg10[%swap3A_135], %get3A_134 {strides = array<i32>} : memref<2560xf32, #tpu.memory_space<vmem>>, vector<16xf32>,
      %get3A_137 = arith.constant 384 : index
      %get3A_138 = tpu.vector_load %arg9[%get3A_137] {strides = array<i32>} : memref<2048xf32, #tpu.memory_space<vmem>>, vector<16xf32>,
      %swap3A_139 = arith.constant 480 : index
      %swap3A_140 = tpu.vector_load %arg10[%swap3A_139] {strides = array<i32>} : memref<2560xf32, #tpu.memory_space<vmem>>, vector<16xf32>,
      tpu.vector_store %arg10[%swap3A_139], %get3A_138 {strides = array<i32>} : memref<2560xf32, #tpu.memory_space<vmem>>, vector<16xf32>,
      %get3A_141 = arith.constant 400 : index
      %get3A_142 = tpu.vector_load %arg9[%get3A_141] {strides = array<i32>} : memref<2048xf32, #tpu.memory_space<vmem>>, vector<16xf32>,
      %swap3A_143 = arith.constant 496 : index
      %swap3A_144 = tpu.vector_load %arg10[%swap3A_143] {strides = array<i32>} : memref<2560xf32, #tpu.memory_space<vmem>>, vector<16xf32>,
      tpu.vector_store %arg10[%swap3A_143], %get3A_142 {strides = array<i32>} : memref<2560xf32, #tpu.memory_space<vmem>>, vector<16xf32>,
      %get3A_145 = arith.constant 416 : index
      %get3A_146 = tpu.vector_load %arg9[%get3A_145] {strides = array<i32>} : memref<2048xf32, #tpu.memory_space<vmem>>, vector<16xf32>,
      %swap3A_147 = arith.constant 520 : index
      %swap3A_148 = tpu.vector_load %arg10[%swap3A_147] {strides = array<i32>} : memref<2560xf32, #tpu.memory_space<vmem>>, vector<16xf32>,
      tpu.vector_store %arg10[%swap3A_147], %get3A_146 {strides = array<i32>} : memref<2560xf32, #tpu.memory_space<vmem>>, vector<16xf32>,
      %get3A_149 = arith.constant 432 : index
      %get3A_150 = tpu.vector_load %arg9[%get3A_149] {strides = array<i32>} : memref<2048xf32, #tpu.memory_space<vmem>>, vector<16xf32>,
      %swap3A_151 = arith.constant 536 : index
      %swap3A_152 = tpu.vector_load %arg10[%swap3A_151] {strides = array<i32>} : memref<2560xf32, #tpu.memory_space<vmem>>, vector<16xf32>,
      tpu.vector_store %arg10[%swap3A_151], %get3A_150 {strides = array<i32>} : memref<2560xf32, #tpu.memory_space<vmem>>, vector<16xf32>,
      %get3A_153 = arith.constant 448 : index
      %get3A_154 = tpu.vector_load %arg9[%get3A_153] {strides = array<i32>} : memref<2048xf32, #tpu.memory_space<vmem>>, vector<16xf32>,
      %swap3A_155 = arith.constant 560 : index
      %swap3A_156 = tpu.vector_load %arg10[%swap3A_155] {strides = array<i32>} : memref<2560xf32, #tpu.memory_space<vmem>>, vector<16xf32>,
      tpu.vector_store %arg10[%swap3A_155], %get3A_154 {strides = array<i32>} : memref<2560xf32, #tpu.memory_space<vmem>>, vector<16xf32>,
      %get3A_157 = arith.constant 464 : index
      %get3A_158 = tpu.vector_load %arg9[%get3A_157] {strides = array<i32>} : memref<2048xf32, #tpu.memory_space<vmem>>, vector<16xf32>,
      %swap3A_159 = arith.constant 576 : index
      %swap3A_160 = tpu.vector_load %arg10[%swap3A_159] {strides = array<i32>} : memref<2560xf32, #tpu.memory_space<vmem>>, vector<16xf32>,
      tpu.vector_store %arg10[%swap3A_159], %get3A_158 {strides = array<i32>} : memref<2560xf32, #tpu.memory_space<vmem>>, vector<16xf32>,
      %get3A_161 = arith.constant 480 : index
      %get3A_162 = tpu.vector_load %arg9[%get3A_161] {strides = array<i32>} : memref<2048xf32, #tpu.memory_space<vmem>>, vector<16xf32>,
      %swap3A_163 = arith.constant 600 : index
      %swap3A_164 = tpu.vector_load %arg10[%swap3A_163] {strides = array<i32>} : memref<2560xf32, #tpu.memory_space<vmem>>, vector<16xf32>,
      tpu.vector_store %arg10[%swap3A_163], %get3A_162 {strides = array<i32>} : memref<2560xf32, #tpu.memory_space<vmem>>, vector<16xf32>,
      %get3A_165 = arith.constant 496 : index
      %get3A_166 = tpu.vector_load %arg9[%get3A_165] {strides = array<i32>} : memref<2048xf32, #tpu.memory_space<vmem>>, vector<16xf32>,
      %swap3A_167 = arith.constant 616 : index
      %swap3A_168 = tpu.vector_load %arg10[%swap3A_167] {strides = array<i32>} : memref<2560xf32, #tpu.memory_space<vmem>>, vector<16xf32>,
      tpu.vector_store %arg10[%swap3A_167], %get3A_166 {strides = array<i32>} : memref<2560xf32, #tpu.memory_space<vmem>>, vector<16xf32>,
      %get3A_169 = arith.constant 512 : index
      %get3A_170 = tpu.vector_load %arg9[%get3A_169] {strides = array<i32>} : memref<2048xf32, #tpu.memory_space<vmem>>, vector<16xf32>,
      %swap3A_171 = arith.constant 640 : index
      %swap3A_172 = tpu.vector_load %arg10[%swap3A_171] {strides = array<i32>} : memref<2560xf32, #tpu.memory_space<vmem>>, vector<16xf32>,
      tpu.vector_store %arg10[%swap3A_171], %get3A_170 {strides = array<i32>} : memref<2560xf32, #tpu.memory_space<vmem>>, vector<16xf32>,
      %get3A_173 = arith.constant 528 : index
      %get3A_174 = tpu.vector_load %arg9[%get3A_173] {strides = array<i32>} : memref<2048xf32, #tpu.memory_space<vmem>>, vector<16xf32>,
      %swap3A_175 = arith.constant 656 : index
      %swap3A_176 = tpu.vector_load %arg10[%swap3A_175] {strides = array<i32>} : memref<2560xf32, #tpu.memory_space<vmem>>, vector<16xf32>,
      tpu.vector_store %arg10[%swap3A_175], %get3A_174 {strides = array<i32>} : memref<2560xf32, #tpu.memory_space<vmem>>, vector<16xf32>,
      %get3A_177 = arith.constant 544 : index
      %get3A_178 = tpu.vector_load %arg9[%get3A_177] {strides = array<i32>} : memref<2048xf32, #tpu.memory_space<vmem>>, vector<16xf32>,
      %swap3A_179 = arith.constant 680 : index
      %swap3A_180 = tpu.vector_load %arg10[%swap3A_179] {strides = array<i32>} : memref<2560xf32, #tpu.memory_space<vmem>>, vector<16xf32>,
      tpu.vector_store %arg10[%swap3A_179], %get3A_178 {strides = array<i32>} : memref<2560xf32, #tpu.memory_space<vmem>>, vector<16xf32>,
      %get3A_181 = arith.constant 560 : index
      %get3A_182 = tpu.vector_load %arg9[%get3A_181] {strides = array<i32>} : memref<2048xf32, #tpu.memory_space<vmem>>, vector<16xf32>,
      %swap3A_183 = arith.constant 696 : index
      %swap3A_184 = tpu.vector_load %arg10[%swap3A_183] {strides = array<i32>} : memref<2560xf32, #tpu.memory_space<vmem>>, vector<16xf32>,
      tpu.vector_store %arg10[%swap3A_183], %get3A_182 {strides = array<i32>} : memref<2560xf32, #tpu.memory_space<vmem>>, vector<16xf32>,
      %get3A_185 = arith.constant 576 : index
      %get3A_186 = tpu.vector_load %arg9[%get3A_185] {strides = array<i32>} : memref<2048xf32, #tpu.memory_space<vmem>>, vector<16xf32>,
      %swap3A_187 = arith.constant 720 : index
      %swap3A_188 = tpu.vector_load %arg10[%swap3A_187] {strides = array<i32>} : memref<2560xf32, #tpu.memory_space<vmem>>, vector<16xf32>,
      tpu.vector_store %arg10[%swap3A_187], %get3A_186 {strides = array<i32>} : memref<2560xf32, #tpu.memory_space<vmem>>, vector<16xf32>,
      %get3A_189 = arith.constant 592 : index
      %get3A_190 = tpu.vector_load %arg9[%get3A_189] {strides = array<i32>} : memref<2048xf32, #tpu.memory_space<vmem>>, vector<16xf32>,
      %swap3A_191 = arith.constant 736 : index
      %swap3A_192 = tpu.vector_load %arg10[%swap3A_191] {strides = array<i32>} : memref<2560xf32, #tpu.memory_space<vmem>>, vector<16xf32>,
      tpu.vector_store %arg10[%swap3A_191], %get3A_190 {strides = array<i32>} : memref<2560xf32, #tpu.memory_space<vmem>>, vector<16xf32>,
      %get3A_193 = arith.constant 608 : index
      %get3A_194 = tpu.vector_load %arg9[%get3A_193] {strides = array<i32>} : memref<2048xf32, #tpu.memory_space<vmem>>, vector<16xf32>,
      %swap3A_195 = arith.constant 760 : index
      %swap3A_196 = tpu.vector_load %arg10[%swap3A_195] {strides = array<i32>} : memref<2560xf32, #tpu.memory_space<vmem>>, vector<16xf32>,
      tpu.vector_store %arg10[%swap3A_195], %get3A_194 {strides = array<i32>} : memref<2560xf32, #tpu.memory_space<vmem>>, vector<16xf32>,
      %get3A_197 = arith.constant 624 : index
      %get3A_198 = tpu.vector_load %arg9[%get3A_197] {strides = array<i32>} : memref<2048xf32, #tpu.memory_space<vmem>>, vector<16xf32>,
      %swap3A_199 = arith.constant 776 : index
      %swap3A_200 = tpu.vector_load %arg10[%swap3A_199] {strides = array<i32>} : memref<2560xf32, #tpu.memory_space<vmem>>, vector<16xf32>,
      tpu.vector_store %arg10[%swap3A_199], %get3A_198 {strides = array<i32>} : memref<2560xf32, #tpu.memory_space<vmem>>, vector<16xf32>,
      %get3A_201 = arith.constant 640 : index
      %get3A_202 = tpu.vector_load %arg9[%get3A_201] {strides = array<i32>} : memref<2048xf32, #tpu.memory_space<vmem>>, vector<16xf32>,
      %swap3A_203 = arith.constant 800 : index
      %swap3A_204 = tpu.vector_load %arg10[%swap3A_203] {strides = array<i32>} : memref<2560xf32, #tpu.memory_space<vmem>>, vector<16xf32>,
      tpu.vector_store %arg10[%swap3A_203], %get3A_202 {strides = array<i32>} : memref<2560xf32, #tpu.memory_space<vmem>>, vector<16xf32>,
      %get3A_205 = arith.constant 656 : index
      %get3A_206 = tpu.vector_load %arg9[%get3A_205] {strides = array<i32>} : memref<2048xf32, #tpu.memory_space<vmem>>, vector<16xf32>,
      %swap3A_207 = arith.constant 816 : index
      %swap3A_208 = tpu.vector_load %arg10[%swap3A_207] {strides = array<i32>} : memref<2560xf32, #tpu.memory_space<vmem>>, vector<16xf32>,
      tpu.vector_store %arg10[%swap3A_207], %get3A_206 {strides = array<i32>} : memref<2560xf32, #tpu.memory_space<vmem>>, vector<16xf32>,
      %get3A_209 = arith.constant 672 : index
      %get3A_210 = tpu.vector_load %arg9[%get3A_209] {strides = array<i32>} : memref<2048xf32, #tpu.memory_space<vmem>>, vector<16xf32>,
      %swap3A_211 = arith.constant 840 : index
      %swap3A_212 = tpu.vector_load %arg10[%swap3A_211] {strides = array<i32>} : memref<2560xf32, #tpu.memory_space<vmem>>, vector<16xf32>,
      tpu.vector_store %arg10[%swap3A_211], %get3A_210 {strides = array<i32>} : memref<2560xf32, #tpu.memory_space<vmem>>, vector<16xf32>,
      %get3A_213 = arith.constant 688 : index
      %get3A_214 = tpu.vector_load %arg9[%get3A_213] {strides = array<i32>} : memref<2048xf32, #tpu.memory_space<vmem>>, vector<16xf32>,
      %swap3A_215 = arith.constant 856 : index
      %swap3A_216 = tpu.vector_load %arg10[%swap3A_215] {strides = array<i32>} : memref<2560xf32, #tpu.memory_space<vmem>>, vector<16xf32>,
      tpu.vector_store %arg10[%swap3A_215], %get3A_214 {strides = array<i32>} : memref<2560xf32, #tpu.memory_space<vmem>>, vector<16xf32>,
      %get3A_217 = arith.constant 704 : index
      %get3A_218 = tpu.vector_load %arg9[%get3A_217] {strides = array<i32>} : memref<2048xf32, #tpu.memory_space<vmem>>, vector<16xf32>,
      %swap3A_219 = arith.constant 880 : index
      %swap3A_220 = tpu.vector_load %arg10[%swap3A_219] {strides = array<i32>} : memref<2560xf32, #tpu.memory_space<vmem>>, vector<16xf32>,
      tpu.vector_store %arg10[%swap3A_219], %get3A_218 {strides = array<i32>} : memref<2560xf32, #tpu.memory_space<vmem>>, vector<16xf32>,
      %get3A_221 = arith.constant 720 : index
      %get3A_222 = tpu.vector_load %arg9[%get3A_221] {strides = array<i32>} : memref<2048xf32, #tpu.memory_space<vmem>>, vector<16xf32>,
      %swap3A_223 = arith.constant 896 : index
      %swap3A_224 = tpu.vector_load %arg10[%swap3A_223] {strides = array<i32>} : memref<2560xf32, #tpu.memory_space<vmem>>, vector<16xf32>,
      tpu.vector_store %arg10[%swap3A_223], %get3A_222 {strides = array<i32>} : memref<2560xf32, #tpu.memory_space<vmem>>, vector<16xf32>,
      %get3A_225 = arith.constant 736 : index
      %get3A_226 = tpu.vector_load %arg9[%get3A_225] {strides = array<i32>} : memref<2048xf32, #tpu.memory_space<vmem>>, vector<16xf32>,
      %swap3A_227 = arith.constant 920 : index
      %swap3A_228 = tpu.vector_load %arg10[%swap3A_227] {strides = array<i32>} : memref<2560xf32, #tpu.memory_space<vmem>>, vector<16xf32>,
      tpu.vector_store %arg10[%swap3A_227], %get3A_226 {strides = array<i32>} : memref<2560xf32, #tpu.memory_space<vmem>>, vector<16xf32>,
      %get3A_229 = arith.constant 752 : index
      %get3A_230 = tpu.vector_load %arg9[%get3A_229] {strides = array<i32>} : memref<2048xf32, #tpu.memory_space<vmem>>, vector<16xf32>,
      %swap3A_231 = arith.constant 936 : index
      %swap3A_232 = tpu.vector_load %arg10[%swap3A_231] {strides = array<i32>} : memref<2560xf32, #tpu.memory_space<vmem>>, vector<16xf32>,
      tpu.vector_store %arg10[%swap3A_231], %get3A_230 {strides = array<i32>} : memref<2560xf32, #tpu.memory_space<vmem>>, vector<16xf32>,
      %get3A_233 = arith.constant 768 : index
      %get3A_234 = tpu.vector_load %arg9[%get3A_233] {strides = array<i32>} : memref<2048xf32, #tpu.memory_space<vmem>>, vector<16xf32>,
      %swap3A_235 = arith.constant 960 : index
      %swap3A_236 = tpu.vector_load %arg10[%swap3A_235] {strides = array<i32>} : memref<2560xf32, #tpu.memory_space<vmem>>, vector<16xf32>,
      tpu.vector_store %arg10[%swap3A_235], %get3A_234 {strides = array<i32>} : memref<2560xf32, #tpu.memory_space<vmem>>, vector<16xf32>,
      %get3A_237 = arith.constant 784 : index
      %get3A_238 = tpu.vector_load %arg9[%get3A_237] {strides = array<i32>} : memref<2048xf32, #tpu.memory_space<vmem>>, vector<16xf32>,
      %swap3A_239 = arith.constant 976 : index
      %swap3A_240 = tpu.vector_load %arg10[%swap3A_239] {strides = array<i32>} : memref<2560xf32, #tpu.memory_space<vmem>>, vector<16xf32>,
      tpu.vector_store %arg10[%swap3A_239], %get3A_238 {strides = array<i32>} : memref<2560xf32, #tpu.memory_space<vmem>>, vector<16xf32>,
      %get3A_241 = arith.constant 800 : index
      %get3A_242 = tpu.vector_load %arg9[%get3A_241] {strides = array<i32>} : memref<2048xf32, #tpu.memory_space<vmem>>, vector<16xf32>,
      %swap3A_243 = arith.constant 1000 : index
      %swap3A_244 = tpu.vector_load %arg10[%swap3A_243] {strides = array<i32>} : memref<2560xf32, #tpu.memory_space<vmem>>, vector<16xf32>,
      tpu.vector_store %arg10[%swap3A_243], %get3A_242 {strides = array<i32>} : memref<2560xf32, #tpu.memory_space<vmem>>, vector<16xf32>,
      %get3A_245 = arith.constant 816 : index
      %get3A_246 = tpu.vector_load %arg9[%get3A_245] {strides = array<i32>} : memref<2048xf32, #tpu.memory_space<vmem>>, vector<16xf32>,
      %swap3A_247 = arith.constant 1016 : index
      %swap3A_248 = tpu.vector_load %arg10[%swap3A_247] {strides = array<i32>} : memref<2560xf32, #tpu.memory_space<vmem>>, vector<16xf32>,
      tpu.vector_store %arg10[%swap3A_247], %get3A_246 {strides = array<i32>} : memref<2560xf32, #tpu.memory_space<vmem>>, vector<16xf32>,
      %get3A_249 = arith.constant 832 : index
      %get3A_250 = tpu.vector_load %arg9[%get3A_249] {strides = array<i32>} : memref<2048xf32, #tpu.memory_space<vmem>>, vector<16xf32>,
      %swap3A_251 = arith.constant 1040 : index
      %swap3A_252 = tpu.vector_load %arg10[%swap3A_251] {strides = array<i32>} : memref<2560xf32, #tpu.memory_space<vmem>>, vector<16xf32>,
      tpu.vector_store %arg10[%swap3A_251], %get3A_250 {strides = array<i32>} : memref<2560xf32, #tpu.memory_space<vmem>>, vector<16xf32>,
      %get3A_253 = arith.constant 848 : index
      %get3A_254 = tpu.vector_load %arg9[%get3A_253] {strides = array<i32>} : memref<2048xf32, #tpu.memory_space<vmem>>, vector<16xf32>,
      %swap3A_255 = arith.constant 1056 : index
      %swap3A_256 = tpu.vector_load %arg10[%swap3A_255] {strides = array<i32>} : memref<2560xf32, #tpu.memory_space<vmem>>, vector<16xf32>,
      tpu.vector_store %arg10[%swap3A_255], %get3A_254 {strides = array<i32>} : memref<2560xf32, #tpu.memory_space<vmem>>, vector<16xf32>,
      %get3A_257 = arith.constant 864 : index
      %get3A_258 = tpu.vector_load %arg9[%get3A_257] {strides = array<i32>} : memref<2048xf32, #tpu.memory_space<vmem>>, vector<16xf32>,
      %swap3A_259 = arith.constant 1080 : index
      %swap3A_260 = tpu.vector_load %arg10[%swap3A_259] {strides = array<i32>} : memref<2560xf32, #tpu.memory_space<vmem>>, vector<16xf32>,
      tpu.vector_store %arg10[%swap3A_259], %get3A_258 {strides = array<i32>} : memref<2560xf32, #tpu.memory_space<vmem>>, vector<16xf32>,
      %get3A_261 = arith.constant 880 : index
      %get3A_262 = tpu.vector_load %arg9[%get3A_261] {strides = array<i32>} : memref<2048xf32, #tpu.memory_space<vmem>>, vector<16xf32>,
      %swap3A_263 = arith.constant 1096 : index
      %swap3A_264 = tpu.vector_load %arg10[%swap3A_263] {strides = array<i32>} : memref<2560xf32, #tpu.memory_space<vmem>>, vector<16xf32>,
      tpu.vector_store %arg10[%swap3A_263], %get3A_262 {strides = array<i32>} : memref<2560xf32, #tpu.memory_space<vmem>>, vector<16xf32>,
      %get3A_265 = arith.constant 896 : index
      %get3A_266 = tpu.vector_load %arg9[%get3A_265] {strides = array<i32>} : memref<2048xf32, #tpu.memory_space<vmem>>, vector<16xf32>,
      %swap3A_267 = arith.constant 1120 : index
      %swap3A_268 = tpu.vector_load %arg10[%swap3A_267] {strides = array<i32>} : memref<2560xf32, #tpu.memory_space<vmem>>, vector<16xf32>,
      tpu.vector_store %arg10[%swap3A_267], %get3A_266 {strides = array<i32>} : memref<2560xf32, #tpu.memory_space<vmem>>, vector<16xf32>,
      %get3A_269 = arith.constant 912 : index
      %get3A_270 = tpu.vector_load %arg9[%get3A_269] {strides = array<i32>} : memref<2048xf32, #tpu.memory_space<vmem>>, vector<16xf32>,
      %swap3A_271 = arith.constant 1136 : index
      %swap3A_272 = tpu.vector_load %arg10[%swap3A_271] {strides = array<i32>} : memref<2560xf32, #tpu.memory_space<vmem>>, vector<16xf32>,
      tpu.vector_store %arg10[%swap3A_271], %get3A_270 {strides = array<i32>} : memref<2560xf32, #tpu.memory_space<vmem>>, vector<16xf32>,
      %get3A_273 = arith.constant 928 : index
      %get3A_274 = tpu.vector_load %arg9[%get3A_273] {strides = array<i32>} : memref<2048xf32, #tpu.memory_space<vmem>>, vector<16xf32>,
      %swap3A_275 = arith.constant 1160 : index
      %swap3A_276 = tpu.vector_load %arg10[%swap3A_275] {strides = array<i32>} : memref<2560xf32, #tpu.memory_space<vmem>>, vector<16xf32>,
      tpu.vector_store %arg10[%swap3A_275], %get3A_274 {strides = array<i32>} : memref<2560xf32, #tpu.memory_space<vmem>>, vector<16xf32>,
      %get3A_277 = arith.constant 944 : index
      %get3A_278 = tpu.vector_load %arg9[%get3A_277] {strides = array<i32>} : memref<2048xf32, #tpu.memory_space<vmem>>, vector<16xf32>,
      %swap3A_279 = arith.constant 1176 : index
      %swap3A_280 = tpu.vector_load %arg10[%swap3A_279] {strides = array<i32>} : memref<2560xf32, #tpu.memory_space<vmem>>, vector<16xf32>,
      tpu.vector_store %arg10[%swap3A_279], %get3A_278 {strides = array<i32>} : memref<2560xf32, #tpu.memory_space<vmem>>, vector<16xf32>,
      %get3A_281 = arith.constant 960 : index
      %get3A_282 = tpu.vector_load %arg9[%get3A_281] {strides = array<i32>} : memref<2048xf32, #tpu.memory_space<vmem>>, vector<16xf32>,
      %swap3A_283 = arith.constant 1200 : index
      %swap3A_284 = tpu.vector_load %arg10[%swap3A_283] {strides = array<i32>} : memref<2560xf32, #tpu.memory_space<vmem>>, vector<16xf32>,
      tpu.vector_store %arg10[%swap3A_283], %get3A_282 {strides = array<i32>} : memref<2560xf32, #tpu.memory_space<vmem>>, vector<16xf32>,
      %get3A_285 = arith.constant 976 : index
      %get3A_286 = tpu.vector_load %arg9[%get3A_285] {strides = array<i32>} : memref<2048xf32, #tpu.memory_space<vmem>>, vector<16xf32>,
      %swap3A_287 = arith.constant 1216 : index
      %swap3A_288 = tpu.vector_load %arg10[%swap3A_287] {strides = array<i32>} : memref<2560xf32, #tpu.memory_space<vmem>>, vector<16xf32>,
      tpu.vector_store %arg10[%swap3A_287], %get3A_286 {strides = array<i32>} : memref<2560xf32, #tpu.memory_space<vmem>>, vector<16xf32>,
      %get3A_289 = arith.constant 992 : index
      %get3A_290 = tpu.vector_load %arg9[%get3A_289] {strides = array<i32>} : memref<2048xf32, #tpu.memory_space<vmem>>, vector<16xf32>,
      %swap3A_291 = arith.constant 1240 : index
      %swap3A_292 = tpu.vector_load %arg10[%swap3A_291] {strides = array<i32>} : memref<2560xf32, #tpu.memory_space<vmem>>, vector<16xf32>,
      tpu.vector_store %arg10[%swap3A_291], %get3A_290 {strides = array<i32>} : memref<2560xf32, #tpu.memory_space<vmem>>, vector<16xf32>,
      %get3A_293 = arith.constant 1008 : index
      %get3A_294 = tpu.vector_load %arg9[%get3A_293] {strides = array<i32>} : memref<2048xf32, #tpu.memory_space<vmem>>, vector<16xf32>,
      %swap3A_295 = arith.constant 1256 : index
      %swap3A_296 = tpu.vector_load %arg10[%swap3A_295] {strides = array<i32>} : memref<2560xf32, #tpu.memory_space<vmem>>, vector<16xf32>,
      tpu.vector_store %arg10[%swap3A_295], %get3A_294 {strides = array<i32>} : memref<2560xf32, #tpu.memory_space<vmem>>, vector<16xf32>,
      %get3A_297 = arith.constant 1024 : index
      %get3A_298 = tpu.vector_load %arg9[%get3A_297] {strides = array<i32>} : memref<2048xf32, #tpu.memory_space<vmem>>, vector<16xf32>,
      %swap3A_299 = arith.constant 1280 : index
      %swap3A_300 = tpu.vector_load %arg10[%swap3A_299] {strides = array<i32>} : memref<2560xf32, #tpu.memory_space<vmem>>, vector<16xf32>,
      tpu.vector_store %arg10[%swap3A_299], %get3A_298 {strides = array<i32>} : memref<2560xf32, #tpu.memory_space<vmem>>, vector<16xf32>,
      %get3A_301 = arith.constant 1040 : index
      %get3A_302 = tpu.vector_load %arg9[%get3A_301] {strides = array<i32>} : memref<2048xf32, #tpu.memory_space<vmem>>, vector<16xf32>,
      %swap3A_303 = arith.constant 1296 : index
      %swap3A_304 = tpu.vector_load %arg10[%swap3A_303] {strides = array<i32>} : memref<2560xf32, #tpu.memory_space<vmem>>, vector<16xf32>,
      tpu.vector_store %arg10[%swap3A_303], %get3A_302 {strides = array<i32>} : memref<2560xf32, #tpu.memory_space<vmem>>, vector<16xf32>,
      %get3A_305 = arith.constant 1056 : index
      %get3A_306 = tpu.vector_load %arg9[%get3A_305] {strides = array<i32>} : memref<2048xf32, #tpu.memory_space<vmem>>, vector<16xf32>,
      %swap3A_307 = arith.constant 1320 : index
      %swap3A_308 = tpu.vector_load %arg10[%swap3A_307] {strides = array<i32>} : memref<2560xf32, #tpu.memory_space<vmem>>, vector<16xf32>,
      tpu.vector_store %arg10[%swap3A_307], %get3A_306 {strides = array<i32>} : memref<2560xf32, #tpu.memory_space<vmem>>, vector<16xf32>,
      %get3A_309 = arith.constant 1072 : index
      %get3A_310 = tpu.vector_load %arg9[%get3A_309] {strides = array<i32>} : memref<2048xf32, #tpu.memory_space<vmem>>, vector<16xf32>,
      %swap3A_311 = arith.constant 1336 : index
      %swap3A_312 = tpu.vector_load %arg10[%swap3A_311] {strides = array<i32>} : memref<2560xf32, #tpu.memory_space<vmem>>, vector<16xf32>,
      tpu.vector_store %arg10[%swap3A_311], %get3A_310 {strides = array<i32>} : memref<2560xf32, #tpu.memory_space<vmem>>, vector<16xf32>,
      %get3A_313 = arith.constant 1088 : index
      %get3A_314 = tpu.vector_load %arg9[%get3A_313] {strides = array<i32>} : memref<2048xf32, #tpu.memory_space<vmem>>, vector<16xf32>,
      %swap3A_315 = arith.constant 1360 : index
      %swap3A_316 = tpu.vector_load %arg10[%swap3A_315] {strides = array<i32>} : memref<2560xf32, #tpu.memory_space<vmem>>, vector<16xf32>,
      tpu.vector_store %arg10[%swap3A_315], %get3A_314 {strides = array<i32>} : memref<2560xf32, #tpu.memory_space<vmem>>, vector<16xf32>,
      %get3A_317 = arith.constant 1104 : index
      %get3A_318 = tpu.vector_load %arg9[%get3A_317] {strides = array<i32>} : memref<2048xf32, #tpu.memory_space<vmem>>, vector<16xf32>,
      %swap3A_319 = arith.constant 1376 : index
      %swap3A_320 = tpu.vector_load %arg10[%swap3A_319] {strides = array<i32>} : memref<2560xf32, #tpu.memory_space<vmem>>, vector<16xf32>,
      tpu.vector_store %arg10[%swap3A_319], %get3A_318 {strides = array<i32>} : memref<2560xf32, #tpu.memory_space<vmem>>, vector<16xf32>,
      %get3A_321 = arith.constant 1120 : index
      %get3A_322 = tpu.vector_load %arg9[%get3A_321] {strides = array<i32>} : memref<2048xf32, #tpu.memory_space<vmem>>, vector<16xf32>,
      %swap3A_323 = arith.constant 1400 : index
      %swap3A_324 = tpu.vector_load %arg10[%swap3A_323] {strides = array<i32>} : memref<2560xf32, #tpu.memory_space<vmem>>, vector<16xf32>,
      tpu.vector_store %arg10[%swap3A_323], %get3A_322 {strides = array<i32>} : memref<2560xf32, #tpu.memory_space<vmem>>, vector<16xf32>,
      %get3A_325 = arith.constant 1136 : index
      %get3A_326 = tpu.vector_load %arg9[%get3A_325] {strides = array<i32>} : memref<2048xf32, #tpu.memory_space<vmem>>, vector<16xf32>,
      %swap3A_327 = arith.constant 1416 : index
      %swap3A_328 = tpu.vector_load %arg10[%swap3A_327] {strides = array<i32>} : memref<2560xf32, #tpu.memory_space<vmem>>, vector<16xf32>,
      tpu.vector_store %arg10[%swap3A_327], %get3A_326 {strides = array<i32>} : memref<2560xf32, #tpu.memory_space<vmem>>, vector<16xf32>,
      %get3A_329 = arith.constant 1152 : index
      %get3A_330 = tpu.vector_load %arg9[%get3A_329] {strides = array<i32>} : memref<2048xf32, #tpu.memory_space<vmem>>, vector<16xf32>,
      %swap3A_331 = arith.constant 1440 : index
      %swap3A_332 = tpu.vector_load %arg10[%swap3A_331] {strides = array<i32>} : memref<2560xf32, #tpu.memory_space<vmem>>, vector<16xf32>,
      tpu.vector_store %arg10[%swap3A_331], %get3A_330 {strides = array<i32>} : memref<2560xf32, #tpu.memory_space<vmem>>, vector<16xf32>,
      %get3A_333 = arith.constant 1168 : index
      %get3A_334 = tpu.vector_load %arg9[%get3A_333] {strides = array<i32>} : memref<2048xf32, #tpu.memory_space<vmem>>, vector<16xf32>,
      %swap3A_335 = arith.constant 1456 : index
      %swap3A_336 = tpu.vector_load %arg10[%swap3A_335] {strides = array<i32>} : memref<2560xf32, #tpu.memory_space<vmem>>, vector<16xf32>,
      tpu.vector_store %arg10[%swap3A_335], %get3A_334 {strides = array<i32>} : memref<2560xf32, #tpu.memory_space<vmem>>, vector<16xf32>,
      %get3A_337 = arith.constant 1184 : index
      %get3A_338 = tpu.vector_load %arg9[%get3A_337] {strides = array<i32>} : memref<2048xf32, #tpu.memory_space<vmem>>, vector<16xf32>,
      %swap3A_339 = arith.constant 1480 : index
      %swap3A_340 = tpu.vector_load %arg10[%swap3A_339] {strides = array<i32>} : memref<2560xf32, #tpu.memory_space<vmem>>, vector<16xf32>,
      tpu.vector_store %arg10[%swap3A_339], %get3A_338 {strides = array<i32>} : memref<2560xf32, #tpu.memory_space<vmem>>, vector<16xf32>,
      %get3A_341 = arith.constant 1200 : index
      %get3A_342 = tpu.vector_load %arg9[%get3A_341] {strides = array<i32>} : memref<2048xf32, #tpu.memory_space<vmem>>, vector<16xf32>,
      %swap3A_343 = arith.constant 1496 : index
      %swap3A_344 = tpu.vector_load %arg10[%swap3A_343] {strides = array<i32>} : memref<2560xf32, #tpu.memory_space<vmem>>, vector<16xf32>,
      tpu.vector_store %arg10[%swap3A_343], %get3A_342 {strides = array<i32>} : memref<2560xf32, #tpu.memory_space<vmem>>, vector<16xf32>,
      %get3A_345 = arith.constant 1216 : index
      %get3A_346 = tpu.vector_load %arg9[%get3A_345] {strides = array<i32>} : memref<2048xf32, #tpu.memory_space<vmem>>, vector<16xf32>,
      %swap3A_347 = arith.constant 1520 : index
      %swap3A_348 = tpu.vector_load %arg10[%swap3A_347] {strides = array<i32>} : memref<2560xf32, #tpu.memory_space<vmem>>, vector<16xf32>,
      tpu.vector_store %arg10[%swap3A_347], %get3A_346 {strides = array<i32>} : memref<2560xf32, #tpu.memory_space<vmem>>, vector<16xf32>,
      %get3A_349 = arith.constant 1232 : index
      %get3A_350 = tpu.vector_load %arg9[%get3A_349] {strides = array<i32>} : memref<2048xf32, #tpu.memory_space<vmem>>, vector<16xf32>,
      %swap3A_351 = arith.constant 1536 : index
      %swap3A_352 = tpu.vector_load %arg10[%swap3A_351] {strides = array<i32>} : memref<2560xf32, #tpu.memory_space<vmem>>, vector<16xf32>,
      tpu.vector_store %arg10[%swap3A_351], %get3A_350 {strides = array<i32>} : memref<2560xf32, #tpu.memory_space<vmem>>, vector<16xf32>,
      %get3A_353 = arith.constant 1248 : index
      %get3A_354 = tpu.vector_load %arg9[%get3A_353] {strides = array<i32>} : memref<2048xf32, #tpu.memory_space<vmem>>, vector<16xf32>,
      %swap3A_355 = arith.constant 1560 : index
      %swap3A_356 = tpu.vector_load %arg10[%swap3A_355] {strides = array<i32>} : memref<2560xf32, #tpu.memory_space<vmem>>, vector<16xf32>,
      tpu.vector_store %arg10[%swap3A_355], %get3A_354 {strides = array<i32>} : memref<2560xf32, #tpu.memory_space<vmem>>, vector<16xf32>,
      %get3A_357 = arith.constant 1264 : index
      %get3A_358 = tpu.vector_load %arg9[%get3A_357] {strides = array<i32>} : memref<2048xf32, #tpu.memory_space<vmem>>, vector<16xf32>,
      %swap3A_359 = arith.constant 1576 : index
      %swap3A_360 = tpu.vector_load %arg10[%swap3A_359] {strides = array<i32>} : memref<2560xf32, #tpu.memory_space<vmem>>, vector<16xf32>,
      tpu.vector_store %arg10[%swap3A_359], %get3A_358 {strides = array<i32>} : memref<2560xf32, #tpu.memory_space<vmem>>, vector<16xf32>,
      %get3A_361 = arith.constant 1280 : index
      %get3A_362 = tpu.vector_load %arg9[%get3A_361] {strides = array<i32>} : memref<2048xf32, #tpu.memory_space<vmem>>, vector<16xf32>,
      %swap3A_363 = arith.constant 1600 : index
      %swap3A_364 = tpu.vector_load %arg10[%swap3A_363] {strides = array<i32>} : memref<2560xf32, #tpu.memory_space<vmem>>, vector<16xf32>,
      tpu.vector_store %arg10[%swap3A_363], %get3A_362 {strides = array<i32>} : memref<2560xf32, #tpu.memory_space<vmem>>, vector<16xf32>,
      %get3A_365 = arith.constant 1296 : index
      %get3A_366 = tpu.vector_load %arg9[%get3A_365] {strides = array<i32>} : memref<2048xf32, #tpu.memory_space<vmem>>, vector<16xf32>,
      %swap3A_367 = arith.constant 1616 : index
      %swap3A_368 = tpu.vector_load %arg10[%swap3A_367] {strides = array<i32>} : memref<2560xf32, #tpu.memory_space<vmem>>, vector<16xf32>,
      tpu.vector_store %arg10[%swap3A_367], %get3A_366 {strides = array<i32>} : memref<2560xf32, #tpu.memory_space<vmem>>, vector<16xf32>,
      %get3A_369 = arith.constant 1312 : index
      %get3A_370 = tpu.vector_load %arg9[%get3A_369] {strides = array<i32>} : memref<2048xf32, #tpu.memory_space<vmem>>, vector<16xf32>,
      %swap3A_371 = arith.constant 1640 : index
      %swap3A_372 = tpu.vector_load %arg10[%swap3A_371] {strides = array<i32>} : memref<2560xf32, #tpu.memory_space<vmem>>, vector<16xf32>,
      tpu.vector_store %arg10[%swap3A_371], %get3A_370 {strides = array<i32>} : memref<2560xf32, #tpu.memory_space<vmem>>, vector<16xf32>,
      %get3A_373 = arith.constant 1328 : index
      %get3A_374 = tpu.vector_load %arg9[%get3A_373] {strides = array<i32>} : memref<2048xf32, #tpu.memory_space<vmem>>, vector<16xf32>,
      %swap3A_375 = arith.constant 1656 : index
      %swap3A_376 = tpu.vector_load %arg10[%swap3A_375] {strides = array<i32>} : memref<2560xf32, #tpu.memory_space<vmem>>, vector<16xf32>,
      tpu.vector_store %arg10[%swap3A_375], %get3A_374 {strides = array<i32>} : memref<2560xf32, #tpu.memory_space<vmem>>, vector<16xf32>,
      %get3A_377 = arith.constant 1344 : index
      %get3A_378 = tpu.vector_load %arg9[%get3A_377] {strides = array<i32>} : memref<2048xf32, #tpu.memory_space<vmem>>, vector<16xf32>,
      %swap3A_379 = arith.constant 1680 : index
      %swap3A_380 = tpu.vector_load %arg10[%swap3A_379] {strides = array<i32>} : memref<2560xf32, #tpu.memory_space<vmem>>, vector<16xf32>,
      tpu.vector_store %arg10[%swap3A_379], %get3A_378 {strides = array<i32>} : memref<2560xf32, #tpu.memory_space<vmem>>, vector<16xf32>,
      %get3A_381 = arith.constant 1360 : index
      %get3A_382 = tpu.vector_load %arg9[%get3A_381] {strides = array<i32>} : memref<2048xf32, #tpu.memory_space<vmem>>, vector<16xf32>,
      %swap3A_383 = arith.constant 1696 : index
      %swap3A_384 = tpu.vector_load %arg10[%swap3A_383] {strides = array<i32>} : memref<2560xf32, #tpu.memory_space<vmem>>, vector<16xf32>,
      tpu.vector_store %arg10[%swap3A_383], %get3A_382 {strides = array<i32>} : memref<2560xf32, #tpu.memory_space<vmem>>, vector<16xf32>,
      %get3A_385 = arith.constant 1376 : index
      %get3A_386 = tpu.vector_load %arg9[%get3A_385] {strides = array<i32>} : memref<2048xf32, #tpu.memory_space<vmem>>, vector<16xf32>,
      %swap3A_387 = arith.constant 1720 : index
      %swap3A_388 = tpu.vector_load %arg10[%swap3A_387] {strides = array<i32>} : memref<2560xf32, #tpu.memory_space<vmem>>, vector<16xf32>,
      tpu.vector_store %arg10[%swap3A_387], %get3A_386 {strides = array<i32>} : memref<2560xf32, #tpu.memory_space<vmem>>, vector<16xf32>,
      %get3A_389 = arith.constant 1392 : index
      %get3A_390 = tpu.vector_load %arg9[%get3A_389] {strides = array<i32>} : memref<2048xf32, #tpu.memory_space<vmem>>, vector<16xf32>,
      %swap3A_391 = arith.constant 1736 : index
      %swap3A_392 = tpu.vector_load %arg10[%swap3A_391] {strides = array<i32>} : memref<2560xf32, #tpu.memory_space<vmem>>, vector<16xf32>,
      tpu.vector_store %arg10[%swap3A_391], %get3A_390 {strides = array<i32>} : memref<2560xf32, #tpu.memory_space<vmem>>, vector<16xf32>,
      %get3A_393 = arith.constant 1408 : index
      %get3A_394 = tpu.vector_load %arg9[%get3A_393] {strides = array<i32>} : memref<2048xf32, #tpu.memory_space<vmem>>, vector<16xf32>,
      %swap3A_395 = arith.constant 1760 : index
      %swap3A_396 = tpu.vector_load %arg10[%swap3A_395] {strides = array<i32>} : memref<2560xf32, #tpu.memory_space<vmem>>, vector<16xf32>,
      tpu.vector_store %arg10[%swap3A_395], %get3A_394 {strides = array<i32>} : memref<2560xf32, #tpu.memory_space<vmem>>, vector<16xf32>,
      %get3A_397 = arith.constant 1424 : index
      %get3A_398 = tpu.vector_load %arg9[%get3A_397] {strides = array<i32>} : memref<2048xf32, #tpu.memory_space<vmem>>, vector<16xf32>,
      %swap3A_399 = arith.constant 1776 : index
      %swap3A_400 = tpu.vector_load %arg10[%swap3A_399] {strides = array<i32>} : memref<2560xf32, #tpu.memory_space<vmem>>, vector<16xf32>,
      tpu.vector_store %arg10[%swap3A_399], %get3A_398 {strides = array<i32>} : memref<2560xf32, #tpu.memory_space<vmem>>, vector<16xf32>,
      %get3A_401 = arith.constant 1440 : index
      %get3A_402 = tpu.vector_load %arg9[%get3A_401] {strides = array<i32>} : memref<2048xf32, #tpu.memory_space<vmem>>, vector<16xf32>,
      %swap3A_403 = arith.constant 1800 : index
      %swap3A_404 = tpu.vector_load %arg10[%swap3A_403] {strides = array<i32>} : memref<2560xf32, #tpu.memory_space<vmem>>, vector<16xf32>,
      tpu.vector_store %arg10[%swap3A_403], %get3A_402 {strides = array<i32>} : memref<2560xf32, #tpu.memory_space<vmem>>, vector<16xf32>,
      %get3A_405 = arith.constant 1456 : index
      %get3A_406 = tpu.vector_load %arg9[%get3A_405] {strides = array<i32>} : memref<2048xf32, #tpu.memory_space<vmem>>, vector<16xf32>,
      %swap3A_407 = arith.constant 1816 : index
      %swap3A_408 = tpu.vector_load %arg10[%swap3A_407] {strides = array<i32>} : memref<2560xf32, #tpu.memory_space<vmem>>, vector<16xf32>,
      tpu.vector_store %arg10[%swap3A_407], %get3A_406 {strides = array<i32>} : memref<2560xf32, #tpu.memory_space<vmem>>, vector<16xf32>,
      %get3A_409 = arith.constant 1472 : index
      %get3A_410 = tpu.vector_load %arg9[%get3A_409] {strides = array<i32>} : memref<2048xf32, #tpu.memory_space<vmem>>, vector<16xf32>,
      %swap3A_411 = arith.constant 1840 : index
      %swap3A_412 = tpu.vector_load %arg10[%swap3A_411] {strides = array<i32>} : memref<2560xf32, #tpu.memory_space<vmem>>, vector<16xf32>,
      tpu.vector_store %arg10[%swap3A_411], %get3A_410 {strides = array<i32>} : memref<2560xf32, #tpu.memory_space<vmem>>, vector<16xf32>,
      %get3A_413 = arith.constant 1488 : index
      %get3A_414 = tpu.vector_load %arg9[%get3A_413] {strides = array<i32>} : memref<2048xf32, #tpu.memory_space<vmem>>, vector<16xf32>,
      %swap3A_415 = arith.constant 1856 : index
      %swap3A_416 = tpu.vector_load %arg10[%swap3A_415] {strides = array<i32>} : memref<2560xf32, #tpu.memory_space<vmem>>, vector<16xf32>,
      tpu.vector_store %arg10[%swap3A_415], %get3A_414 {strides = array<i32>} : memref<2560xf32, #tpu.memory_space<vmem>>, vector<16xf32>,
      %get3A_417 = arith.constant 1504 : index
      %get3A_418 = tpu.vector_load %arg9[%get3A_417] {strides = array<i32>} : memref<2048xf32, #tpu.memory_space<vmem>>, vector<16xf32>,
      %swap3A_419 = arith.constant 1880 : index
      %swap3A_420 = tpu.vector_load %arg10[%swap3A_419] {strides = array<i32>} : memref<2560xf32, #tpu.memory_space<vmem>>, vector<16xf32>,
      tpu.vector_store %arg10[%swap3A_419], %get3A_418 {strides = array<i32>} : memref<2560xf32, #tpu.memory_space<vmem>>, vector<16xf32>,
      %get3A_421 = arith.constant 1520 : index
      %get3A_422 = tpu.vector_load %arg9[%get3A_421] {strides = array<i32>} : memref<2048xf32, #tpu.memory_space<vmem>>, vector<16xf32>,
      %swap3A_423 = arith.constant 1896 : index
      %swap3A_424 = tpu.vector_load %arg10[%swap3A_423] {strides = array<i32>} : memref<2560xf32, #tpu.memory_space<vmem>>, vector<16xf32>,
      tpu.vector_store %arg10[%swap3A_423], %get3A_422 {strides = array<i32>} : memref<2560xf32, #tpu.memory_space<vmem>>, vector<16xf32>,
      %get3A_425 = arith.constant 1536 : index
      %get3A_426 = tpu.vector_load %arg9[%get3A_425] {strides = array<i32>} : memref<2048xf32, #tpu.memory_space<vmem>>, vector<16xf32>,
      %swap3A_427 = arith.constant 1920 : index
      %swap3A_428 = tpu.vector_load %arg10[%swap3A_427] {strides = array<i32>} : memref<2560xf32, #tpu.memory_space<vmem>>, vector<16xf32>,
      tpu.vector_store %arg10[%swap3A_427], %get3A_426 {strides = array<i32>} : memref<2560xf32, #tpu.memory_space<vmem>>, vector<16xf32>,
      %get3A_429 = arith.constant 1552 : index
      %get3A_430 = tpu.vector_load %arg9[%get3A_429] {strides = array<i32>} : memref<2048xf32, #tpu.memory_space<vmem>>, vector<16xf32>,
      %swap3A_431 = arith.constant 1936 : index
      %swap3A_432 = tpu.vector_load %arg10[%swap3A_431] {strides = array<i32>} : memref<2560xf32, #tpu.memory_space<vmem>>, vector<16xf32>,
      tpu.vector_store %arg10[%swap3A_431], %get3A_430 {strides = array<i32>} : memref<2560xf32, #tpu.memory_space<vmem>>, vector<16xf32>,
      %get3A_433 = arith.constant 1568 : index
      %get3A_434 = tpu.vector_load %arg9[%get3A_433] {strides = array<i32>} : memref<2048xf32, #tpu.memory_space<vmem>>, vector<16xf32>,
      %swap3A_435 = arith.constant 1960 : index
      %swap3A_436 = tpu.vector_load %arg10[%swap3A_435] {strides = array<i32>} : memref<2560xf32, #tpu.memory_space<vmem>>, vector<16xf32>,
      tpu.vector_store %arg10[%swap3A_435], %get3A_434 {strides = array<i32>} : memref<2560xf32, #tpu.memory_space<vmem>>, vector<16xf32>,
      %get3A_437 = arith.constant 1584 : index
      %get3A_438 = tpu.vector_load %arg9[%get3A_437] {strides = array<i32>} : memref<2048xf32, #tpu.memory_space<vmem>>, vector<16xf32>,
      %swap3A_439 = arith.constant 1976 : index
      %swap3A_440 = tpu.vector_load %arg10[%swap3A_439] {strides = array<i32>} : memref<2560xf32, #tpu.memory_space<vmem>>, vector<16xf32>,
      tpu.vector_store %arg10[%swap3A_439], %get3A_438 {strides = array<i32>} : memref<2560xf32, #tpu.memory_space<vmem>>, vector<16xf32>,
      %get3A_441 = arith.constant 1600 : index
      %get3A_442 = tpu.vector_load %arg9[%get3A_441] {strides = array<i32>} : memref<2048xf32, #tpu.memory_space<vmem>>, vector<16xf32>,
      %swap3A_443 = arith.constant 2000 : index
      %swap3A_444 = tpu.vector_load %arg10[%swap3A_443] {strides = array<i32>} : memref<2560xf32, #tpu.memory_space<vmem>>, vector<16xf32>,
      tpu.vector_store %arg10[%swap3A_443], %get3A_442 {strides = array<i32>} : memref<2560xf32, #tpu.memory_space<vmem>>, vector<16xf32>,
      %get3A_445 = arith.constant 1616 : index
      %get3A_446 = tpu.vector_load %arg9[%get3A_445] {strides = array<i32>} : memref<2048xf32, #tpu.memory_space<vmem>>, vector<16xf32>,
      %swap3A_447 = arith.constant 2016 : index
      %swap3A_448 = tpu.vector_load %arg10[%swap3A_447] {strides = array<i32>} : memref<2560xf32, #tpu.memory_space<vmem>>, vector<16xf32>,
      tpu.vector_store %arg10[%swap3A_447], %get3A_446 {strides = array<i32>} : memref<2560xf32, #tpu.memory_space<vmem>>, vector<16xf32>,
      %get3A_449 = arith.constant 1632 : index
      %get3A_450 = tpu.vector_load %arg9[%get3A_449] {strides = array<i32>} : memref<2048xf32, #tpu.memory_space<vmem>>, vector<16xf32>,
      %swap3A_451 = arith.constant 2040 : index
      %swap3A_452 = tpu.vector_load %arg10[%swap3A_451] {strides = array<i32>} : memref<2560xf32, #tpu.memory_space<vmem>>, vector<16xf32>,
      tpu.vector_store %arg10[%swap3A_451], %get3A_450 {strides = array<i32>} : memref<2560xf32, #tpu.memory_space<vmem>>, vector<16xf32>,
      %get3A_453 = arith.constant 1648 : index
      %get3A_454 = tpu.vector_load %arg9[%get3A_453] {strides = array<i32>} : memref<2048xf32, #tpu.memory_space<vmem>>, vector<16xf32>,
      %swap3A_455 = arith.constant 2056 : index
      %swap3A_456 = tpu.vector_load %arg10[%swap3A_455] {strides = array<i32>} : memref<2560xf32, #tpu.memory_space<vmem>>, vector<16xf32>,
      tpu.vector_store %arg10[%swap3A_455], %get3A_454 {strides = array<i32>} : memref<2560xf32, #tpu.memory_space<vmem>>, vector<16xf32>,
      %get3A_457 = arith.constant 1664 : index
      %get3A_458 = tpu.vector_load %arg9[%get3A_457] {strides = array<i32>} : memref<2048xf32, #tpu.memory_space<vmem>>, vector<16xf32>,
      %swap3A_459 = arith.constant 2080 : index
      %swap3A_460 = tpu.vector_load %arg10[%swap3A_459] {strides = array<i32>} : memref<2560xf32, #tpu.memory_space<vmem>>, vector<16xf32>,
      tpu.vector_store %arg10[%swap3A_459], %get3A_458 {strides = array<i32>} : memref<2560xf32, #tpu.memory_space<vmem>>, vector<16xf32>,
      %get3A_461 = arith.constant 1680 : index
      %get3A_462 = tpu.vector_load %arg9[%get3A_461] {strides = array<i32>} : memref<2048xf32, #tpu.memory_space<vmem>>, vector<16xf32>,
      %swap3A_463 = arith.constant 2096 : index
      %swap3A_464 = tpu.vector_load %arg10[%swap3A_463] {strides = array<i32>} : memref<2560xf32, #tpu.memory_space<vmem>>, vector<16xf32>,
      tpu.vector_store %arg10[%swap3A_463], %get3A_462 {strides = array<i32>} : memref<2560xf32, #tpu.memory_space<vmem>>, vector<16xf32>,
      %get3A_465 = arith.constant 1696 : index
      %get3A_466 = tpu.vector_load %arg9[%get3A_465] {strides = array<i32>} : memref<2048xf32, #tpu.memory_space<vmem>>, vector<16xf32>,
      %swap3A_467 = arith.constant 2120 : index
      %swap3A_468 = tpu.vector_load %arg10[%swap3A_467] {strides = array<i32>} : memref<2560xf32, #tpu.memory_space<vmem>>, vector<16xf32>,
      tpu.vector_store %arg10[%swap3A_467], %get3A_466 {strides = array<i32>} : memref<2560xf32, #tpu.memory_space<vmem>>, vector<16xf32>,
      %get3A_469 = arith.constant 1712 : index
      %get3A_470 = tpu.vector_load %arg9[%get3A_469] {strides = array<i32>} : memref<2048xf32, #tpu.memory_space<vmem>>, vector<16xf32>,
      %swap3A_471 = arith.constant 2136 : index
      %swap3A_472 = tpu.vector_load %arg10[%swap3A_471] {strides = array<i32>} : memref<2560xf32, #tpu.memory_space<vmem>>, vector<16xf32>,
      tpu.vector_store %arg10[%swap3A_471], %get3A_470 {strides = array<i32>} : memref<2560xf32, #tpu.memory_space<vmem>>, vector<16xf32>,
      %get3A_473 = arith.constant 1728 : index
      %get3A_474 = tpu.vector_load %arg9[%get3A_473] {strides = array<i32>} : memref<2048xf32, #tpu.memory_space<vmem>>, vector<16xf32>,
      %swap3A_475 = arith.constant 2160 : index
      %swap3A_476 = tpu.vector_load %arg10[%swap3A_475] {strides = array<i32>} : memref<2560xf32, #tpu.memory_space<vmem>>, vector<16xf32>,
      tpu.vector_store %arg10[%swap3A_475], %get3A_474 {strides = array<i32>} : memref<2560xf32, #tpu.memory_space<vmem>>, vector<16xf32>,
      %get3A_477 = arith.constant 1744 : index
      %get3A_478 = tpu.vector_load %arg9[%get3A_477] {strides = array<i32>} : memref<2048xf32, #tpu.memory_space<vmem>>, vector<16xf32>,
      %swap3A_479 = arith.constant 2176 : index
      %swap3A_480 = tpu.vector_load %arg10[%swap3A_479] {strides = array<i32>} : memref<2560xf32, #tpu.memory_space<vmem>>, vector<16xf32>,
      tpu.vector_store %arg10[%swap3A_479], %get3A_478 {strides = array<i32>} : memref<2560xf32, #tpu.memory_space<vmem>>, vector<16xf32>,
      %get3A_481 = arith.constant 1760 : index
      %get3A_482 = tpu.vector_load %arg9[%get3A_481] {strides = array<i32>} : memref<2048xf32, #tpu.memory_space<vmem>>, vector<16xf32>,
      %swap3A_483 = arith.constant 2200 : index
      %swap3A_484 = tpu.vector_load %arg10[%swap3A_483] {strides = array<i32>} : memref<2560xf32, #tpu.memory_space<vmem>>, vector<16xf32>,
      tpu.vector_store %arg10[%swap3A_483], %get3A_482 {strides = array<i32>} : memref<2560xf32, #tpu.memory_space<vmem>>, vector<16xf32>,
      %get3A_485 = arith.constant 1776 : index
      %get3A_486 = tpu.vector_load %arg9[%get3A_485] {strides = array<i32>} : memref<2048xf32, #tpu.memory_space<vmem>>, vector<16xf32>,
      %swap3A_487 = arith.constant 2216 : index
      %swap3A_488 = tpu.vector_load %arg10[%swap3A_487] {strides = array<i32>} : memref<2560xf32, #tpu.memory_space<vmem>>, vector<16xf32>,
      tpu.vector_store %arg10[%swap3A_487], %get3A_486 {strides = array<i32>} : memref<2560xf32, #tpu.memory_space<vmem>>, vector<16xf32>,
      %get3A_489 = arith.constant 1792 : index
      %get3A_490 = tpu.vector_load %arg9[%get3A_489] {strides = array<i32>} : memref<2048xf32, #tpu.memory_space<vmem>>, vector<16xf32>,
      %swap3A_491 = arith.constant 2240 : index
      %swap3A_492 = tpu.vector_load %arg10[%swap3A_491] {strides = array<i32>} : memref<2560xf32, #tpu.memory_space<vmem>>, vector<16xf32>,
      tpu.vector_store %arg10[%swap3A_491], %get3A_490 {strides = array<i32>} : memref<2560xf32, #tpu.memory_space<vmem>>, vector<16xf32>,
      %get3A_493 = arith.constant 1808 : index
      %get3A_494 = tpu.vector_load %arg9[%get3A_493] {strides = array<i32>} : memref<2048xf32, #tpu.memory_space<vmem>>, vector<16xf32>,
      %swap3A_495 = arith.constant 2256 : index
      %swap3A_496 = tpu.vector_load %arg10[%swap3A_495] {strides = array<i32>} : memref<2560xf32, #tpu.memory_space<vmem>>, vector<16xf32>,
      tpu.vector_store %arg10[%swap3A_495], %get3A_494 {strides = array<i32>} : memref<2560xf32, #tpu.memory_space<vmem>>, vector<16xf32>,
      %get3A_497 = arith.constant 1824 : index
      %get3A_498 = tpu.vector_load %arg9[%get3A_497] {strides = array<i32>} : memref<2048xf32, #tpu.memory_space<vmem>>, vector<16xf32>,
      %swap3A_499 = arith.constant 2280 : index
      %swap3A_500 = tpu.vector_load %arg10[%swap3A_499] {strides = array<i32>} : memref<2560xf32, #tpu.memory_space<vmem>>, vector<16xf32>,
      tpu.vector_store %arg10[%swap3A_499], %get3A_498 {strides = array<i32>} : memref<2560xf32, #tpu.memory_space<vmem>>, vector<16xf32>,
      %get3A_501 = arith.constant 1840 : index
      %get3A_502 = tpu.vector_load %arg9[%get3A_501] {strides = array<i32>} : memref<2048xf32, #tpu.memory_space<vmem>>, vector<16xf32>,
      %swap3A_503 = arith.constant 2296 : index
      %swap3A_504 = tpu.vector_load %arg10[%swap3A_503] {strides = array<i32>} : memref<2560xf32, #tpu.memory_space<vmem>>, vector<16xf32>,
      tpu.vector_store %arg10[%swap3A_503], %get3A_502 {strides = array<i32>} : memref<2560xf32, #tpu.memory_space<vmem>>, vector<16xf32>,
      %get3A_505 = arith.constant 1856 : index
      %get3A_506 = tpu.vector_load %arg9[%get3A_505] {strides = array<i32>} : memref<2048xf32, #tpu.memory_space<vmem>>, vector<16xf32>,
      %swap3A_507 = arith.constant 2320 : index
      %swap3A_508 = tpu.vector_load %arg10[%swap3A_507] {strides = array<i32>} : memref<2560xf32, #tpu.memory_space<vmem>>, vector<16xf32>,
      tpu.vector_store %arg10[%swap3A_507], %get3A_506 {strides = array<i32>} : memref<2560xf32, #tpu.memory_space<vmem>>, vector<16xf32>,
      %get3A_509 = arith.constant 1872 : index
      %get3A_510 = tpu.vector_load %arg9[%get3A_509] {strides = array<i32>} : memref<2048xf32, #tpu.memory_space<vmem>>, vector<16xf32>,
      %swap3A_511 = arith.constant 2336 : index
      %swap3A_512 = tpu.vector_load %arg10[%swap3A_511] {strides = array<i32>} : memref<2560xf32, #tpu.memory_space<vmem>>, vector<16xf32>,
      tpu.vector_store %arg10[%swap3A_511], %get3A_510 {strides = array<i32>} : memref<2560xf32, #tpu.memory_space<vmem>>, vector<16xf32>,
      %get3A_513 = arith.constant 1888 : index
      %get3A_514 = tpu.vector_load %arg9[%get3A_513] {strides = array<i32>} : memref<2048xf32, #tpu.memory_space<vmem>>, vector<16xf32>,
      %swap3A_515 = arith.constant 2360 : index
      %swap3A_516 = tpu.vector_load %arg10[%swap3A_515] {strides = array<i32>} : memref<2560xf32, #tpu.memory_space<vmem>>, vector<16xf32>,
      tpu.vector_store %arg10[%swap3A_515], %get3A_514 {strides = array<i32>} : memref<2560xf32, #tpu.memory_space<vmem>>, vector<16xf32>,
      %get3A_517 = arith.constant 1904 : index
      %get3A_518 = tpu.vector_load %arg9[%get3A_517] {strides = array<i32>} : memref<2048xf32, #tpu.memory_space<vmem>>, vector<16xf32>,
      %swap3A_519 = arith.constant 2376 : index
      %swap3A_520 = tpu.vector_load %arg10[%swap3A_519] {strides = array<i32>} : memref<2560xf32, #tpu.memory_space<vmem>>, vector<16xf32>,
      tpu.vector_store %arg10[%swap3A_519], %get3A_518 {strides = array<i32>} : memref<2560xf32, #tpu.memory_space<vmem>>, vector<16xf32>,
      %get3A_521 = arith.constant 1920 : index
      %get3A_522 = tpu.vector_load %arg9[%get3A_521] {strides = array<i32>} : memref<2048xf32, #tpu.memory_space<vmem>>, vector<16xf32>,
      %swap3A_523 = arith.constant 2400 : index
      %swap3A_524 = tpu.vector_load %arg10[%swap3A_523] {strides = array<i32>} : memref<2560xf32, #tpu.memory_space<vmem>>, vector<16xf32>,
      tpu.vector_store %arg10[%swap3A_523], %get3A_522 {strides = array<i32>} : memref<2560xf32, #tpu.memory_space<vmem>>, vector<16xf32>,
      %get3A_525 = arith.constant 1936 : index
      %get3A_526 = tpu.vector_load %arg9[%get3A_525] {strides = array<i32>} : memref<2048xf32, #tpu.memory_space<vmem>>, vector<16xf32>,
      %swap3A_527 = arith.constant 2416 : index
      %swap3A_528 = tpu.vector_load %arg10[%swap3A_527] {strides = array<i32>} : memref<2560xf32, #tpu.memory_space<vmem>>, vector<16xf32>,
      tpu.vector_store %arg10[%swap3A_527], %get3A_526 {strides = array<i32>} : memref<2560xf32, #tpu.memory_space<vmem>>, vector<16xf32>,
      %get3A_529 = arith.constant 1952 : index
      %get3A_530 = tpu.vector_load %arg9[%get3A_529] {strides = array<i32>} : memref<2048xf32, #tpu.memory_space<vmem>>, vector<16xf32>,
      %swap3A_531 = arith.constant 2440 : index
      %swap3A_532 = tpu.vector_load %arg10[%swap3A_531] {strides = array<i32>} : memref<2560xf32, #tpu.memory_space<vmem>>, vector<16xf32>,
      tpu.vector_store %arg10[%swap3A_531], %get3A_530 {strides = array<i32>} : memref<2560xf32, #tpu.memory_space<vmem>>, vector<16xf32>,
      %get3A_533 = arith.constant 1968 : index
      %get3A_534 = tpu.vector_load %arg9[%get3A_533] {strides = array<i32>} : memref<2048xf32, #tpu.memory_space<vmem>>, vector<16xf32>,
      %swap3A_535 = arith.constant 2456 : index
      %swap3A_536 = tpu.vector_load %arg10[%swap3A_535] {strides = array<i32>} : memref<2560xf32, #tpu.memory_space<vmem>>, vector<16xf32>,
      tpu.vector_store %arg10[%swap3A_535], %get3A_534 {strides = array<i32>} : memref<2560xf32, #tpu.memory_space<vmem>>, vector<16xf32>,
      %get3A_537 = arith.constant 1984 : index
      %get3A_538 = tpu.vector_load %arg9[%get3A_537] {strides = array<i32>} : memref<2048xf32, #tpu.memory_space<vmem>>, vector<16xf32>,
      %swap3A_539 = arith.constant 2480 : index
      %swap3A_540 = tpu.vector_load %arg10[%swap3A_539] {strides = array<i32>} : memref<2560xf32, #tpu.memory_space<vmem>>, vector<16xf32>,
      tpu.vector_store %arg10[%swap3A_539], %get3A_538 {strides = array<i32>} : memref<2560xf32, #tpu.memory_space<vmem>>, vector<16xf32>,
      %get3A_541 = arith.constant 2000 : index
      %get3A_542 = tpu.vector_load %arg9[%get3A_541] {strides = array<i32>} : memref<2048xf32, #tpu.memory_space<vmem>>, vector<16xf32>,
      %swap3A_543 = arith.constant 2496 : index
      %swap3A_544 = tpu.vector_load %arg10[%swap3A_543] {strides = array<i32>} : memref<2560xf32, #tpu.memory_space<vmem>>, vector<16xf32>,
      tpu.vector_store %arg10[%swap3A_543], %get3A_542 {strides = array<i32>} : memref<2560xf32, #tpu.memory_space<vmem>>, vector<16xf32>,
      %get3A_545 = arith.constant 2016 : index
      %get3A_546 = tpu.vector_load %arg9[%get3A_545] {strides = array<i32>} : memref<2048xf32, #tpu.memory_space<vmem>>, vector<16xf32>,
      %swap3A_547 = arith.constant 2520 : index
      %swap3A_548 = tpu.vector_load %arg10[%swap3A_547] {strides = array<i32>} : memref<2560xf32, #tpu.memory_space<vmem>>, vector<16xf32>,
      tpu.vector_store %arg10[%swap3A_547], %get3A_546 {strides = array<i32>} : memref<2560xf32, #tpu.memory_space<vmem>>, vector<16xf32>,
      %get3A_549 = arith.constant 2032 : index
      %get3A_550 = tpu.vector_load %arg9[%get3A_549] {strides = array<i32>} : memref<2048xf32, #tpu.memory_space<vmem>>, vector<16xf32>,
      %swap3A_551 = arith.constant 2536 : index
      %swap3A_552 = tpu.vector_load %arg10[%swap3A_551] {strides = array<i32>} : memref<2560xf32, #tpu.memory_space<vmem>>, vector<16xf32>,
      tpu.vector_store %arg10[%swap3A_551], %get3A_550 {strides = array<i32>} : memref<2560xf32, #tpu.memory_space<vmem>>, vector<16xf32>,
      "tpu.region"() ({
        %run_scoped3A = tpu.sem_alloc : memref<!tpu.dma_semaphore, #tpu.memory_space<semaphore_mem>>
        %dma_start3A_553 = arith.constant 39997440 : i32
        %dma_start3A_554 = tpu.memref_slice %arg4[%dma_start3A_553] : memref<40000000xf32, #tpu.memory_space<hbm>> -> memref<2560xf32, #tpu.memory_space<hbm>>
        %dma_start3A_555 = arith.constant 39997440 : i32
        %dma_start3A_556 = tpu.memref_slice %arg4[%dma_start3A_555] : memref<40000000xf32, #tpu.memory_space<hbm>> -> memref<2560xf32, #tpu.memory_space<hbm>>
        tpu.enqueue_dma source(%arg10 : memref<2560xf32, #tpu.memory_space<vmem>>) target(%dma_start3A_556 : memref<2560xf32, #tpu.memory_space<hbm>>) target_semaphore(%run_scoped3A : memref<!tpu.dma_semaphore, #tpu.memory_space<semaphore_mem>>)
        %dma_wait3A_557 = arith.constant 39997440 : i32
        %dma_wait3A_558 = tpu.memref_slice %arg4[%dma_wait3A_557] : memref<40000000xf32, #tpu.memory_space<hbm>> -> memref<2560xf32, #tpu.memory_space<hbm>>
        %dma_wait3A_559 = arith.constant 39997440 : i32
        %dma_wait3A_560 = tpu.memref_slice %arg4[%dma_wait3A_559] : memref<40000000xf32, #tpu.memory_space<hbm>> -> memref<2560xf32, #tpu.memory_space<hbm>>
        tpu.wait_dma2 semaphore(%run_scoped3A : memref<!tpu.dma_semaphore, #tpu.memory_space<semaphore_mem>>) src(%arg10 : memref<2560xf32, #tpu.memory_space<vmem>>) dst(%dma_wait3A_560 : memref<2560xf32, #tpu.memory_space<hbm>>)
        tpu.yield
      }) : () -> ()
    } else {
    }
    %mul3A_3 = arith.constant 246 : i32
    %mul3A_4 = arith.muli %add3A, %mul3A_3 : i32
    %add3A_5 = arith.constant 0 : i32
    %add3A_6 = arith.addi %mul3A_4, %add3A_5 : i32
    %min3A = arith.constant 7811 : i32
    %min3A_7 = arith.minsi %add3A_6, %min3A : i32
    %mul3A_8 = arith.constant 128 : i32
    %mul3A_9 = arith.muli %min3A_7, %mul3A_8 : i32
    %dma_start3A = arith.constant 0 : i32
    %dma_start3A_10 = arith.constant 0 : i32
    %dma_start3A_11 = tpu.memref_slice %arg5[%dma_start3A, %dma_start3A_10] : memref<32x136xf32, #tpu.memory_space<vmem>> -> memref<32x128xf32, #tpu.memory_space<vmem>>
    %dma_start3A_12 = arith.constant 0 : i32
    %dma_start3A_13 = tpu.memref_slice %arg2[%dma_start3A_12, %mul3A_9] : memref<32x1000000xf32, #tpu.memory_space<hbm>> -> memref<32x128xf32, #tpu.memory_space<hbm>>
    %dma_start3A_14 = arith.constant 0 : i32
    %dma_start3A_15 = arith.constant 0 : i32
    %dma_start3A_16 = tpu.memref_slice %arg5[%dma_start3A_14, %dma_start3A_15] : memref<32x136xf32, #tpu.memory_space<vmem>> -> memref<32x128xf32, #tpu.memory_space<vmem>>
    %dma_start3A_17 = arith.constant 0 : i32
    %dma_start3A_18 = tpu.memref_slice %arg2[%dma_start3A_17, %mul3A_9] : memref<32x1000000xf32, #tpu.memory_space<hbm>> -> memref<32x128xf32, #tpu.memory_space<hbm>>
    tpu.enqueue_dma source(%dma_start3A_18 : memref<32x128xf32, #tpu.memory_space<hbm>>) target(%dma_start3A_16 : memref<32x128xf32, #tpu.memory_space<vmem>>) target_semaphore(%arg11 : memref<!tpu.dma_semaphore, #tpu.memory_space<semaphore_mem>>)
    %scan3A = arith.constant 0 : i32
    %scan3A_19 = arith.constant 0 : i32
    %scan3A_20 = arith.constant 123 : i32
    %scan3A_21 = arith.addi %scan3A_19, %scan3A_20 : i32
    %scan3A_22 = arith.constant 1 : i32
    scf.for %scan3A_43 = %scan3A_19 to %scan3A_21 step %scan3A_22  : i32 {
      %mul3A_44 = arith.constant 2 : i32
      %mul3A_45 = arith.muli %mul3A_44, %scan3A_43 : i32
      %add3A_46 = arith.constant 1 : i32
      %add3A_47 = arith.addi %mul3A_45, %add3A_46 : i32
      %mul3A_48 = arith.constant 246 : i32
      %mul3A_49 = arith.muli %add3A, %mul3A_48 : i32
      %add3A_50 = arith.addi %mul3A_49, %add3A_47 : i32
      %min3A_51 = arith.constant 7811 : i32
      %min3A_52 = arith.minsi %add3A_50, %min3A_51 : i32
      %mul3A_53 = arith.constant 128 : i32
      %mul3A_54 = arith.muli %min3A_52, %mul3A_53 : i32
      %dma_start3A_55 = arith.constant 0 : i32
      %dma_start3A_56 = arith.constant 0 : i32
      %dma_start3A_57 = tpu.memref_slice %arg6[%dma_start3A_55, %dma_start3A_56] : memref<32x136xf32, #tpu.memory_space<vmem>> -> memref<32x128xf32, #tpu.memory_space<vmem>>
      %dma_start3A_58 = arith.constant 0 : i32
      %dma_start3A_59 = tpu.memref_slice %arg2[%dma_start3A_58, %mul3A_54] : memref<32x1000000xf32, #tpu.memory_space<hbm>> -> memref<32x128xf32, #tpu.memory_space<hbm>>
      %dma_start3A_60 = arith.constant 0 : i32
      %dma_start3A_61 = arith.constant 0 : i32
      %dma_start3A_62 = tpu.memref_slice %arg6[%dma_start3A_60, %dma_start3A_61] : memref<32x136xf32, #tpu.memory_space<vmem>> -> memref<32x128xf32, #tpu.memory_space<vmem>>
      %dma_start3A_63 = arith.constant 0 : i32
      %dma_start3A_64 = tpu.memref_slice %arg2[%dma_start3A_63, %mul3A_54] : memref<32x1000000xf32, #tpu.memory_space<hbm>> -> memref<32x128xf32, #tpu.memory_space<hbm>>
      tpu.enqueue_dma source(%dma_start3A_64 : memref<32x128xf32, #tpu.memory_space<hbm>>) target(%dma_start3A_62 : memref<32x128xf32, #tpu.memory_space<vmem>>) target_semaphore(%arg12 : memref<!tpu.dma_semaphore, #tpu.memory_space<semaphore_mem>>)
      %dma_wait3A_65 = arith.constant 0 : i32
      %dma_wait3A_66 = arith.constant 0 : i32
      %dma_wait3A_67 = tpu.memref_slice %arg5[%dma_wait3A_65, %dma_wait3A_66] : memref<32x136xf32, #tpu.memory_space<vmem>> -> memref<32x128xf32, #tpu.memory_space<vmem>>
      %dma_wait3A_68 = arith.constant 0 : i32
      %dma_wait3A_69 = arith.constant 0 : i32
      %dma_wait3A_70 = tpu.memref_slice %arg2[%dma_wait3A_68, %dma_wait3A_69] : memref<32x1000000xf32, #tpu.memory_space<hbm>> -> memref<32x128xf32, #tpu.memory_space<hbm>>
      %dma_wait3A_71 = arith.constant 0 : i32
      %dma_wait3A_72 = arith.constant 0 : i32
      %dma_wait3A_73 = tpu.memref_slice %arg5[%dma_wait3A_71, %dma_wait3A_72] : memref<32x136xf32, #tpu.memory_space<vmem>> -> memref<32x128xf32, #tpu.memory_space<vmem>>
      %dma_wait3A_74 = arith.constant 0 : i32
      %dma_wait3A_75 = arith.constant 0 : i32
      %dma_wait3A_76 = tpu.memref_slice %arg2[%dma_wait3A_74, %dma_wait3A_75] : memref<32x1000000xf32, #tpu.memory_space<hbm>> -> memref<32x128xf32, #tpu.memory_space<hbm>>
      tpu.wait_dma2 semaphore(%arg11 : memref<!tpu.dma_semaphore, #tpu.memory_space<semaphore_mem>>) src(%dma_wait3A_76 : memref<32x128xf32, #tpu.memory_space<hbm>>) dst(%dma_wait3A_73 : memref<32x128xf32, #tpu.memory_space<vmem>>)
      %gt3A = arith.constant 0 : i32
      %gt3A_77 = arith.cmpi sgt, %scan3A_43, %gt3A : i32
      %convert_element_type3A_78 = arith.extui %gt3A_77 : i1 to i32
      %cond3A_79 = arith.constant 0 : i32
      %cond3A_80 = arith.cmpi ne, %convert_element_type3A_78, %cond3A_79 : i32
      scf.if %cond3A_80 {
        %dma_wait3A_150 = arith.constant 0 : i32
        %dma_wait3A_151 = tpu.memref_slice %arg4[%dma_wait3A_150] : memref<40000000xf32, #tpu.memory_space<hbm>> -> memref<5120xf32, #tpu.memory_space<hbm>>
        %dma_wait3A_152 = arith.constant 0 : i32
        %dma_wait3A_153 = tpu.memref_slice %arg4[%dma_wait3A_152] : memref<40000000xf32, #tpu.memory_space<hbm>> -> memref<5120xf32, #tpu.memory_space<hbm>>
        tpu.wait_dma2 semaphore(%arg13 : memref<!tpu.dma_semaphore, #tpu.memory_space<semaphore_mem>>) src(%arg7 : memref<5120xf32, #tpu.memory_space<vmem>>) dst(%dma_wait3A_153 : memref<5120xf32, #tpu.memory_space<hbm>>)
      } else {
      }
      %iota3A = tpu.iota {dimensions = array<i32: 0>} : vector<16xi32>
      %scan3A_81 = arith.constant 0 : i32
      %scan3A_82 = arith.constant 0 : i32
      %scan3A_83 = arith.constant 128 : i32
      %scan3A_84 = arith.addi %scan3A_82, %scan3A_83 : i32
      %scan3A_85 = arith.constant 4 : i32
      scf.for %scan3A_150 = %scan3A_82 to %scan3A_84 step %scan3A_85  : i32 {
        %broadcast_in_dim3A = vector.broadcast %scan3A_150 : i32 to vector<16xi32>
        %add3A_151 = arith.constant 0 : i32
        %add3A_152 = vector.broadcast %add3A_151 : i32 to vector<16xi32>
        %add3A_153 = arith.addi %iota3A, %add3A_152 : vector<16xi32>
        %gather3A = tpu.vector_load_idx %arg5[%add3A_153, %broadcast_in_dim3A] : memref<32x136xf32, #tpu.memory_space<vmem>>[vector<16xi32>, vector<16xi32>], vector<16xf32>,
        %mul3A_154 = arith.constant 40 : i32
        %mul3A_155 = arith.muli %scan3A_150, %mul3A_154 : i32
        %add3A_156 = arith.constant 0 : i32
        %add3A_157 = arith.addi %mul3A_155, %add3A_156 : i32
        %swap3A = arith.index_cast %add3A_157 : i32 to index
        %swap3A_158 = tpu.vector_load %arg7[%swap3A] {strides = array<i32>} : memref<5120xf32, #tpu.memory_space<vmem>>, vector<16xf32>,
        tpu.vector_store %arg7[%swap3A], %gather3A {strides = array<i32>} : memref<5120xf32, #tpu.memory_space<vmem>>, vector<16xf32>,
        %add3A_159 = arith.constant 16 : i32
        %add3A_160 = vector.broadcast %add3A_159 : i32 to vector<16xi32>
        %add3A_161 = arith.addi %iota3A, %add3A_160 : vector<16xi32>
        %gather3A_162 = tpu.vector_load_idx %arg5[%add3A_161, %broadcast_in_dim3A] : memref<32x136xf32, #tpu.memory_space<vmem>>[vector<16xi32>, vector<16xi32>], vector<16xf32>,
        %mul3A_163 = arith.constant 40 : i32
        %mul3A_164 = arith.muli %scan3A_150, %mul3A_163 : i32
        %add3A_165 = arith.constant 16 : i32
        %add3A_166 = arith.addi %mul3A_164, %add3A_165 : i32
        %swap3A_167 = arith.index_cast %add3A_166 : i32 to index
        %swap3A_168 = tpu.vector_load %arg7[%swap3A_167] {strides = array<i32>} : memref<5120xf32, #tpu.memory_space<vmem>>, vector<16xf32>,
        tpu.vector_store %arg7[%swap3A_167], %gather3A_162 {strides = array<i32>} : memref<5120xf32, #tpu.memory_space<vmem>>, vector<16xf32>,
        %scan3A_169 = arith.constant 1 : i32
        %scan3A_170 = arith.addi %scan3A_150, %scan3A_169 : i32
        %broadcast_in_dim3A_171 = vector.broadcast %scan3A_170 : i32 to vector<16xi32>
        %add3A_172 = arith.constant 0 : i32
        %add3A_173 = vector.broadcast %add3A_172 : i32 to vector<16xi32>
        %add3A_174 = arith.addi %iota3A, %add3A_173 : vector<16xi32>
        %gather3A_175 = tpu.vector_load_idx %arg5[%add3A_174, %broadcast_in_dim3A_171] : memref<32x136xf32, #tpu.memory_space<vmem>>[vector<16xi32>, vector<16xi32>], vector<16xf32>,
        %mul3A_176 = arith.constant 40 : i32
        %mul3A_177 = arith.muli %scan3A_170, %mul3A_176 : i32
        %add3A_178 = arith.constant 0 : i32
        %add3A_179 = arith.addi %mul3A_177, %add3A_178 : i32
        %swap3A_180 = arith.index_cast %add3A_179 : i32 to index
        %swap3A_181 = tpu.vector_load %arg7[%swap3A_180] {strides = array<i32>} : memref<5120xf32, #tpu.memory_space<vmem>>, vector<16xf32>,
        tpu.vector_store %arg7[%swap3A_180], %gather3A_175 {strides = array<i32>} : memref<5120xf32, #tpu.memory_space<vmem>>, vector<16xf32>,
        %add3A_182 = arith.constant 16 : i32
        %add3A_183 = vector.broadcast %add3A_182 : i32 to vector<16xi32>
        %add3A_184 = arith.addi %iota3A, %add3A_183 : vector<16xi32>
        %gather3A_185 = tpu.vector_load_idx %arg5[%add3A_184, %broadcast_in_dim3A_171] : memref<32x136xf32, #tpu.memory_space<vmem>>[vector<16xi32>, vector<16xi32>], vector<16xf32>,
        %mul3A_186 = arith.constant 40 : i32
        %mul3A_187 = arith.muli %scan3A_170, %mul3A_186 : i32
        %add3A_188 = arith.constant 16 : i32
        %add3A_189 = arith.addi %mul3A_187, %add3A_188 : i32
        %swap3A_190 = arith.index_cast %add3A_189 : i32 to index
        %swap3A_191 = tpu.vector_load %arg7[%swap3A_190] {strides = array<i32>} : memref<5120xf32, #tpu.memory_space<vmem>>, vector<16xf32>,
        tpu.vector_store %arg7[%swap3A_190], %gather3A_185 {strides = array<i32>} : memref<5120xf32, #tpu.memory_space<vmem>>, vector<16xf32>,
        %scan3A_192 = arith.constant 2 : i32
        %scan3A_193 = arith.addi %scan3A_150, %scan3A_192 : i32
        %broadcast_in_dim3A_194 = vector.broadcast %scan3A_193 : i32 to vector<16xi32>
        %add3A_195 = arith.constant 0 : i32
        %add3A_196 = vector.broadcast %add3A_195 : i32 to vector<16xi32>
        %add3A_197 = arith.addi %iota3A, %add3A_196 : vector<16xi32>
        %gather3A_198 = tpu.vector_load_idx %arg5[%add3A_197, %broadcast_in_dim3A_194] : memref<32x136xf32, #tpu.memory_space<vmem>>[vector<16xi32>, vector<16xi32>], vector<16xf32>,
        %mul3A_199 = arith.constant 40 : i32
        %mul3A_200 = arith.muli %scan3A_193, %mul3A_199 : i32
        %add3A_201 = arith.constant 0 : i32
        %add3A_202 = arith.addi %mul3A_200, %add3A_201 : i32
        %swap3A_203 = arith.index_cast %add3A_202 : i32 to index
        %swap3A_204 = tpu.vector_load %arg7[%swap3A_203] {strides = array<i32>} : memref<5120xf32, #tpu.memory_space<vmem>>, vector<16xf32>,
        tpu.vector_store %arg7[%swap3A_203], %gather3A_198 {strides = array<i32>} : memref<5120xf32, #tpu.memory_space<vmem>>, vector<16xf32>,
        %add3A_205 = arith.constant 16 : i32
        %add3A_206 = vector.broadcast %add3A_205 : i32 to vector<16xi32>
        %add3A_207 = arith.addi %iota3A, %add3A_206 : vector<16xi32>
        %gather3A_208 = tpu.vector_load_idx %arg5[%add3A_207, %broadcast_in_dim3A_194] : memref<32x136xf32, #tpu.memory_space<vmem>>[vector<16xi32>, vector<16xi32>], vector<16xf32>,
        %mul3A_209 = arith.constant 40 : i32
        %mul3A_210 = arith.muli %scan3A_193, %mul3A_209 : i32
        %add3A_211 = arith.constant 16 : i32
        %add3A_212 = arith.addi %mul3A_210, %add3A_211 : i32
        %swap3A_213 = arith.index_cast %add3A_212 : i32 to index
        %swap3A_214 = tpu.vector_load %arg7[%swap3A_213] {strides = array<i32>} : memref<5120xf32, #tpu.memory_space<vmem>>, vector<16xf32>,
        tpu.vector_store %arg7[%swap3A_213], %gather3A_208 {strides = array<i32>} : memref<5120xf32, #tpu.memory_space<vmem>>, vector<16xf32>,
        %scan3A_215 = arith.constant 3 : i32
        %scan3A_216 = arith.addi %scan3A_150, %scan3A_215 : i32
        %broadcast_in_dim3A_217 = vector.broadcast %scan3A_216 : i32 to vector<16xi32>
        %add3A_218 = arith.constant 0 : i32
        %add3A_219 = vector.broadcast %add3A_218 : i32 to vector<16xi32>
        %add3A_220 = arith.addi %iota3A, %add3A_219 : vector<16xi32>
        %gather3A_221 = tpu.vector_load_idx %arg5[%add3A_220, %broadcast_in_dim3A_217] : memref<32x136xf32, #tpu.memory_space<vmem>>[vector<16xi32>, vector<16xi32>], vector<16xf32>,
        %mul3A_222 = arith.constant 40 : i32
        %mul3A_223 = arith.muli %scan3A_216, %mul3A_222 : i32
        %add3A_224 = arith.constant 0 : i32
        %add3A_225 = arith.addi %mul3A_223, %add3A_224 : i32
        %swap3A_226 = arith.index_cast %add3A_225 : i32 to index
        %swap3A_227 = tpu.vector_load %arg7[%swap3A_226] {strides = array<i32>} : memref<5120xf32, #tpu.memory_space<vmem>>, vector<16xf32>,
        tpu.vector_store %arg7[%swap3A_226], %gather3A_221 {strides = array<i32>} : memref<5120xf32, #tpu.memory_space<vmem>>, vector<16xf32>,
        %add3A_228 = arith.constant 16 : i32
        %add3A_229 = vector.broadcast %add3A_228 : i32 to vector<16xi32>
        %add3A_230 = arith.addi %iota3A, %add3A_229 : vector<16xi32>
        %gather3A_231 = tpu.vector_load_idx %arg5[%add3A_230, %broadcast_in_dim3A_217] : memref<32x136xf32, #tpu.memory_space<vmem>>[vector<16xi32>, vector<16xi32>], vector<16xf32>,
        %mul3A_232 = arith.constant 40 : i32
        %mul3A_233 = arith.muli %scan3A_216, %mul3A_232 : i32
        %add3A_234 = arith.constant 16 : i32
        %add3A_235 = arith.addi %mul3A_233, %add3A_234 : i32
        %swap3A_236 = arith.index_cast %add3A_235 : i32 to index
        %swap3A_237 = tpu.vector_load %arg7[%swap3A_236] {strides = array<i32>} : memref<5120xf32, #tpu.memory_space<vmem>>, vector<16xf32>,
        tpu.vector_store %arg7[%swap3A_236], %gather3A_231 {strides = array<i32>} : memref<5120xf32, #tpu.memory_space<vmem>>, vector<16xf32>,
      }
      %scan3A_86 = arith.constant 128 : i32
      %mul3A_87 = arith.constant 246 : i32
      %mul3A_88 = arith.muli %add3A, %mul3A_87 : i32
      %add3A_89 = arith.addi %mul3A_88, %mul3A_45 : i32
      %min3A_90 = arith.constant 7811 : i32
      %min3A_91 = arith.minsi %add3A_89, %min3A_90 : i32
      %mul3A_92 = arith.constant 5120 : i32
      %mul3A_93 = arith.muli %min3A_91, %mul3A_92 : i32
      %dma_start3A_94 = tpu.memref_slice %arg4[%mul3A_93] : memref<40000000xf32, #tpu.memory_space<hbm>> -> memref<5120xf32, #tpu.memory_space<hbm>>
      %dma_start3A_95 = tpu.memref_slice %arg4[%mul3A_93] : memref<40000000xf32, #tpu.memory_space<hbm>> -> memref<5120xf32, #tpu.memory_space<hbm>>
      tpu.enqueue_dma source(%arg7 : memref<5120xf32, #tpu.memory_space<vmem>>) target(%dma_start3A_95 : memref<5120xf32, #tpu.memory_space<hbm>>) target_semaphore(%arg13 : memref<!tpu.dma_semaphore, #tpu.memory_space<semaphore_mem>>)
      %add3A_96 = arith.constant 2 : i32
      %add3A_97 = arith.addi %mul3A_45, %add3A_96 : i32
      %mul3A_98 = arith.constant 246 : i32
      %mul3A_99 = arith.muli %add3A, %mul3A_98 : i32
      %add3A_100 = arith.addi %mul3A_99, %add3A_97 : i32
      %min3A_101 = arith.constant 7811 : i32
      %min3A_102 = arith.minsi %add3A_100, %min3A_101 : i32
      %mul3A_103 = arith.constant 128 : i32
      %mul3A_104 = arith.muli %min3A_102, %mul3A_103 : i32
      %dma_start3A_105 = arith.constant 0 : i32
      %dma_start3A_106 = arith.constant 0 : i32
      %dma_start3A_107 = tpu.memref_slice %arg5[%dma_start3A_105, %dma_start3A_106] : memref<32x136xf32, #tpu.memory_space<vmem>> -> memref<32x128xf32, #tpu.memory_space<vmem>>
      %dma_start3A_108 = arith.constant 0 : i32
      %dma_start3A_109 = tpu.memref_slice %arg2[%dma_start3A_108, %mul3A_104] : memref<32x1000000xf32, #tpu.memory_space<hbm>> -> memref<32x128xf32, #tpu.memory_space<hbm>>
      %dma_start3A_110 = arith.constant 0 : i32
      %dma_start3A_111 = arith.constant 0 : i32
      %dma_start3A_112 = tpu.memref_slice %arg5[%dma_start3A_110, %dma_start3A_111] : memref<32x136xf32, #tpu.memory_space<vmem>> -> memref<32x128xf32, #tpu.memory_space<vmem>>
      %dma_start3A_113 = arith.constant 0 : i32
      %dma_start3A_114 = tpu.memref_slice %arg2[%dma_start3A_113, %mul3A_104] : memref<32x1000000xf32, #tpu.memory_space<hbm>> -> memref<32x128xf32, #tpu.memory_space<hbm>>
      tpu.enqueue_dma source(%dma_start3A_114 : memref<32x128xf32, #tpu.memory_space<hbm>>) target(%dma_start3A_112 : memref<32x128xf32, #tpu.memory_space<vmem>>) target_semaphore(%arg11 : memref<!tpu.dma_semaphore, #tpu.memory_space<semaphore_mem>>)
      %dma_wait3A_115 = arith.constant 0 : i32
      %dma_wait3A_116 = arith.constant 0 : i32
      %dma_wait3A_117 = tpu.memref_slice %arg6[%dma_wait3A_115, %dma_wait3A_116] : memref<32x136xf32, #tpu.memory_space<vmem>> -> memref<32x128xf32, #tpu.memory_space<vmem>>
      %dma_wait3A_118 = arith.constant 0 : i32
      %dma_wait3A_119 = arith.constant 0 : i32
      %dma_wait3A_120 = tpu.memref_slice %arg2[%dma_wait3A_118, %dma_wait3A_119] : memref<32x1000000xf32, #tpu.memory_space<hbm>> -> memref<32x128xf32, #tpu.memory_space<hbm>>
      %dma_wait3A_121 = arith.constant 0 : i32
      %dma_wait3A_122 = arith.constant 0 : i32
      %dma_wait3A_123 = tpu.memref_slice %arg6[%dma_wait3A_121, %dma_wait3A_122] : memref<32x136xf32, #tpu.memory_space<vmem>> -> memref<32x128xf32, #tpu.memory_space<vmem>>
      %dma_wait3A_124 = arith.constant 0 : i32
      %dma_wait3A_125 = arith.constant 0 : i32
      %dma_wait3A_126 = tpu.memref_slice %arg2[%dma_wait3A_124, %dma_wait3A_125] : memref<32x1000000xf32, #tpu.memory_space<hbm>> -> memref<32x128xf32, #tpu.memory_space<hbm>>
      tpu.wait_dma2 semaphore(%arg12 : memref<!tpu.dma_semaphore, #tpu.memory_space<semaphore_mem>>) src(%dma_wait3A_126 : memref<32x128xf32, #tpu.memory_space<hbm>>) dst(%dma_wait3A_123 : memref<32x128xf32, #tpu.memory_space<vmem>>)
      %gt3A_127 = arith.constant 0 : i32
      %gt3A_128 = arith.cmpi sgt, %scan3A_43, %gt3A_127 : i32
      %convert_element_type3A_129 = arith.extui %gt3A_128 : i1 to i32
      %cond3A_130 = arith.constant 0 : i32
      %cond3A_131 = arith.cmpi ne, %convert_element_type3A_129, %cond3A_130 : i32
      scf.if %cond3A_131 {
        %dma_wait3A_150 = arith.constant 0 : i32
        %dma_wait3A_151 = tpu.memref_slice %arg4[%dma_wait3A_150] : memref<40000000xf32, #tpu.memory_space<hbm>> -> memref<5120xf32, #tpu.memory_space<hbm>>
        %dma_wait3A_152 = arith.constant 0 : i32
        %dma_wait3A_153 = tpu.memref_slice %arg4[%dma_wait3A_152] : memref<40000000xf32, #tpu.memory_space<hbm>> -> memref<5120xf32, #tpu.memory_space<hbm>>
        tpu.wait_dma2 semaphore(%arg14 : memref<!tpu.dma_semaphore, #tpu.memory_space<semaphore_mem>>) src(%arg8 : memref<5120xf32, #tpu.memory_space<vmem>>) dst(%dma_wait3A_153 : memref<5120xf32, #tpu.memory_space<hbm>>)
      } else {
      }
      %iota3A_132 = tpu.iota {dimensions = array<i32: 0>} : vector<16xi32>
      %scan3A_133 = arith.constant 0 : i32
      %scan3A_134 = arith.constant 0 : i32
      %scan3A_135 = arith.constant 128 : i32
      %scan3A_136 = arith.addi %scan3A_134, %scan3A_135 : i32
      %scan3A_137 = arith.constant 4 : i32
      scf.for %scan3A_150 = %scan3A_134 to %scan3A_136 step %scan3A_137  : i32 {
        %broadcast_in_dim3A = vector.broadcast %scan3A_150 : i32 to vector<16xi32>
        %add3A_151 = arith.constant 0 : i32
        %add3A_152 = vector.broadcast %add3A_151 : i32 to vector<16xi32>
        %add3A_153 = arith.addi %iota3A_132, %add3A_152 : vector<16xi32>
        %gather3A = tpu.vector_load_idx %arg6[%add3A_153, %broadcast_in_dim3A] : memref<32x136xf32, #tpu.memory_space<vmem>>[vector<16xi32>, vector<16xi32>], vector<16xf32>,
        %mul3A_154 = arith.constant 40 : i32
        %mul3A_155 = arith.muli %scan3A_150, %mul3A_154 : i32
        %add3A_156 = arith.constant 0 : i32
        %add3A_157 = arith.addi %mul3A_155, %add3A_156 : i32
        %swap3A = arith.index_cast %add3A_157 : i32 to index
        %swap3A_158 = tpu.vector_load %arg8[%swap3A] {strides = array<i32>} : memref<5120xf32, #tpu.memory_space<vmem>>, vector<16xf32>,
        tpu.vector_store %arg8[%swap3A], %gather3A {strides = array<i32>} : memref<5120xf32, #tpu.memory_space<vmem>>, vector<16xf32>,
        %add3A_159 = arith.constant 16 : i32
        %add3A_160 = vector.broadcast %add3A_159 : i32 to vector<16xi32>
        %add3A_161 = arith.addi %iota3A_132, %add3A_160 : vector<16xi32>
        %gather3A_162 = tpu.vector_load_idx %arg6[%add3A_161, %broadcast_in_dim3A] : memref<32x136xf32, #tpu.memory_space<vmem>>[vector<16xi32>, vector<16xi32>], vector<16xf32>,
        %mul3A_163 = arith.constant 40 : i32
        %mul3A_164 = arith.muli %scan3A_150, %mul3A_163 : i32
        %add3A_165 = arith.constant 16 : i32
        %add3A_166 = arith.addi %mul3A_164, %add3A_165 : i32
        %swap3A_167 = arith.index_cast %add3A_166 : i32 to index
        %swap3A_168 = tpu.vector_load %arg8[%swap3A_167] {strides = array<i32>} : memref<5120xf32, #tpu.memory_space<vmem>>, vector<16xf32>,
        tpu.vector_store %arg8[%swap3A_167], %gather3A_162 {strides = array<i32>} : memref<5120xf32, #tpu.memory_space<vmem>>, vector<16xf32>,
        %scan3A_169 = arith.constant 1 : i32
        %scan3A_170 = arith.addi %scan3A_150, %scan3A_169 : i32
        %broadcast_in_dim3A_171 = vector.broadcast %scan3A_170 : i32 to vector<16xi32>
        %add3A_172 = arith.constant 0 : i32
        %add3A_173 = vector.broadcast %add3A_172 : i32 to vector<16xi32>
        %add3A_174 = arith.addi %iota3A_132, %add3A_173 : vector<16xi32>
        %gather3A_175 = tpu.vector_load_idx %arg6[%add3A_174, %broadcast_in_dim3A_171] : memref<32x136xf32, #tpu.memory_space<vmem>>[vector<16xi32>, vector<16xi32>], vector<16xf32>,
        %mul3A_176 = arith.constant 40 : i32
        %mul3A_177 = arith.muli %scan3A_170, %mul3A_176 : i32
        %add3A_178 = arith.constant 0 : i32
        %add3A_179 = arith.addi %mul3A_177, %add3A_178 : i32
        %swap3A_180 = arith.index_cast %add3A_179 : i32 to index
        %swap3A_181 = tpu.vector_load %arg8[%swap3A_180] {strides = array<i32>} : memref<5120xf32, #tpu.memory_space<vmem>>, vector<16xf32>,
        tpu.vector_store %arg8[%swap3A_180], %gather3A_175 {strides = array<i32>} : memref<5120xf32, #tpu.memory_space<vmem>>, vector<16xf32>,
        %add3A_182 = arith.constant 16 : i32
        %add3A_183 = vector.broadcast %add3A_182 : i32 to vector<16xi32>
        %add3A_184 = arith.addi %iota3A_132, %add3A_183 : vector<16xi32>
        %gather3A_185 = tpu.vector_load_idx %arg6[%add3A_184, %broadcast_in_dim3A_171] : memref<32x136xf32, #tpu.memory_space<vmem>>[vector<16xi32>, vector<16xi32>], vector<16xf32>,
        %mul3A_186 = arith.constant 40 : i32
        %mul3A_187 = arith.muli %scan3A_170, %mul3A_186 : i32
        %add3A_188 = arith.constant 16 : i32
        %add3A_189 = arith.addi %mul3A_187, %add3A_188 : i32
        %swap3A_190 = arith.index_cast %add3A_189 : i32 to index
        %swap3A_191 = tpu.vector_load %arg8[%swap3A_190] {strides = array<i32>} : memref<5120xf32, #tpu.memory_space<vmem>>, vector<16xf32>,
        tpu.vector_store %arg8[%swap3A_190], %gather3A_185 {strides = array<i32>} : memref<5120xf32, #tpu.memory_space<vmem>>, vector<16xf32>,
        %scan3A_192 = arith.constant 2 : i32
        %scan3A_193 = arith.addi %scan3A_150, %scan3A_192 : i32
        %broadcast_in_dim3A_194 = vector.broadcast %scan3A_193 : i32 to vector<16xi32>
        %add3A_195 = arith.constant 0 : i32
        %add3A_196 = vector.broadcast %add3A_195 : i32 to vector<16xi32>
        %add3A_197 = arith.addi %iota3A_132, %add3A_196 : vector<16xi32>
        %gather3A_198 = tpu.vector_load_idx %arg6[%add3A_197, %broadcast_in_dim3A_194] : memref<32x136xf32, #tpu.memory_space<vmem>>[vector<16xi32>, vector<16xi32>], vector<16xf32>,
        %mul3A_199 = arith.constant 40 : i32
        %mul3A_200 = arith.muli %scan3A_193, %mul3A_199 : i32
        %add3A_201 = arith.constant 0 : i32
        %add3A_202 = arith.addi %mul3A_200, %add3A_201 : i32
        %swap3A_203 = arith.index_cast %add3A_202 : i32 to index
        %swap3A_204 = tpu.vector_load %arg8[%swap3A_203] {strides = array<i32>} : memref<5120xf32, #tpu.memory_space<vmem>>, vector<16xf32>,
        tpu.vector_store %arg8[%swap3A_203], %gather3A_198 {strides = array<i32>} : memref<5120xf32, #tpu.memory_space<vmem>>, vector<16xf32>,
        %add3A_205 = arith.constant 16 : i32
        %add3A_206 = vector.broadcast %add3A_205 : i32 to vector<16xi32>
        %add3A_207 = arith.addi %iota3A_132, %add3A_206 : vector<16xi32>
        %gather3A_208 = tpu.vector_load_idx %arg6[%add3A_207, %broadcast_in_dim3A_194] : memref<32x136xf32, #tpu.memory_space<vmem>>[vector<16xi32>, vector<16xi32>], vector<16xf32>,
        %mul3A_209 = arith.constant 40 : i32
        %mul3A_210 = arith.muli %scan3A_193, %mul3A_209 : i32
        %add3A_211 = arith.constant 16 : i32
        %add3A_212 = arith.addi %mul3A_210, %add3A_211 : i32
        %swap3A_213 = arith.index_cast %add3A_212 : i32 to index
        %swap3A_214 = tpu.vector_load %arg8[%swap3A_213] {strides = array<i32>} : memref<5120xf32, #tpu.memory_space<vmem>>, vector<16xf32>,
        tpu.vector_store %arg8[%swap3A_213], %gather3A_208 {strides = array<i32>} : memref<5120xf32, #tpu.memory_space<vmem>>, vector<16xf32>,
        %scan3A_215 = arith.constant 3 : i32
        %scan3A_216 = arith.addi %scan3A_150, %scan3A_215 : i32
        %broadcast_in_dim3A_217 = vector.broadcast %scan3A_216 : i32 to vector<16xi32>
        %add3A_218 = arith.constant 0 : i32
        %add3A_219 = vector.broadcast %add3A_218 : i32 to vector<16xi32>
        %add3A_220 = arith.addi %iota3A_132, %add3A_219 : vector<16xi32>
        %gather3A_221 = tpu.vector_load_idx %arg6[%add3A_220, %broadcast_in_dim3A_217] : memref<32x136xf32, #tpu.memory_space<vmem>>[vector<16xi32>, vector<16xi32>], vector<16xf32>,
        %mul3A_222 = arith.constant 40 : i32
        %mul3A_223 = arith.muli %scan3A_216, %mul3A_222 : i32
        %add3A_224 = arith.constant 0 : i32
        %add3A_225 = arith.addi %mul3A_223, %add3A_224 : i32
        %swap3A_226 = arith.index_cast %add3A_225 : i32 to index
        %swap3A_227 = tpu.vector_load %arg8[%swap3A_226] {strides = array<i32>} : memref<5120xf32, #tpu.memory_space<vmem>>, vector<16xf32>,
        tpu.vector_store %arg8[%swap3A_226], %gather3A_221 {strides = array<i32>} : memref<5120xf32, #tpu.memory_space<vmem>>, vector<16xf32>,
        %add3A_228 = arith.constant 16 : i32
        %add3A_229 = vector.broadcast %add3A_228 : i32 to vector<16xi32>
        %add3A_230 = arith.addi %iota3A_132, %add3A_229 : vector<16xi32>
        %gather3A_231 = tpu.vector_load_idx %arg6[%add3A_230, %broadcast_in_dim3A_217] : memref<32x136xf32, #tpu.memory_space<vmem>>[vector<16xi32>, vector<16xi32>], vector<16xf32>,
        %mul3A_232 = arith.constant 40 : i32
        %mul3A_233 = arith.muli %scan3A_216, %mul3A_232 : i32
        %add3A_234 = arith.constant 16 : i32
        %add3A_235 = arith.addi %mul3A_233, %add3A_234 : i32
        %swap3A_236 = arith.index_cast %add3A_235 : i32 to index
        %swap3A_237 = tpu.vector_load %arg8[%swap3A_236] {strides = array<i32>} : memref<5120xf32, #tpu.memory_space<vmem>>, vector<16xf32>,
        tpu.vector_store %arg8[%swap3A_236], %gather3A_231 {strides = array<i32>} : memref<5120xf32, #tpu.memory_space<vmem>>, vector<16xf32>,
      }
      %scan3A_138 = arith.constant 128 : i32
      %add3A_139 = arith.constant 1 : i32
      %add3A_140 = arith.addi %mul3A_45, %add3A_139 : i32
      %mul3A_141 = arith.constant 246 : i32
      %mul3A_142 = arith.muli %add3A, %mul3A_141 : i32
      %add3A_143 = arith.addi %mul3A_142, %add3A_140 : i32
      %min3A_144 = arith.constant 7811 : i32
      %min3A_145 = arith.minsi %add3A_143, %min3A_144 : i32
      %mul3A_146 = arith.constant 5120 : i32
      %mul3A_147 = arith.muli %min3A_145, %mul3A_146 : i32
      %dma_start3A_148 = tpu.memref_slice %arg4[%mul3A_147] : memref<40000000xf32, #tpu.memory_space<hbm>> -> memref<5120xf32, #tpu.memory_space<hbm>>
      %dma_start3A_149 = tpu.memref_slice %arg4[%mul3A_147] : memref<40000000xf32, #tpu.memory_space<hbm>> -> memref<5120xf32, #tpu.memory_space<hbm>>
      tpu.enqueue_dma source(%arg8 : memref<5120xf32, #tpu.memory_space<vmem>>) target(%dma_start3A_149 : memref<5120xf32, #tpu.memory_space<hbm>>) target_semaphore(%arg14 : memref<!tpu.dma_semaphore, #tpu.memory_space<semaphore_mem>>)
    }
    %scan3A_23 = arith.constant 123 : i32
    %dma_wait3A = arith.constant 0 : i32
    %dma_wait3A_24 = arith.constant 0 : i32
    %dma_wait3A_25 = tpu.memref_slice %arg5[%dma_wait3A, %dma_wait3A_24] : memref<32x136xf32, #tpu.memory_space<vmem>> -> memref<32x128xf32, #tpu.memory_space<vmem>>
    %dma_wait3A_26 = arith.constant 0 : i32
    %dma_wait3A_27 = arith.constant 0 : i32
    %dma_wait3A_28 = tpu.memref_slice %arg2[%dma_wait3A_26, %dma_wait3A_27] : memref<32x1000000xf32, #tpu.memory_space<hbm>> -> memref<32x128xf32, #tpu.memory_space<hbm>>
    %dma_wait3A_29 = arith.constant 0 : i32
    %dma_wait3A_30 = arith.constant 0 : i32
    %dma_wait3A_31 = tpu.memref_slice %arg5[%dma_wait3A_29, %dma_wait3A_30] : memref<32x136xf32, #tpu.memory_space<vmem>> -> memref<32x128xf32, #tpu.memory_space<vmem>>
    %dma_wait3A_32 = arith.constant 0 : i32
    %dma_wait3A_33 = arith.constant 0 : i32
    %dma_wait3A_34 = tpu.memref_slice %arg2[%dma_wait3A_32, %dma_wait3A_33] : memref<32x1000000xf32, #tpu.memory_space<hbm>> -> memref<32x128xf32, #tpu.memory_space<hbm>>
    tpu.wait_dma2 semaphore(%arg11 : memref<!tpu.dma_semaphore, #tpu.memory_space<semaphore_mem>>) src(%dma_wait3A_34 : memref<32x128xf32, #tpu.memory_space<hbm>>) dst(%dma_wait3A_31 : memref<32x128xf32, #tpu.memory_space<vmem>>)
    %dma_wait3A_35 = arith.constant 0 : i32
    %dma_wait3A_36 = tpu.memref_slice %arg4[%dma_wait3A_35] : memref<40000000xf32, #tpu.memory_space<hbm>> -> memref<5120xf32, #tpu.memory_space<hbm>>
    %dma_wait3A_37 = arith.constant 0 : i32
    %dma_wait3A_38 = tpu.memref_slice %arg4[%dma_wait3A_37] : memref<40000000xf32, #tpu.memory_space<hbm>> -> memref<5120xf32, #tpu.memory_space<hbm>>
    tpu.wait_dma2 semaphore(%arg13 : memref<!tpu.dma_semaphore, #tpu.memory_space<semaphore_mem>>) src(%arg7 : memref<5120xf32, #tpu.memory_space<vmem>>) dst(%dma_wait3A_38 : memref<5120xf32, #tpu.memory_space<hbm>>)
    %dma_wait3A_39 = arith.constant 0 : i32
    %dma_wait3A_40 = tpu.memref_slice %arg4[%dma_wait3A_39] : memref<40000000xf32, #tpu.memory_space<hbm>> -> memref<5120xf32, #tpu.memory_space<hbm>>
    %dma_wait3A_41 = arith.constant 0 : i32
    %dma_wait3A_42 = tpu.memref_slice %arg4[%dma_wait3A_41] : memref<40000000xf32, #tpu.memory_space<hbm>> -> memref<5120xf32, #tpu.memory_space<hbm>>
    tpu.wait_dma2 semaphore(%arg14 : memref<!tpu.dma_semaphore, #tpu.memory_space<semaphore_mem>>) src(%arg8 : memref<5120xf32, #tpu.memory_space<vmem>>) dst(%dma_wait3A_42 : memref<5120xf32, #tpu.memory_space<hbm>>)
    return
  }
}

#map = affine_map<(d0, d1) -> (0)>
#map1 = affine_map<(d0, d1) -> (0, 0)>
module attributes {stable_mosaic.version = 14 : i64} {
  func.func @_emb_kernel(%arg0: i32, %arg1: i32, %arg2: memref<819200xi32, #tpu.memory_space<hbm>>, %arg3: memref<1000000x40xf32, #tpu.memory_space<hbm>>, %arg4: memref<102400xf32, #tpu.memory_space<hbm>>, %arg5: memref<26214400xf32, #tpu.memory_space<hbm>>, %arg6: memref<25600xi32, #tpu.memory_space<vmem>>, %arg7: memref<256x40xf32, #tpu.memory_space<vmem>>, %arg8: memref<256x40xf32, #tpu.memory_space<vmem>>, %arg9: memref<4096xf32, #tpu.memory_space<vmem>>, %arg10: memref<4096xf32, #tpu.memory_space<vmem>>, %arg11: memref<4096xf32, #tpu.memory_space<vmem>>, %arg12: memref<!tpu.dma_semaphore, #tpu.memory_space<semaphore_mem>>, %arg13: memref<!tpu.dma_semaphore, #tpu.memory_space<semaphore_mem>>, %arg14: memref<!tpu.dma_semaphore, #tpu.memory_space<semaphore_mem>>, %arg15: memref<!tpu.dma_semaphore, #tpu.memory_space<semaphore_mem>>) attributes {dimension_semantics = [#tpu.dimension_semantics<core_parallel>, #tpu.dimension_semantics<subcore_parallel>], iteration_bounds = array<i64: 2, 16>, scalar_prefetch = 0 : i64, scratch_operands = 10 : i64, tpu.core_type = #tpu.core_type<sc_vector_subcore>, window_params = [{transform_indices = #map}, {transform_indices = #map1}, {transform_indices = #map}, {transform_indices = #map}]} {
    %mul3A = arith.constant 2 : i32
    %mul3A_0 = arith.muli %arg1, %mul3A : i32
    %add3A = arith.addi %mul3A_0, %arg0 : i32
    %mul3A_1 = arith.constant 200 : i32
    %mul3A_2 = arith.muli %add3A, %mul3A_1 : i32
    %mul3A_3 = arith.constant 128 : i32
    %mul3A_4 = arith.muli %mul3A_2, %mul3A_3 : i32
    "tpu.region"() ({
      %run_scoped3A = tpu.sem_alloc : memref<!tpu.dma_semaphore, #tpu.memory_space<semaphore_mem>>
      %dma_start3A_45 = tpu.memref_slice %arg2[%mul3A_4] : memref<819200xi32, #tpu.memory_space<hbm>> -> memref<25600xi32, #tpu.memory_space<hbm>>
      %dma_start3A_46 = tpu.memref_slice %arg2[%mul3A_4] : memref<819200xi32, #tpu.memory_space<hbm>> -> memref<25600xi32, #tpu.memory_space<hbm>>
      tpu.enqueue_dma source(%dma_start3A_46 : memref<25600xi32, #tpu.memory_space<hbm>>) target(%arg6 : memref<25600xi32, #tpu.memory_space<vmem>>) target_semaphore(%run_scoped3A : memref<!tpu.dma_semaphore, #tpu.memory_space<semaphore_mem>>)
      %dma_wait3A_47 = tpu.memref_slice %arg2[%mul3A_4] : memref<819200xi32, #tpu.memory_space<hbm>> -> memref<25600xi32, #tpu.memory_space<hbm>>
      %dma_wait3A_48 = tpu.memref_slice %arg2[%mul3A_4] : memref<819200xi32, #tpu.memory_space<hbm>> -> memref<25600xi32, #tpu.memory_space<hbm>>
      tpu.wait_dma2 semaphore(%run_scoped3A : memref<!tpu.dma_semaphore, #tpu.memory_space<semaphore_mem>>) src(%dma_wait3A_48 : memref<25600xi32, #tpu.memory_space<hbm>>) dst(%arg6 : memref<25600xi32, #tpu.memory_space<vmem>>)
      tpu.yield
    }) : () -> ()
    %jit3A = arith.constant 32 : i32
    %div3A = arith.divsi %mul3A_2, %jit3A : i32
    %sign3A = arith.constant 0 : i32
    %sign3A_5 = arith.cmpi sgt, %mul3A_2, %sign3A : i32
    %sign3A_6 = arith.extui %sign3A_5 : i1 to i32
    %sign3A_7 = arith.constant 0 : i32
    %sign3A_8 = arith.cmpi slt, %mul3A_2, %sign3A_7 : i32
    %sign3A_9 = arith.extui %sign3A_8 : i1 to i32
    %sign3A_10 = arith.subi %sign3A_6, %sign3A_9 : i32
    %sign3A_11 = arith.constant 0 : i32
    %sign3A_12 = arith.cmpi sgt, %jit3A, %sign3A_11 : i32
    %sign3A_13 = arith.extui %sign3A_12 : i1 to i32
    %sign3A_14 = arith.constant 0 : i32
    %sign3A_15 = arith.cmpi slt, %jit3A, %sign3A_14 : i32
    %sign3A_16 = arith.extui %sign3A_15 : i1 to i32
    %sign3A_17 = arith.subi %sign3A_13, %sign3A_16 : i32
    %ne3A = arith.cmpi ne, %sign3A_10, %sign3A_17 : i32
    %rem3A = arith.remsi %mul3A_2, %jit3A : i32
    %ne3A_18 = arith.constant 0 : i32
    %ne3A_19 = arith.cmpi ne, %rem3A, %ne3A_18 : i32
    %and3A = arith.andi %ne3A, %ne3A_19 : i1
    %sub3A = arith.constant 1 : i32
    %sub3A_20 = arith.subi %div3A, %sub3A : i32
    %select_n3A = arith.select %and3A, %sub3A_20, %div3A : i32
    %min3A = arith.constant 192 : i32
    %min3A_21 = arith.minsi %select_n3A, %min3A : i32
    %mul3A_22 = arith.constant 512 : i32
    %mul3A_23 = arith.muli %min3A_21, %mul3A_22 : i32
    "tpu.region"() ({
      %run_scoped3A = tpu.sem_alloc : memref<!tpu.dma_semaphore, #tpu.memory_space<semaphore_mem>>
      %dma_start3A_45 = tpu.memref_slice %arg4[%mul3A_23] : memref<102400xf32, #tpu.memory_space<hbm>> -> memref<4096xf32, #tpu.memory_space<hbm>>
      %dma_start3A_46 = tpu.memref_slice %arg4[%mul3A_23] : memref<102400xf32, #tpu.memory_space<hbm>> -> memref<4096xf32, #tpu.memory_space<hbm>>
      tpu.enqueue_dma source(%dma_start3A_46 : memref<4096xf32, #tpu.memory_space<hbm>>) target(%arg11 : memref<4096xf32, #tpu.memory_space<vmem>>) target_semaphore(%run_scoped3A : memref<!tpu.dma_semaphore, #tpu.memory_space<semaphore_mem>>)
      %dma_wait3A_47 = tpu.memref_slice %arg4[%mul3A_23] : memref<102400xf32, #tpu.memory_space<hbm>> -> memref<4096xf32, #tpu.memory_space<hbm>>
      %dma_wait3A_48 = tpu.memref_slice %arg4[%mul3A_23] : memref<102400xf32, #tpu.memory_space<hbm>> -> memref<4096xf32, #tpu.memory_space<hbm>>
      tpu.wait_dma2 semaphore(%run_scoped3A : memref<!tpu.dma_semaphore, #tpu.memory_space<semaphore_mem>>) src(%dma_wait3A_48 : memref<4096xf32, #tpu.memory_space<hbm>>) dst(%arg11 : memref<4096xf32, #tpu.memory_space<vmem>>)
      tpu.yield
    }) : () -> ()
    %dma_start3A = arith.constant 0 : i32
    %dma_start3A_24 = tpu.memref_slice %arg6[%dma_start3A] : memref<25600xi32, #tpu.memory_space<vmem>> -> memref<256xi32, #tpu.memory_space<vmem>>
    %dma_start3A_25 = arith.constant 0 : i32
    %dma_start3A_26 = arith.constant 0 : i32
    %dma_start3A_27 = tpu.memref_slice %arg3[%dma_start3A_25, %dma_start3A_26] : memref<1000000x40xf32, #tpu.memory_space<hbm>> -> memref<1000000x40xf32, #tpu.memory_space<hbm>>
    tpu.enqueue_indirect_dma source(%dma_start3A_27 : memref<1000000x40xf32, #tpu.memory_space<hbm>>) target(%arg7 : memref<256x40xf32, #tpu.memory_space<vmem>>) offsets(%dma_start3A_24 : memref<256xi32, #tpu.memory_space<vmem>>) semaphore(%arg12 : memref<!tpu.dma_semaphore, #tpu.memory_space<semaphore_mem>>)
    %dma_wait3A = arith.constant 0 : i32
    %dma_wait3A_28 = tpu.memref_slice %arg6[%dma_wait3A] : memref<25600xi32, #tpu.memory_space<vmem>> -> memref<256xi32, #tpu.memory_space<vmem>>
    %dma_wait3A_29 = arith.constant 0 : i32
    %dma_wait3A_30 = arith.constant 0 : i32
    %dma_wait3A_31 = tpu.memref_slice %arg3[%dma_wait3A_29, %dma_wait3A_30] : memref<1000000x40xf32, #tpu.memory_space<hbm>> -> memref<1000000x40xf32, #tpu.memory_space<hbm>>
    tpu.wait_indirect_dma semaphore(%arg12 : memref<!tpu.dma_semaphore, #tpu.memory_space<semaphore_mem>>) src(%dma_wait3A_31 : memref<1000000x40xf32, #tpu.memory_space<hbm>>) dst(%arg7 : memref<256x40xf32, #tpu.memory_space<vmem>>)
    %scan3A = arith.constant 0 : i32
    %scan3A_32 = arith.constant 0 : i32
    %scan3A_33 = arith.constant 50 : i32
    %scan3A_34 = arith.addi %scan3A_32, %scan3A_33 : i32
    %scan3A_35 = arith.constant 1 : i32
    scf.for %scan3A_45 = %scan3A_32 to %scan3A_34 step %scan3A_35  : i32 {
      %mul3A_46 = arith.constant 4 : i32
      %mul3A_47 = arith.muli %mul3A_46, %scan3A_45 : i32
      %add3A_48 = arith.addi %mul3A_2, %mul3A_47 : i32
      %mul3A_49 = arith.constant 4 : i32
      %mul3A_50 = arith.muli %mul3A_49, %scan3A_45 : i32
      %add3A_51 = arith.constant 2 : i32
      %add3A_52 = arith.addi %mul3A_50, %add3A_51 : i32
      %mul3A_53 = arith.constant 128 : i32
      %mul3A_54 = arith.muli %add3A_52, %mul3A_53 : i32
      %dma_start3A_55 = tpu.memref_slice %arg6[%mul3A_54] : memref<25600xi32, #tpu.memory_space<vmem>> -> memref<256xi32, #tpu.memory_space<vmem>>
      %dma_start3A_56 = arith.constant 0 : i32
      %dma_start3A_57 = arith.constant 0 : i32
      %dma_start3A_58 = tpu.memref_slice %arg3[%dma_start3A_56, %dma_start3A_57] : memref<1000000x40xf32, #tpu.memory_space<hbm>> -> memref<1000000x40xf32, #tpu.memory_space<hbm>>
      tpu.enqueue_indirect_dma source(%dma_start3A_58 : memref<1000000x40xf32, #tpu.memory_space<hbm>>) target(%arg8 : memref<256x40xf32, #tpu.memory_space<vmem>>) offsets(%dma_start3A_55 : memref<256xi32, #tpu.memory_space<vmem>>) semaphore(%arg13 : memref<!tpu.dma_semaphore, #tpu.memory_space<semaphore_mem>>)
      %gt3A = arith.constant 0 : i32
      %gt3A_59 = arith.cmpi sgt, %scan3A_45, %gt3A : i32
      %convert_element_type3A = arith.extui %gt3A_59 : i1 to i32
      %cond3A = arith.constant 0 : i32
      %cond3A_60 = arith.cmpi ne, %convert_element_type3A, %cond3A : i32
      scf.if %cond3A_60 {
        %dma_wait3A_537 = arith.constant 0 : i32
        %dma_wait3A_538 = tpu.memref_slice %arg5[%dma_wait3A_537] : memref<26214400xf32, #tpu.memory_space<hbm>> -> memref<4096xf32, #tpu.memory_space<hbm>>
        %dma_wait3A_539 = arith.constant 0 : i32
        %dma_wait3A_540 = tpu.memref_slice %arg5[%dma_wait3A_539] : memref<26214400xf32, #tpu.memory_space<hbm>> -> memref<4096xf32, #tpu.memory_space<hbm>>
        tpu.wait_dma2 semaphore(%arg14 : memref<!tpu.dma_semaphore, #tpu.memory_space<semaphore_mem>>) src(%arg9 : memref<4096xf32, #tpu.memory_space<vmem>>) dst(%dma_wait3A_540 : memref<4096xf32, #tpu.memory_space<hbm>>)
      } else {
      }
      %jit3A_61 = arith.constant 32 : i32
      %div3A_62 = arith.divsi %add3A_48, %jit3A_61 : i32
      %sign3A_63 = arith.constant 0 : i32
      %sign3A_64 = arith.cmpi sgt, %add3A_48, %sign3A_63 : i32
      %sign3A_65 = arith.extui %sign3A_64 : i1 to i32
      %sign3A_66 = arith.constant 0 : i32
      %sign3A_67 = arith.cmpi slt, %add3A_48, %sign3A_66 : i32
      %sign3A_68 = arith.extui %sign3A_67 : i1 to i32
      %sign3A_69 = arith.subi %sign3A_65, %sign3A_68 : i32
      %sign3A_70 = arith.constant 0 : i32
      %sign3A_71 = arith.cmpi sgt, %jit3A_61, %sign3A_70 : i32
      %sign3A_72 = arith.extui %sign3A_71 : i1 to i32
      %sign3A_73 = arith.constant 0 : i32
      %sign3A_74 = arith.cmpi slt, %jit3A_61, %sign3A_73 : i32
      %sign3A_75 = arith.extui %sign3A_74 : i1 to i32
      %sign3A_76 = arith.subi %sign3A_72, %sign3A_75 : i32
      %ne3A_77 = arith.cmpi ne, %sign3A_69, %sign3A_76 : i32
      %rem3A_78 = arith.remsi %add3A_48, %jit3A_61 : i32
      %ne3A_79 = arith.constant 0 : i32
      %ne3A_80 = arith.cmpi ne, %rem3A_78, %ne3A_79 : i32
      %and3A_81 = arith.andi %ne3A_77, %ne3A_80 : i1
      %sub3A_82 = arith.constant 1 : i32
      %sub3A_83 = arith.subi %div3A_62, %sub3A_82 : i32
      %select_n3A_84 = arith.select %and3A_81, %sub3A_83, %div3A_62 : i32
      %jit3A_85 = arith.constant 32 : i32
      %eq3A = arith.constant 0 : i32
      %eq3A_86 = arith.cmpi eq, %jit3A_85, %eq3A : i32
      %jit3A_87 = arith.constant 1 : i32
      %select_n3A_88 = arith.select %eq3A_86, %jit3A_87, %jit3A_85 : i32
      %rem3A_89 = arith.remsi %add3A_48, %select_n3A_88 : i32
      %ne3A_90 = arith.constant 0 : i32
      %ne3A_91 = arith.cmpi ne, %rem3A_89, %ne3A_90 : i32
      %lt3A = arith.constant 0 : i32
      %lt3A_92 = arith.cmpi slt, %rem3A_89, %lt3A : i32
      %lt3A_93 = arith.constant 0 : i32
      %lt3A_94 = arith.cmpi slt, %select_n3A_88, %lt3A_93 : i32
      %ne3A_95 = arith.xori %lt3A_92, %lt3A_94 : i1
      %and3A_96 = arith.andi %ne3A_95, %ne3A_91 : i1
      %add3A_97 = arith.addi %rem3A_89, %select_n3A_88 : i32
      %select_n3A_98 = arith.select %and3A_96, %add3A_97, %rem3A_89 : i32
      %sub3A_99 = arith.subi %select_n3A_84, %min3A_21 : i32
      %mul3A_100 = arith.constant 512 : i32
      %mul3A_101 = arith.muli %sub3A_99, %mul3A_100 : i32
      %iota3A = tpu.iota {dimensions = array<i32: 0>} : vector<16xi32>
      %scan3A_102 = arith.constant 0 : i32
      %scan3A_103 = arith.constant 0 : i32
      %scan3A_104 = arith.constant 32 : i32
      %scan3A_105 = arith.addi %scan3A_103, %scan3A_104 : i32
      %scan3A_106 = arith.constant 1 : i32
      scf.for %scan3A_537 = %scan3A_103 to %scan3A_105 step %scan3A_106  : i32 {
        %mul3A_538 = arith.constant 16 : i32
        %mul3A_539 = arith.muli %scan3A_537, %mul3A_538 : i32
        %add3A_540 = arith.addi %mul3A_101, %mul3A_539 : i32
        %get3A = arith.index_cast %add3A_540 : i32 to index
        %get3A_541 = tpu.vector_load %arg11[%get3A] {strides = array<i32>} : memref<4096xf32, #tpu.memory_space<vmem>>, vector<16xf32>,
        %broadcast_in_dim3A = vector.broadcast %scan3A_537 : i32 to vector<16xi32>
        %add3A_542 = arith.constant 0 : i32
        %add3A_543 = vector.broadcast %add3A_542 : i32 to vector<16xi32>
        %add3A_544 = arith.addi %add3A_543, %iota3A : vector<16xi32>
        %add3A_545 = arith.constant 0 : i32
        %add3A_546 = vector.broadcast %add3A_545 : i32 to vector<16xi32>
        %add3A_547 = arith.addi %add3A_544, %add3A_546 : vector<16xi32>
        %gather3A = tpu.vector_load_idx %arg7[%add3A_547, %broadcast_in_dim3A] : memref<256x40xf32, #tpu.memory_space<vmem>>[vector<16xi32>, vector<16xi32>], vector<16xf32>,
        %add3A_548 = arith.addf %gather3A, %get3A_541 : vector<16xf32>
        %mul3A_549 = arith.constant 128 : i32
        %mul3A_550 = arith.muli %scan3A_537, %mul3A_549 : i32
        %add3A_551 = arith.constant 0 : i32
        %add3A_552 = arith.addi %mul3A_550, %add3A_551 : i32
        %swap3A = arith.index_cast %add3A_552 : i32 to index
        %swap3A_553 = tpu.vector_load %arg9[%swap3A] {strides = array<i32>} : memref<4096xf32, #tpu.memory_space<vmem>>, vector<16xf32>,
        tpu.vector_store %arg9[%swap3A], %add3A_548 {strides = array<i32>} : memref<4096xf32, #tpu.memory_space<vmem>>, vector<16xf32>,
        %add3A_554 = arith.constant 0 : i32
        %add3A_555 = vector.broadcast %add3A_554 : i32 to vector<16xi32>
        %add3A_556 = arith.addi %add3A_555, %iota3A : vector<16xi32>
        %add3A_557 = arith.constant 16 : i32
        %add3A_558 = vector.broadcast %add3A_557 : i32 to vector<16xi32>
        %add3A_559 = arith.addi %add3A_556, %add3A_558 : vector<16xi32>
        %gather3A_560 = tpu.vector_load_idx %arg7[%add3A_559, %broadcast_in_dim3A] : memref<256x40xf32, #tpu.memory_space<vmem>>[vector<16xi32>, vector<16xi32>], vector<16xf32>,
        %add3A_561 = arith.addf %gather3A_560, %get3A_541 : vector<16xf32>
        %mul3A_562 = arith.constant 128 : i32
        %mul3A_563 = arith.muli %scan3A_537, %mul3A_562 : i32
        %add3A_564 = arith.constant 16 : i32
        %add3A_565 = arith.addi %mul3A_563, %add3A_564 : i32
        %swap3A_566 = arith.index_cast %add3A_565 : i32 to index
        %swap3A_567 = tpu.vector_load %arg9[%swap3A_566] {strides = array<i32>} : memref<4096xf32, #tpu.memory_space<vmem>>, vector<16xf32>,
        tpu.vector_store %arg9[%swap3A_566], %add3A_561 {strides = array<i32>} : memref<4096xf32, #tpu.memory_space<vmem>>, vector<16xf32>,
        %add3A_568 = arith.constant 0 : i32
        %add3A_569 = vector.broadcast %add3A_568 : i32 to vector<16xi32>
        %add3A_570 = arith.addi %add3A_569, %iota3A : vector<16xi32>
        %add3A_571 = arith.constant 32 : i32
        %add3A_572 = vector.broadcast %add3A_571 : i32 to vector<16xi32>
        %add3A_573 = arith.addi %add3A_570, %add3A_572 : vector<16xi32>
        %gather3A_574 = tpu.vector_load_idx %arg7[%add3A_573, %broadcast_in_dim3A] : memref<256x40xf32, #tpu.memory_space<vmem>>[vector<16xi32>, vector<16xi32>], vector<16xf32>,
        %add3A_575 = arith.addf %gather3A_574, %get3A_541 : vector<16xf32>
        %mul3A_576 = arith.constant 128 : i32
        %mul3A_577 = arith.muli %scan3A_537, %mul3A_576 : i32
        %add3A_578 = arith.constant 32 : i32
        %add3A_579 = arith.addi %mul3A_577, %add3A_578 : i32
        %swap3A_580 = arith.index_cast %add3A_579 : i32 to index
        %swap3A_581 = tpu.vector_load %arg9[%swap3A_580] {strides = array<i32>} : memref<4096xf32, #tpu.memory_space<vmem>>, vector<16xf32>,
        tpu.vector_store %arg9[%swap3A_580], %add3A_575 {strides = array<i32>} : memref<4096xf32, #tpu.memory_space<vmem>>, vector<16xf32>,
        %add3A_582 = arith.constant 0 : i32
        %add3A_583 = vector.broadcast %add3A_582 : i32 to vector<16xi32>
        %add3A_584 = arith.addi %add3A_583, %iota3A : vector<16xi32>
        %add3A_585 = arith.constant 48 : i32
        %add3A_586 = vector.broadcast %add3A_585 : i32 to vector<16xi32>
        %add3A_587 = arith.addi %add3A_584, %add3A_586 : vector<16xi32>
        %gather3A_588 = tpu.vector_load_idx %arg7[%add3A_587, %broadcast_in_dim3A] : memref<256x40xf32, #tpu.memory_space<vmem>>[vector<16xi32>, vector<16xi32>], vector<16xf32>,
        %add3A_589 = arith.addf %gather3A_588, %get3A_541 : vector<16xf32>
        %mul3A_590 = arith.constant 128 : i32
        %mul3A_591 = arith.muli %scan3A_537, %mul3A_590 : i32
        %add3A_592 = arith.constant 48 : i32
        %add3A_593 = arith.addi %mul3A_591, %add3A_592 : i32
        %swap3A_594 = arith.index_cast %add3A_593 : i32 to index
        %swap3A_595 = tpu.vector_load %arg9[%swap3A_594] {strides = array<i32>} : memref<4096xf32, #tpu.memory_space<vmem>>, vector<16xf32>,
        tpu.vector_store %arg9[%swap3A_594], %add3A_589 {strides = array<i32>} : memref<4096xf32, #tpu.memory_space<vmem>>, vector<16xf32>,
        %add3A_596 = arith.constant 0 : i32
        %add3A_597 = vector.broadcast %add3A_596 : i32 to vector<16xi32>
        %add3A_598 = arith.addi %add3A_597, %iota3A : vector<16xi32>
        %add3A_599 = arith.constant 64 : i32
        %add3A_600 = vector.broadcast %add3A_599 : i32 to vector<16xi32>
        %add3A_601 = arith.addi %add3A_598, %add3A_600 : vector<16xi32>
        %gather3A_602 = tpu.vector_load_idx %arg7[%add3A_601, %broadcast_in_dim3A] : memref<256x40xf32, #tpu.memory_space<vmem>>[vector<16xi32>, vector<16xi32>], vector<16xf32>,
        %add3A_603 = arith.addf %gather3A_602, %get3A_541 : vector<16xf32>
        %mul3A_604 = arith.constant 128 : i32
        %mul3A_605 = arith.muli %scan3A_537, %mul3A_604 : i32
        %add3A_606 = arith.constant 64 : i32
        %add3A_607 = arith.addi %mul3A_605, %add3A_606 : i32
        %swap3A_608 = arith.index_cast %add3A_607 : i32 to index
        %swap3A_609 = tpu.vector_load %arg9[%swap3A_608] {strides = array<i32>} : memref<4096xf32, #tpu.memory_space<vmem>>, vector<16xf32>,
        tpu.vector_store %arg9[%swap3A_608], %add3A_603 {strides = array<i32>} : memref<4096xf32, #tpu.memory_space<vmem>>, vector<16xf32>,
        %add3A_610 = arith.constant 0 : i32
        %add3A_611 = vector.broadcast %add3A_610 : i32 to vector<16xi32>
        %add3A_612 = arith.addi %add3A_611, %iota3A : vector<16xi32>
        %add3A_613 = arith.constant 80 : i32
        %add3A_614 = vector.broadcast %add3A_613 : i32 to vector<16xi32>
        %add3A_615 = arith.addi %add3A_612, %add3A_614 : vector<16xi32>
        %gather3A_616 = tpu.vector_load_idx %arg7[%add3A_615, %broadcast_in_dim3A] : memref<256x40xf32, #tpu.memory_space<vmem>>[vector<16xi32>, vector<16xi32>], vector<16xf32>,
        %add3A_617 = arith.addf %gather3A_616, %get3A_541 : vector<16xf32>
        %mul3A_618 = arith.constant 128 : i32
        %mul3A_619 = arith.muli %scan3A_537, %mul3A_618 : i32
        %add3A_620 = arith.constant 80 : i32
        %add3A_621 = arith.addi %mul3A_619, %add3A_620 : i32
        %swap3A_622 = arith.index_cast %add3A_621 : i32 to index
        %swap3A_623 = tpu.vector_load %arg9[%swap3A_622] {strides = array<i32>} : memref<4096xf32, #tpu.memory_space<vmem>>, vector<16xf32>,
        tpu.vector_store %arg9[%swap3A_622], %add3A_617 {strides = array<i32>} : memref<4096xf32, #tpu.memory_space<vmem>>, vector<16xf32>,
        %add3A_624 = arith.constant 0 : i32
        %add3A_625 = vector.broadcast %add3A_624 : i32 to vector<16xi32>
        %add3A_626 = arith.addi %add3A_625, %iota3A : vector<16xi32>
        %add3A_627 = arith.constant 96 : i32
        %add3A_628 = vector.broadcast %add3A_627 : i32 to vector<16xi32>
        %add3A_629 = arith.addi %add3A_626, %add3A_628 : vector<16xi32>
        %gather3A_630 = tpu.vector_load_idx %arg7[%add3A_629, %broadcast_in_dim3A] : memref<256x40xf32, #tpu.memory_space<vmem>>[vector<16xi32>, vector<16xi32>], vector<16xf32>,
        %add3A_631 = arith.addf %gather3A_630, %get3A_541 : vector<16xf32>
        %mul3A_632 = arith.constant 128 : i32
        %mul3A_633 = arith.muli %scan3A_537, %mul3A_632 : i32
        %add3A_634 = arith.constant 96 : i32
        %add3A_635 = arith.addi %mul3A_633, %add3A_634 : i32
        %swap3A_636 = arith.index_cast %add3A_635 : i32 to index
        %swap3A_637 = tpu.vector_load %arg9[%swap3A_636] {strides = array<i32>} : memref<4096xf32, #tpu.memory_space<vmem>>, vector<16xf32>,
        tpu.vector_store %arg9[%swap3A_636], %add3A_631 {strides = array<i32>} : memref<4096xf32, #tpu.memory_space<vmem>>, vector<16xf32>,
        %add3A_638 = arith.constant 0 : i32
        %add3A_639 = vector.broadcast %add3A_638 : i32 to vector<16xi32>
        %add3A_640 = arith.addi %add3A_639, %iota3A : vector<16xi32>
        %add3A_641 = arith.constant 112 : i32
        %add3A_642 = vector.broadcast %add3A_641 : i32 to vector<16xi32>
        %add3A_643 = arith.addi %add3A_640, %add3A_642 : vector<16xi32>
        %gather3A_644 = tpu.vector_load_idx %arg7[%add3A_643, %broadcast_in_dim3A] : memref<256x40xf32, #tpu.memory_space<vmem>>[vector<16xi32>, vector<16xi32>], vector<16xf32>,
        %add3A_645 = arith.addf %gather3A_644, %get3A_541 : vector<16xf32>
        %mul3A_646 = arith.constant 128 : i32
        %mul3A_647 = arith.muli %scan3A_537, %mul3A_646 : i32
        %add3A_648 = arith.constant 112 : i32
        %add3A_649 = arith.addi %mul3A_647, %add3A_648 : i32
        %swap3A_650 = arith.index_cast %add3A_649 : i32 to index
        %swap3A_651 = tpu.vector_load %arg9[%swap3A_650] {strides = array<i32>} : memref<4096xf32, #tpu.memory_space<vmem>>, vector<16xf32>,
        tpu.vector_store %arg9[%swap3A_650], %add3A_645 {strides = array<i32>} : memref<4096xf32, #tpu.memory_space<vmem>>, vector<16xf32>,
      }
      %scan3A_107 = arith.constant 32 : i32
      %mul3A_108 = arith.constant 4 : i32
      %mul3A_109 = arith.muli %select_n3A_84, %mul3A_108 : i32
      %add3A_110 = arith.constant 0 : i32
      %add3A_111 = arith.addi %mul3A_109, %add3A_110 : i32
      %mul3A_112 = arith.constant 32768 : i32
      %mul3A_113 = arith.muli %add3A_111, %mul3A_112 : i32
      %mul3A_114 = arith.constant 1024 : i32
      %mul3A_115 = arith.muli %select_n3A_98, %mul3A_114 : i32
      %add3A_116 = arith.addi %mul3A_113, %mul3A_115 : i32
      %dma_start3A_117 = arith.constant 0 : i32
      %dma_start3A_118 = tpu.memref_slice %arg9[%dma_start3A_117] : memref<4096xf32, #tpu.memory_space<vmem>> -> memref<1024xf32, #tpu.memory_space<vmem>>
      %dma_start3A_119 = tpu.memref_slice %arg5[%add3A_116] : memref<26214400xf32, #tpu.memory_space<hbm>> -> memref<1024xf32, #tpu.memory_space<hbm>>
      %dma_start3A_120 = tpu.memref_slice %arg5[%add3A_116] : memref<26214400xf32, #tpu.memory_space<hbm>> -> memref<1024xf32, #tpu.memory_space<hbm>>
      %dma_start3A_121 = arith.constant 0 : i32
      %dma_start3A_122 = tpu.memref_slice %arg9[%dma_start3A_121] : memref<4096xf32, #tpu.memory_space<vmem>> -> memref<1024xf32, #tpu.memory_space<vmem>>
      tpu.enqueue_dma source(%dma_start3A_122 : memref<1024xf32, #tpu.memory_space<vmem>>) target(%dma_start3A_120 : memref<1024xf32, #tpu.memory_space<hbm>>) target_semaphore(%arg14 : memref<!tpu.dma_semaphore, #tpu.memory_space<semaphore_mem>>)
      %mul3A_123 = arith.constant 4 : i32
      %mul3A_124 = arith.muli %select_n3A_84, %mul3A_123 : i32
      %add3A_125 = arith.constant 1 : i32
      %add3A_126 = arith.addi %mul3A_124, %add3A_125 : i32
      %mul3A_127 = arith.constant 32768 : i32
      %mul3A_128 = arith.muli %add3A_126, %mul3A_127 : i32
      %mul3A_129 = arith.constant 1024 : i32
      %mul3A_130 = arith.muli %select_n3A_98, %mul3A_129 : i32
      %add3A_131 = arith.addi %mul3A_128, %mul3A_130 : i32
      %dma_start3A_132 = arith.constant 1024 : i32
      %dma_start3A_133 = tpu.memref_slice %arg9[%dma_start3A_132] : memref<4096xf32, #tpu.memory_space<vmem>> -> memref<1024xf32, #tpu.memory_space<vmem>>
      %dma_start3A_134 = tpu.memref_slice %arg5[%add3A_131] : memref<26214400xf32, #tpu.memory_space<hbm>> -> memref<1024xf32, #tpu.memory_space<hbm>>
      %dma_start3A_135 = tpu.memref_slice %arg5[%add3A_131] : memref<26214400xf32, #tpu.memory_space<hbm>> -> memref<1024xf32, #tpu.memory_space<hbm>>
      %dma_start3A_136 = arith.constant 1024 : i32
      %dma_start3A_137 = tpu.memref_slice %arg9[%dma_start3A_136] : memref<4096xf32, #tpu.memory_space<vmem>> -> memref<1024xf32, #tpu.memory_space<vmem>>
      tpu.enqueue_dma source(%dma_start3A_137 : memref<1024xf32, #tpu.memory_space<vmem>>) target(%dma_start3A_135 : memref<1024xf32, #tpu.memory_space<hbm>>) target_semaphore(%arg14 : memref<!tpu.dma_semaphore, #tpu.memory_space<semaphore_mem>>)
      %mul3A_138 = arith.constant 4 : i32
      %mul3A_139 = arith.muli %select_n3A_84, %mul3A_138 : i32
      %add3A_140 = arith.constant 2 : i32
      %add3A_141 = arith.addi %mul3A_139, %add3A_140 : i32
      %mul3A_142 = arith.constant 32768 : i32
      %mul3A_143 = arith.muli %add3A_141, %mul3A_142 : i32
      %mul3A_144 = arith.constant 1024 : i32
      %mul3A_145 = arith.muli %select_n3A_98, %mul3A_144 : i32
      %add3A_146 = arith.addi %mul3A_143, %mul3A_145 : i32
      %dma_start3A_147 = arith.constant 2048 : i32
      %dma_start3A_148 = tpu.memref_slice %arg9[%dma_start3A_147] : memref<4096xf32, #tpu.memory_space<vmem>> -> memref<1024xf32, #tpu.memory_space<vmem>>
      %dma_start3A_149 = tpu.memref_slice %arg5[%add3A_146] : memref<26214400xf32, #tpu.memory_space<hbm>> -> memref<1024xf32, #tpu.memory_space<hbm>>
      %dma_start3A_150 = tpu.memref_slice %arg5[%add3A_146] : memref<26214400xf32, #tpu.memory_space<hbm>> -> memref<1024xf32, #tpu.memory_space<hbm>>
      %dma_start3A_151 = arith.constant 2048 : i32
      %dma_start3A_152 = tpu.memref_slice %arg9[%dma_start3A_151] : memref<4096xf32, #tpu.memory_space<vmem>> -> memref<1024xf32, #tpu.memory_space<vmem>>
      tpu.enqueue_dma source(%dma_start3A_152 : memref<1024xf32, #tpu.memory_space<vmem>>) target(%dma_start3A_150 : memref<1024xf32, #tpu.memory_space<hbm>>) target_semaphore(%arg14 : memref<!tpu.dma_semaphore, #tpu.memory_space<semaphore_mem>>)
      %mul3A_153 = arith.constant 4 : i32
      %mul3A_154 = arith.muli %select_n3A_84, %mul3A_153 : i32
      %add3A_155 = arith.constant 3 : i32
      %add3A_156 = arith.addi %mul3A_154, %add3A_155 : i32
      %mul3A_157 = arith.constant 32768 : i32
      %mul3A_158 = arith.muli %add3A_156, %mul3A_157 : i32
      %mul3A_159 = arith.constant 1024 : i32
      %mul3A_160 = arith.muli %select_n3A_98, %mul3A_159 : i32
      %add3A_161 = arith.addi %mul3A_158, %mul3A_160 : i32
      %dma_start3A_162 = arith.constant 3072 : i32
      %dma_start3A_163 = tpu.memref_slice %arg9[%dma_start3A_162] : memref<4096xf32, #tpu.memory_space<vmem>> -> memref<1024xf32, #tpu.memory_space<vmem>>
      %dma_start3A_164 = tpu.memref_slice %arg5[%add3A_161] : memref<26214400xf32, #tpu.memory_space<hbm>> -> memref<1024xf32, #tpu.memory_space<hbm>>
      %dma_start3A_165 = tpu.memref_slice %arg5[%add3A_161] : memref<26214400xf32, #tpu.memory_space<hbm>> -> memref<1024xf32, #tpu.memory_space<hbm>>
      %dma_start3A_166 = arith.constant 3072 : i32
      %dma_start3A_167 = tpu.memref_slice %arg9[%dma_start3A_166] : memref<4096xf32, #tpu.memory_space<vmem>> -> memref<1024xf32, #tpu.memory_space<vmem>>
      tpu.enqueue_dma source(%dma_start3A_167 : memref<1024xf32, #tpu.memory_space<vmem>>) target(%dma_start3A_165 : memref<1024xf32, #tpu.memory_space<hbm>>) target_semaphore(%arg14 : memref<!tpu.dma_semaphore, #tpu.memory_space<semaphore_mem>>)
      %gt3A_168 = arith.constant 0 : i32
      %gt3A_169 = arith.cmpi sgt, %scan3A_45, %gt3A_168 : i32
      %convert_element_type3A_170 = arith.extui %gt3A_169 : i1 to i32
      %cond3A_171 = arith.constant 0 : i32
      %cond3A_172 = arith.cmpi ne, %convert_element_type3A_170, %cond3A_171 : i32
      scf.if %cond3A_172 {
        %dma_wait3A_537 = arith.constant 0 : i32
        %dma_wait3A_538 = tpu.memref_slice %arg5[%dma_wait3A_537] : memref<26214400xf32, #tpu.memory_space<hbm>> -> memref<4096xf32, #tpu.memory_space<hbm>>
        %dma_wait3A_539 = arith.constant 0 : i32
        %dma_wait3A_540 = tpu.memref_slice %arg5[%dma_wait3A_539] : memref<26214400xf32, #tpu.memory_space<hbm>> -> memref<4096xf32, #tpu.memory_space<hbm>>
        tpu.wait_dma2 semaphore(%arg15 : memref<!tpu.dma_semaphore, #tpu.memory_space<semaphore_mem>>) src(%arg10 : memref<4096xf32, #tpu.memory_space<vmem>>) dst(%dma_wait3A_540 : memref<4096xf32, #tpu.memory_space<hbm>>)
      } else {
      }
      %add3A_173 = arith.constant 1 : i32
      %add3A_174 = arith.addi %add3A_48, %add3A_173 : i32
      %jit3A_175 = arith.constant 32 : i32
      %div3A_176 = arith.divsi %add3A_174, %jit3A_175 : i32
      %sign3A_177 = arith.constant 0 : i32
      %sign3A_178 = arith.cmpi sgt, %add3A_174, %sign3A_177 : i32
      %sign3A_179 = arith.extui %sign3A_178 : i1 to i32
      %sign3A_180 = arith.constant 0 : i32
      %sign3A_181 = arith.cmpi slt, %add3A_174, %sign3A_180 : i32
      %sign3A_182 = arith.extui %sign3A_181 : i1 to i32
      %sign3A_183 = arith.subi %sign3A_179, %sign3A_182 : i32
      %sign3A_184 = arith.constant 0 : i32
      %sign3A_185 = arith.cmpi sgt, %jit3A_175, %sign3A_184 : i32
      %sign3A_186 = arith.extui %sign3A_185 : i1 to i32
      %sign3A_187 = arith.constant 0 : i32
      %sign3A_188 = arith.cmpi slt, %jit3A_175, %sign3A_187 : i32
      %sign3A_189 = arith.extui %sign3A_188 : i1 to i32
      %sign3A_190 = arith.subi %sign3A_186, %sign3A_189 : i32
      %ne3A_191 = arith.cmpi ne, %sign3A_183, %sign3A_190 : i32
      %rem3A_192 = arith.remsi %add3A_174, %jit3A_175 : i32
      %ne3A_193 = arith.constant 0 : i32
      %ne3A_194 = arith.cmpi ne, %rem3A_192, %ne3A_193 : i32
      %and3A_195 = arith.andi %ne3A_191, %ne3A_194 : i1
      %sub3A_196 = arith.constant 1 : i32
      %sub3A_197 = arith.subi %div3A_176, %sub3A_196 : i32
      %select_n3A_198 = arith.select %and3A_195, %sub3A_197, %div3A_176 : i32
      %jit3A_199 = arith.constant 32 : i32
      %eq3A_200 = arith.constant 0 : i32
      %eq3A_201 = arith.cmpi eq, %jit3A_199, %eq3A_200 : i32
      %jit3A_202 = arith.constant 1 : i32
      %select_n3A_203 = arith.select %eq3A_201, %jit3A_202, %jit3A_199 : i32
      %rem3A_204 = arith.remsi %add3A_174, %select_n3A_203 : i32
      %ne3A_205 = arith.constant 0 : i32
      %ne3A_206 = arith.cmpi ne, %rem3A_204, %ne3A_205 : i32
      %lt3A_207 = arith.constant 0 : i32
      %lt3A_208 = arith.cmpi slt, %rem3A_204, %lt3A_207 : i32
      %lt3A_209 = arith.constant 0 : i32
      %lt3A_210 = arith.cmpi slt, %select_n3A_203, %lt3A_209 : i32
      %ne3A_211 = arith.xori %lt3A_208, %lt3A_210 : i1
      %and3A_212 = arith.andi %ne3A_211, %ne3A_206 : i1
      %add3A_213 = arith.addi %rem3A_204, %select_n3A_203 : i32
      %select_n3A_214 = arith.select %and3A_212, %add3A_213, %rem3A_204 : i32
      %sub3A_215 = arith.subi %select_n3A_198, %min3A_21 : i32
      %mul3A_216 = arith.constant 512 : i32
      %mul3A_217 = arith.muli %sub3A_215, %mul3A_216 : i32
      %iota3A_218 = tpu.iota {dimensions = array<i32: 0>} : vector<16xi32>
      %scan3A_219 = arith.constant 0 : i32
      %scan3A_220 = arith.constant 0 : i32
      %scan3A_221 = arith.constant 32 : i32
      %scan3A_222 = arith.addi %scan3A_220, %scan3A_221 : i32
      %scan3A_223 = arith.constant 1 : i32
      scf.for %scan3A_537 = %scan3A_220 to %scan3A_222 step %scan3A_223  : i32 {
        %mul3A_538 = arith.constant 16 : i32
        %mul3A_539 = arith.muli %scan3A_537, %mul3A_538 : i32
        %add3A_540 = arith.addi %mul3A_217, %mul3A_539 : i32
        %get3A = arith.index_cast %add3A_540 : i32 to index
        %get3A_541 = tpu.vector_load %arg11[%get3A] {strides = array<i32>} : memref<4096xf32, #tpu.memory_space<vmem>>, vector<16xf32>,
        %broadcast_in_dim3A = vector.broadcast %scan3A_537 : i32 to vector<16xi32>
        %add3A_542 = arith.constant 128 : i32
        %add3A_543 = vector.broadcast %add3A_542 : i32 to vector<16xi32>
        %add3A_544 = arith.addi %add3A_543, %iota3A_218 : vector<16xi32>
        %add3A_545 = arith.constant 0 : i32
        %add3A_546 = vector.broadcast %add3A_545 : i32 to vector<16xi32>
        %add3A_547 = arith.addi %add3A_544, %add3A_546 : vector<16xi32>
        %gather3A = tpu.vector_load_idx %arg7[%add3A_547, %broadcast_in_dim3A] : memref<256x40xf32, #tpu.memory_space<vmem>>[vector<16xi32>, vector<16xi32>], vector<16xf32>,
        %add3A_548 = arith.addf %gather3A, %get3A_541 : vector<16xf32>
        %mul3A_549 = arith.constant 128 : i32
        %mul3A_550 = arith.muli %scan3A_537, %mul3A_549 : i32
        %add3A_551 = arith.constant 0 : i32
        %add3A_552 = arith.addi %mul3A_550, %add3A_551 : i32
        %swap3A = arith.index_cast %add3A_552 : i32 to index
        %swap3A_553 = tpu.vector_load %arg10[%swap3A] {strides = array<i32>} : memref<4096xf32, #tpu.memory_space<vmem>>, vector<16xf32>,
        tpu.vector_store %arg10[%swap3A], %add3A_548 {strides = array<i32>} : memref<4096xf32, #tpu.memory_space<vmem>>, vector<16xf32>,
        %add3A_554 = arith.constant 128 : i32
        %add3A_555 = vector.broadcast %add3A_554 : i32 to vector<16xi32>
        %add3A_556 = arith.addi %add3A_555, %iota3A_218 : vector<16xi32>
        %add3A_557 = arith.constant 16 : i32
        %add3A_558 = vector.broadcast %add3A_557 : i32 to vector<16xi32>
        %add3A_559 = arith.addi %add3A_556, %add3A_558 : vector<16xi32>
        %gather3A_560 = tpu.vector_load_idx %arg7[%add3A_559, %broadcast_in_dim3A] : memref<256x40xf32, #tpu.memory_space<vmem>>[vector<16xi32>, vector<16xi32>], vector<16xf32>,
        %add3A_561 = arith.addf %gather3A_560, %get3A_541 : vector<16xf32>
        %mul3A_562 = arith.constant 128 : i32
        %mul3A_563 = arith.muli %scan3A_537, %mul3A_562 : i32
        %add3A_564 = arith.constant 16 : i32
        %add3A_565 = arith.addi %mul3A_563, %add3A_564 : i32
        %swap3A_566 = arith.index_cast %add3A_565 : i32 to index
        %swap3A_567 = tpu.vector_load %arg10[%swap3A_566] {strides = array<i32>} : memref<4096xf32, #tpu.memory_space<vmem>>, vector<16xf32>,
        tpu.vector_store %arg10[%swap3A_566], %add3A_561 {strides = array<i32>} : memref<4096xf32, #tpu.memory_space<vmem>>, vector<16xf32>,
        %add3A_568 = arith.constant 128 : i32
        %add3A_569 = vector.broadcast %add3A_568 : i32 to vector<16xi32>
        %add3A_570 = arith.addi %add3A_569, %iota3A_218 : vector<16xi32>
        %add3A_571 = arith.constant 32 : i32
        %add3A_572 = vector.broadcast %add3A_571 : i32 to vector<16xi32>
        %add3A_573 = arith.addi %add3A_570, %add3A_572 : vector<16xi32>
        %gather3A_574 = tpu.vector_load_idx %arg7[%add3A_573, %broadcast_in_dim3A] : memref<256x40xf32, #tpu.memory_space<vmem>>[vector<16xi32>, vector<16xi32>], vector<16xf32>,
        %add3A_575 = arith.addf %gather3A_574, %get3A_541 : vector<16xf32>
        %mul3A_576 = arith.constant 128 : i32
        %mul3A_577 = arith.muli %scan3A_537, %mul3A_576 : i32
        %add3A_578 = arith.constant 32 : i32
        %add3A_579 = arith.addi %mul3A_577, %add3A_578 : i32
        %swap3A_580 = arith.index_cast %add3A_579 : i32 to index
        %swap3A_581 = tpu.vector_load %arg10[%swap3A_580] {strides = array<i32>} : memref<4096xf32, #tpu.memory_space<vmem>>, vector<16xf32>,
        tpu.vector_store %arg10[%swap3A_580], %add3A_575 {strides = array<i32>} : memref<4096xf32, #tpu.memory_space<vmem>>, vector<16xf32>,
        %add3A_582 = arith.constant 128 : i32
        %add3A_583 = vector.broadcast %add3A_582 : i32 to vector<16xi32>
        %add3A_584 = arith.addi %add3A_583, %iota3A_218 : vector<16xi32>
        %add3A_585 = arith.constant 48 : i32
        %add3A_586 = vector.broadcast %add3A_585 : i32 to vector<16xi32>
        %add3A_587 = arith.addi %add3A_584, %add3A_586 : vector<16xi32>
        %gather3A_588 = tpu.vector_load_idx %arg7[%add3A_587, %broadcast_in_dim3A] : memref<256x40xf32, #tpu.memory_space<vmem>>[vector<16xi32>, vector<16xi32>], vector<16xf32>,
        %add3A_589 = arith.addf %gather3A_588, %get3A_541 : vector<16xf32>
        %mul3A_590 = arith.constant 128 : i32
        %mul3A_591 = arith.muli %scan3A_537, %mul3A_590 : i32
        %add3A_592 = arith.constant 48 : i32
        %add3A_593 = arith.addi %mul3A_591, %add3A_592 : i32
        %swap3A_594 = arith.index_cast %add3A_593 : i32 to index
        %swap3A_595 = tpu.vector_load %arg10[%swap3A_594] {strides = array<i32>} : memref<4096xf32, #tpu.memory_space<vmem>>, vector<16xf32>,
        tpu.vector_store %arg10[%swap3A_594], %add3A_589 {strides = array<i32>} : memref<4096xf32, #tpu.memory_space<vmem>>, vector<16xf32>,
        %add3A_596 = arith.constant 128 : i32
        %add3A_597 = vector.broadcast %add3A_596 : i32 to vector<16xi32>
        %add3A_598 = arith.addi %add3A_597, %iota3A_218 : vector<16xi32>
        %add3A_599 = arith.constant 64 : i32
        %add3A_600 = vector.broadcast %add3A_599 : i32 to vector<16xi32>
        %add3A_601 = arith.addi %add3A_598, %add3A_600 : vector<16xi32>
        %gather3A_602 = tpu.vector_load_idx %arg7[%add3A_601, %broadcast_in_dim3A] : memref<256x40xf32, #tpu.memory_space<vmem>>[vector<16xi32>, vector<16xi32>], vector<16xf32>,
        %add3A_603 = arith.addf %gather3A_602, %get3A_541 : vector<16xf32>
        %mul3A_604 = arith.constant 128 : i32
        %mul3A_605 = arith.muli %scan3A_537, %mul3A_604 : i32
        %add3A_606 = arith.constant 64 : i32
        %add3A_607 = arith.addi %mul3A_605, %add3A_606 : i32
        %swap3A_608 = arith.index_cast %add3A_607 : i32 to index
        %swap3A_609 = tpu.vector_load %arg10[%swap3A_608] {strides = array<i32>} : memref<4096xf32, #tpu.memory_space<vmem>>, vector<16xf32>,
        tpu.vector_store %arg10[%swap3A_608], %add3A_603 {strides = array<i32>} : memref<4096xf32, #tpu.memory_space<vmem>>, vector<16xf32>,
        %add3A_610 = arith.constant 128 : i32
        %add3A_611 = vector.broadcast %add3A_610 : i32 to vector<16xi32>
        %add3A_612 = arith.addi %add3A_611, %iota3A_218 : vector<16xi32>
        %add3A_613 = arith.constant 80 : i32
        %add3A_614 = vector.broadcast %add3A_613 : i32 to vector<16xi32>
        %add3A_615 = arith.addi %add3A_612, %add3A_614 : vector<16xi32>
        %gather3A_616 = tpu.vector_load_idx %arg7[%add3A_615, %broadcast_in_dim3A] : memref<256x40xf32, #tpu.memory_space<vmem>>[vector<16xi32>, vector<16xi32>], vector<16xf32>,
        %add3A_617 = arith.addf %gather3A_616, %get3A_541 : vector<16xf32>
        %mul3A_618 = arith.constant 128 : i32
        %mul3A_619 = arith.muli %scan3A_537, %mul3A_618 : i32
        %add3A_620 = arith.constant 80 : i32
        %add3A_621 = arith.addi %mul3A_619, %add3A_620 : i32
        %swap3A_622 = arith.index_cast %add3A_621 : i32 to index
        %swap3A_623 = tpu.vector_load %arg10[%swap3A_622] {strides = array<i32>} : memref<4096xf32, #tpu.memory_space<vmem>>, vector<16xf32>,
        tpu.vector_store %arg10[%swap3A_622], %add3A_617 {strides = array<i32>} : memref<4096xf32, #tpu.memory_space<vmem>>, vector<16xf32>,
        %add3A_624 = arith.constant 128 : i32
        %add3A_625 = vector.broadcast %add3A_624 : i32 to vector<16xi32>
        %add3A_626 = arith.addi %add3A_625, %iota3A_218 : vector<16xi32>
        %add3A_627 = arith.constant 96 : i32
        %add3A_628 = vector.broadcast %add3A_627 : i32 to vector<16xi32>
        %add3A_629 = arith.addi %add3A_626, %add3A_628 : vector<16xi32>
        %gather3A_630 = tpu.vector_load_idx %arg7[%add3A_629, %broadcast_in_dim3A] : memref<256x40xf32, #tpu.memory_space<vmem>>[vector<16xi32>, vector<16xi32>], vector<16xf32>,
        %add3A_631 = arith.addf %gather3A_630, %get3A_541 : vector<16xf32>
        %mul3A_632 = arith.constant 128 : i32
        %mul3A_633 = arith.muli %scan3A_537, %mul3A_632 : i32
        %add3A_634 = arith.constant 96 : i32
        %add3A_635 = arith.addi %mul3A_633, %add3A_634 : i32
        %swap3A_636 = arith.index_cast %add3A_635 : i32 to index
        %swap3A_637 = tpu.vector_load %arg10[%swap3A_636] {strides = array<i32>} : memref<4096xf32, #tpu.memory_space<vmem>>, vector<16xf32>,
        tpu.vector_store %arg10[%swap3A_636], %add3A_631 {strides = array<i32>} : memref<4096xf32, #tpu.memory_space<vmem>>, vector<16xf32>,
        %add3A_638 = arith.constant 128 : i32
        %add3A_639 = vector.broadcast %add3A_638 : i32 to vector<16xi32>
        %add3A_640 = arith.addi %add3A_639, %iota3A_218 : vector<16xi32>
        %add3A_641 = arith.constant 112 : i32
        %add3A_642 = vector.broadcast %add3A_641 : i32 to vector<16xi32>
        %add3A_643 = arith.addi %add3A_640, %add3A_642 : vector<16xi32>
        %gather3A_644 = tpu.vector_load_idx %arg7[%add3A_643, %broadcast_in_dim3A] : memref<256x40xf32, #tpu.memory_space<vmem>>[vector<16xi32>, vector<16xi32>], vector<16xf32>,
        %add3A_645 = arith.addf %gather3A_644, %get3A_541 : vector<16xf32>
        %mul3A_646 = arith.constant 128 : i32
        %mul3A_647 = arith.muli %scan3A_537, %mul3A_646 : i32
        %add3A_648 = arith.constant 112 : i32
        %add3A_649 = arith.addi %mul3A_647, %add3A_648 : i32
        %swap3A_650 = arith.index_cast %add3A_649 : i32 to index
        %swap3A_651 = tpu.vector_load %arg10[%swap3A_650] {strides = array<i32>} : memref<4096xf32, #tpu.memory_space<vmem>>, vector<16xf32>,
        tpu.vector_store %arg10[%swap3A_650], %add3A_645 {strides = array<i32>} : memref<4096xf32, #tpu.memory_space<vmem>>, vector<16xf32>,
      }
      %scan3A_224 = arith.constant 32 : i32
      %mul3A_225 = arith.constant 4 : i32
      %mul3A_226 = arith.muli %select_n3A_198, %mul3A_225 : i32
      %add3A_227 = arith.constant 0 : i32
      %add3A_228 = arith.addi %mul3A_226, %add3A_227 : i32
      %mul3A_229 = arith.constant 32768 : i32
      %mul3A_230 = arith.muli %add3A_228, %mul3A_229 : i32
      %mul3A_231 = arith.constant 1024 : i32
      %mul3A_232 = arith.muli %select_n3A_214, %mul3A_231 : i32
      %add3A_233 = arith.addi %mul3A_230, %mul3A_232 : i32
      %dma_start3A_234 = arith.constant 0 : i32
      %dma_start3A_235 = tpu.memref_slice %arg10[%dma_start3A_234] : memref<4096xf32, #tpu.memory_space<vmem>> -> memref<1024xf32, #tpu.memory_space<vmem>>
      %dma_start3A_236 = tpu.memref_slice %arg5[%add3A_233] : memref<26214400xf32, #tpu.memory_space<hbm>> -> memref<1024xf32, #tpu.memory_space<hbm>>
      %dma_start3A_237 = tpu.memref_slice %arg5[%add3A_233] : memref<26214400xf32, #tpu.memory_space<hbm>> -> memref<1024xf32, #tpu.memory_space<hbm>>
      %dma_start3A_238 = arith.constant 0 : i32
      %dma_start3A_239 = tpu.memref_slice %arg10[%dma_start3A_238] : memref<4096xf32, #tpu.memory_space<vmem>> -> memref<1024xf32, #tpu.memory_space<vmem>>
      tpu.enqueue_dma source(%dma_start3A_239 : memref<1024xf32, #tpu.memory_space<vmem>>) target(%dma_start3A_237 : memref<1024xf32, #tpu.memory_space<hbm>>) target_semaphore(%arg15 : memref<!tpu.dma_semaphore, #tpu.memory_space<semaphore_mem>>)
      %mul3A_240 = arith.constant 4 : i32
      %mul3A_241 = arith.muli %select_n3A_198, %mul3A_240 : i32
      %add3A_242 = arith.constant 1 : i32
      %add3A_243 = arith.addi %mul3A_241, %add3A_242 : i32
      %mul3A_244 = arith.constant 32768 : i32
      %mul3A_245 = arith.muli %add3A_243, %mul3A_244 : i32
      %mul3A_246 = arith.constant 1024 : i32
      %mul3A_247 = arith.muli %select_n3A_214, %mul3A_246 : i32
      %add3A_248 = arith.addi %mul3A_245, %mul3A_247 : i32
      %dma_start3A_249 = arith.constant 1024 : i32
      %dma_start3A_250 = tpu.memref_slice %arg10[%dma_start3A_249] : memref<4096xf32, #tpu.memory_space<vmem>> -> memref<1024xf32, #tpu.memory_space<vmem>>
      %dma_start3A_251 = tpu.memref_slice %arg5[%add3A_248] : memref<26214400xf32, #tpu.memory_space<hbm>> -> memref<1024xf32, #tpu.memory_space<hbm>>
      %dma_start3A_252 = tpu.memref_slice %arg5[%add3A_248] : memref<26214400xf32, #tpu.memory_space<hbm>> -> memref<1024xf32, #tpu.memory_space<hbm>>
      %dma_start3A_253 = arith.constant 1024 : i32
      %dma_start3A_254 = tpu.memref_slice %arg10[%dma_start3A_253] : memref<4096xf32, #tpu.memory_space<vmem>> -> memref<1024xf32, #tpu.memory_space<vmem>>
      tpu.enqueue_dma source(%dma_start3A_254 : memref<1024xf32, #tpu.memory_space<vmem>>) target(%dma_start3A_252 : memref<1024xf32, #tpu.memory_space<hbm>>) target_semaphore(%arg15 : memref<!tpu.dma_semaphore, #tpu.memory_space<semaphore_mem>>)
      %mul3A_255 = arith.constant 4 : i32
      %mul3A_256 = arith.muli %select_n3A_198, %mul3A_255 : i32
      %add3A_257 = arith.constant 2 : i32
      %add3A_258 = arith.addi %mul3A_256, %add3A_257 : i32
      %mul3A_259 = arith.constant 32768 : i32
      %mul3A_260 = arith.muli %add3A_258, %mul3A_259 : i32
      %mul3A_261 = arith.constant 1024 : i32
      %mul3A_262 = arith.muli %select_n3A_214, %mul3A_261 : i32
      %add3A_263 = arith.addi %mul3A_260, %mul3A_262 : i32
      %dma_start3A_264 = arith.constant 2048 : i32
      %dma_start3A_265 = tpu.memref_slice %arg10[%dma_start3A_264] : memref<4096xf32, #tpu.memory_space<vmem>> -> memref<1024xf32, #tpu.memory_space<vmem>>
      %dma_start3A_266 = tpu.memref_slice %arg5[%add3A_263] : memref<26214400xf32, #tpu.memory_space<hbm>> -> memref<1024xf32, #tpu.memory_space<hbm>>
      %dma_start3A_267 = tpu.memref_slice %arg5[%add3A_263] : memref<26214400xf32, #tpu.memory_space<hbm>> -> memref<1024xf32, #tpu.memory_space<hbm>>
      %dma_start3A_268 = arith.constant 2048 : i32
      %dma_start3A_269 = tpu.memref_slice %arg10[%dma_start3A_268] : memref<4096xf32, #tpu.memory_space<vmem>> -> memref<1024xf32, #tpu.memory_space<vmem>>
      tpu.enqueue_dma source(%dma_start3A_269 : memref<1024xf32, #tpu.memory_space<vmem>>) target(%dma_start3A_267 : memref<1024xf32, #tpu.memory_space<hbm>>) target_semaphore(%arg15 : memref<!tpu.dma_semaphore, #tpu.memory_space<semaphore_mem>>)
      %mul3A_270 = arith.constant 4 : i32
      %mul3A_271 = arith.muli %select_n3A_198, %mul3A_270 : i32
      %add3A_272 = arith.constant 3 : i32
      %add3A_273 = arith.addi %mul3A_271, %add3A_272 : i32
      %mul3A_274 = arith.constant 32768 : i32
      %mul3A_275 = arith.muli %add3A_273, %mul3A_274 : i32
      %mul3A_276 = arith.constant 1024 : i32
      %mul3A_277 = arith.muli %select_n3A_214, %mul3A_276 : i32
      %add3A_278 = arith.addi %mul3A_275, %mul3A_277 : i32
      %dma_start3A_279 = arith.constant 3072 : i32
      %dma_start3A_280 = tpu.memref_slice %arg10[%dma_start3A_279] : memref<4096xf32, #tpu.memory_space<vmem>> -> memref<1024xf32, #tpu.memory_space<vmem>>
      %dma_start3A_281 = tpu.memref_slice %arg5[%add3A_278] : memref<26214400xf32, #tpu.memory_space<hbm>> -> memref<1024xf32, #tpu.memory_space<hbm>>
      %dma_start3A_282 = tpu.memref_slice %arg5[%add3A_278] : memref<26214400xf32, #tpu.memory_space<hbm>> -> memref<1024xf32, #tpu.memory_space<hbm>>
      %dma_start3A_283 = arith.constant 3072 : i32
      %dma_start3A_284 = tpu.memref_slice %arg10[%dma_start3A_283] : memref<4096xf32, #tpu.memory_space<vmem>> -> memref<1024xf32, #tpu.memory_space<vmem>>
      tpu.enqueue_dma source(%dma_start3A_284 : memref<1024xf32, #tpu.memory_space<vmem>>) target(%dma_start3A_282 : memref<1024xf32, #tpu.memory_space<hbm>>) target_semaphore(%arg15 : memref<!tpu.dma_semaphore, #tpu.memory_space<semaphore_mem>>)
      %dma_wait3A_285 = tpu.memref_slice %arg6[%mul3A_54] : memref<25600xi32, #tpu.memory_space<vmem>> -> memref<256xi32, #tpu.memory_space<vmem>>
      %dma_wait3A_286 = arith.constant 0 : i32
      %dma_wait3A_287 = arith.constant 0 : i32
      %dma_wait3A_288 = tpu.memref_slice %arg3[%dma_wait3A_286, %dma_wait3A_287] : memref<1000000x40xf32, #tpu.memory_space<hbm>> -> memref<1000000x40xf32, #tpu.memory_space<hbm>>
      tpu.wait_indirect_dma semaphore(%arg13 : memref<!tpu.dma_semaphore, #tpu.memory_space<semaphore_mem>>) src(%dma_wait3A_288 : memref<1000000x40xf32, #tpu.memory_space<hbm>>) dst(%arg8 : memref<256x40xf32, #tpu.memory_space<vmem>>)
      %mul3A_289 = arith.constant 4 : i32
      %mul3A_290 = arith.muli %mul3A_289, %scan3A_45 : i32
      %add3A_291 = arith.constant 4 : i32
      %add3A_292 = arith.addi %mul3A_290, %add3A_291 : i32
      %min3A_293 = arith.constant 198 : i32
      %min3A_294 = arith.minsi %add3A_292, %min3A_293 : i32
      %mul3A_295 = arith.constant 128 : i32
      %mul3A_296 = arith.muli %min3A_294, %mul3A_295 : i32
      %dma_start3A_297 = tpu.memref_slice %arg6[%mul3A_296] : memref<25600xi32, #tpu.memory_space<vmem>> -> memref<256xi32, #tpu.memory_space<vmem>>
      %dma_start3A_298 = arith.constant 0 : i32
      %dma_start3A_299 = arith.constant 0 : i32
      %dma_start3A_300 = tpu.memref_slice %arg3[%dma_start3A_298, %dma_start3A_299] : memref<1000000x40xf32, #tpu.memory_space<hbm>> -> memref<1000000x40xf32, #tpu.memory_space<hbm>>
      tpu.enqueue_indirect_dma source(%dma_start3A_300 : memref<1000000x40xf32, #tpu.memory_space<hbm>>) target(%arg7 : memref<256x40xf32, #tpu.memory_space<vmem>>) offsets(%dma_start3A_297 : memref<256xi32, #tpu.memory_space<vmem>>) semaphore(%arg12 : memref<!tpu.dma_semaphore, #tpu.memory_space<semaphore_mem>>)
      %dma_wait3A_301 = arith.constant 0 : i32
      %dma_wait3A_302 = tpu.memref_slice %arg5[%dma_wait3A_301] : memref<26214400xf32, #tpu.memory_space<hbm>> -> memref<4096xf32, #tpu.memory_space<hbm>>
      %dma_wait3A_303 = arith.constant 0 : i32
      %dma_wait3A_304 = tpu.memref_slice %arg5[%dma_wait3A_303] : memref<26214400xf32, #tpu.memory_space<hbm>> -> memref<4096xf32, #tpu.memory_space<hbm>>
      tpu.wait_dma2 semaphore(%arg14 : memref<!tpu.dma_semaphore, #tpu.memory_space<semaphore_mem>>) src(%arg9 : memref<4096xf32, #tpu.memory_space<vmem>>) dst(%dma_wait3A_304 : memref<4096xf32, #tpu.memory_space<hbm>>)
      %add3A_305 = arith.constant 2 : i32
      %add3A_306 = arith.addi %add3A_48, %add3A_305 : i32
      %jit3A_307 = arith.constant 32 : i32
      %div3A_308 = arith.divsi %add3A_306, %jit3A_307 : i32
      %sign3A_309 = arith.constant 0 : i32
      %sign3A_310 = arith.cmpi sgt, %add3A_306, %sign3A_309 : i32
      %sign3A_311 = arith.extui %sign3A_310 : i1 to i32
      %sign3A_312 = arith.constant 0 : i32
      %sign3A_313 = arith.cmpi slt, %add3A_306, %sign3A_312 : i32
      %sign3A_314 = arith.extui %sign3A_313 : i1 to i32
      %sign3A_315 = arith.subi %sign3A_311, %sign3A_314 : i32
      %sign3A_316 = arith.constant 0 : i32
      %sign3A_317 = arith.cmpi sgt, %jit3A_307, %sign3A_316 : i32
      %sign3A_318 = arith.extui %sign3A_317 : i1 to i32
      %sign3A_319 = arith.constant 0 : i32
      %sign3A_320 = arith.cmpi slt, %jit3A_307, %sign3A_319 : i32
      %sign3A_321 = arith.extui %sign3A_320 : i1 to i32
      %sign3A_322 = arith.subi %sign3A_318, %sign3A_321 : i32
      %ne3A_323 = arith.cmpi ne, %sign3A_315, %sign3A_322 : i32
      %rem3A_324 = arith.remsi %add3A_306, %jit3A_307 : i32
      %ne3A_325 = arith.constant 0 : i32
      %ne3A_326 = arith.cmpi ne, %rem3A_324, %ne3A_325 : i32
      %and3A_327 = arith.andi %ne3A_323, %ne3A_326 : i1
      %sub3A_328 = arith.constant 1 : i32
      %sub3A_329 = arith.subi %div3A_308, %sub3A_328 : i32
      %select_n3A_330 = arith.select %and3A_327, %sub3A_329, %div3A_308 : i32
      %jit3A_331 = arith.constant 32 : i32
      %eq3A_332 = arith.constant 0 : i32
      %eq3A_333 = arith.cmpi eq, %jit3A_331, %eq3A_332 : i32
      %jit3A_334 = arith.constant 1 : i32
      %select_n3A_335 = arith.select %eq3A_333, %jit3A_334, %jit3A_331 : i32
      %rem3A_336 = arith.remsi %add3A_306, %select_n3A_335 : i32
      %ne3A_337 = arith.constant 0 : i32
      %ne3A_338 = arith.cmpi ne, %rem3A_336, %ne3A_337 : i32
      %lt3A_339 = arith.constant 0 : i32
      %lt3A_340 = arith.cmpi slt, %rem3A_336, %lt3A_339 : i32
      %lt3A_341 = arith.constant 0 : i32
      %lt3A_342 = arith.cmpi slt, %select_n3A_335, %lt3A_341 : i32
      %ne3A_343 = arith.xori %lt3A_340, %lt3A_342 : i1
      %and3A_344 = arith.andi %ne3A_343, %ne3A_338 : i1
      %add3A_345 = arith.addi %rem3A_336, %select_n3A_335 : i32
      %select_n3A_346 = arith.select %and3A_344, %add3A_345, %rem3A_336 : i32
      %sub3A_347 = arith.subi %select_n3A_330, %min3A_21 : i32
      %mul3A_348 = arith.constant 512 : i32
      %mul3A_349 = arith.muli %sub3A_347, %mul3A_348 : i32
      %iota3A_350 = tpu.iota {dimensions = array<i32: 0>} : vector<16xi32>
      %scan3A_351 = arith.constant 0 : i32
      %scan3A_352 = arith.constant 0 : i32
      %scan3A_353 = arith.constant 32 : i32
      %scan3A_354 = arith.addi %scan3A_352, %scan3A_353 : i32
      %scan3A_355 = arith.constant 1 : i32
      scf.for %scan3A_537 = %scan3A_352 to %scan3A_354 step %scan3A_355  : i32 {
        %mul3A_538 = arith.constant 16 : i32
        %mul3A_539 = arith.muli %scan3A_537, %mul3A_538 : i32
        %add3A_540 = arith.addi %mul3A_349, %mul3A_539 : i32
        %get3A = arith.index_cast %add3A_540 : i32 to index
        %get3A_541 = tpu.vector_load %arg11[%get3A] {strides = array<i32>} : memref<4096xf32, #tpu.memory_space<vmem>>, vector<16xf32>,
        %broadcast_in_dim3A = vector.broadcast %scan3A_537 : i32 to vector<16xi32>
        %add3A_542 = arith.constant 0 : i32
        %add3A_543 = vector.broadcast %add3A_542 : i32 to vector<16xi32>
        %add3A_544 = arith.addi %add3A_543, %iota3A_350 : vector<16xi32>
        %add3A_545 = arith.constant 0 : i32
        %add3A_546 = vector.broadcast %add3A_545 : i32 to vector<16xi32>
        %add3A_547 = arith.addi %add3A_544, %add3A_546 : vector<16xi32>
        %gather3A = tpu.vector_load_idx %arg8[%add3A_547, %broadcast_in_dim3A] : memref<256x40xf32, #tpu.memory_space<vmem>>[vector<16xi32>, vector<16xi32>], vector<16xf32>,
        %add3A_548 = arith.addf %gather3A, %get3A_541 : vector<16xf32>
        %mul3A_549 = arith.constant 128 : i32
        %mul3A_550 = arith.muli %scan3A_537, %mul3A_549 : i32
        %add3A_551 = arith.constant 0 : i32
        %add3A_552 = arith.addi %mul3A_550, %add3A_551 : i32
        %swap3A = arith.index_cast %add3A_552 : i32 to index
        %swap3A_553 = tpu.vector_load %arg9[%swap3A] {strides = array<i32>} : memref<4096xf32, #tpu.memory_space<vmem>>, vector<16xf32>,
        tpu.vector_store %arg9[%swap3A], %add3A_548 {strides = array<i32>} : memref<4096xf32, #tpu.memory_space<vmem>>, vector<16xf32>,
        %add3A_554 = arith.constant 0 : i32
        %add3A_555 = vector.broadcast %add3A_554 : i32 to vector<16xi32>
        %add3A_556 = arith.addi %add3A_555, %iota3A_350 : vector<16xi32>
        %add3A_557 = arith.constant 16 : i32
        %add3A_558 = vector.broadcast %add3A_557 : i32 to vector<16xi32>
        %add3A_559 = arith.addi %add3A_556, %add3A_558 : vector<16xi32>
        %gather3A_560 = tpu.vector_load_idx %arg8[%add3A_559, %broadcast_in_dim3A] : memref<256x40xf32, #tpu.memory_space<vmem>>[vector<16xi32>, vector<16xi32>], vector<16xf32>,
        %add3A_561 = arith.addf %gather3A_560, %get3A_541 : vector<16xf32>
        %mul3A_562 = arith.constant 128 : i32
        %mul3A_563 = arith.muli %scan3A_537, %mul3A_562 : i32
        %add3A_564 = arith.constant 16 : i32
        %add3A_565 = arith.addi %mul3A_563, %add3A_564 : i32
        %swap3A_566 = arith.index_cast %add3A_565 : i32 to index
        %swap3A_567 = tpu.vector_load %arg9[%swap3A_566] {strides = array<i32>} : memref<4096xf32, #tpu.memory_space<vmem>>, vector<16xf32>,
        tpu.vector_store %arg9[%swap3A_566], %add3A_561 {strides = array<i32>} : memref<4096xf32, #tpu.memory_space<vmem>>, vector<16xf32>,
        %add3A_568 = arith.constant 0 : i32
        %add3A_569 = vector.broadcast %add3A_568 : i32 to vector<16xi32>
        %add3A_570 = arith.addi %add3A_569, %iota3A_350 : vector<16xi32>
        %add3A_571 = arith.constant 32 : i32
        %add3A_572 = vector.broadcast %add3A_571 : i32 to vector<16xi32>
        %add3A_573 = arith.addi %add3A_570, %add3A_572 : vector<16xi32>
        %gather3A_574 = tpu.vector_load_idx %arg8[%add3A_573, %broadcast_in_dim3A] : memref<256x40xf32, #tpu.memory_space<vmem>>[vector<16xi32>, vector<16xi32>], vector<16xf32>,
        %add3A_575 = arith.addf %gather3A_574, %get3A_541 : vector<16xf32>
        %mul3A_576 = arith.constant 128 : i32
        %mul3A_577 = arith.muli %scan3A_537, %mul3A_576 : i32
        %add3A_578 = arith.constant 32 : i32
        %add3A_579 = arith.addi %mul3A_577, %add3A_578 : i32
        %swap3A_580 = arith.index_cast %add3A_579 : i32 to index
        %swap3A_581 = tpu.vector_load %arg9[%swap3A_580] {strides = array<i32>} : memref<4096xf32, #tpu.memory_space<vmem>>, vector<16xf32>,
        tpu.vector_store %arg9[%swap3A_580], %add3A_575 {strides = array<i32>} : memref<4096xf32, #tpu.memory_space<vmem>>, vector<16xf32>,
        %add3A_582 = arith.constant 0 : i32
        %add3A_583 = vector.broadcast %add3A_582 : i32 to vector<16xi32>
        %add3A_584 = arith.addi %add3A_583, %iota3A_350 : vector<16xi32>
        %add3A_585 = arith.constant 48 : i32
        %add3A_586 = vector.broadcast %add3A_585 : i32 to vector<16xi32>
        %add3A_587 = arith.addi %add3A_584, %add3A_586 : vector<16xi32>
        %gather3A_588 = tpu.vector_load_idx %arg8[%add3A_587, %broadcast_in_dim3A] : memref<256x40xf32, #tpu.memory_space<vmem>>[vector<16xi32>, vector<16xi32>], vector<16xf32>,
        %add3A_589 = arith.addf %gather3A_588, %get3A_541 : vector<16xf32>
        %mul3A_590 = arith.constant 128 : i32
        %mul3A_591 = arith.muli %scan3A_537, %mul3A_590 : i32
        %add3A_592 = arith.constant 48 : i32
        %add3A_593 = arith.addi %mul3A_591, %add3A_592 : i32
        %swap3A_594 = arith.index_cast %add3A_593 : i32 to index
        %swap3A_595 = tpu.vector_load %arg9[%swap3A_594] {strides = array<i32>} : memref<4096xf32, #tpu.memory_space<vmem>>, vector<16xf32>,
        tpu.vector_store %arg9[%swap3A_594], %add3A_589 {strides = array<i32>} : memref<4096xf32, #tpu.memory_space<vmem>>, vector<16xf32>,
        %add3A_596 = arith.constant 0 : i32
        %add3A_597 = vector.broadcast %add3A_596 : i32 to vector<16xi32>
        %add3A_598 = arith.addi %add3A_597, %iota3A_350 : vector<16xi32>
        %add3A_599 = arith.constant 64 : i32
        %add3A_600 = vector.broadcast %add3A_599 : i32 to vector<16xi32>
        %add3A_601 = arith.addi %add3A_598, %add3A_600 : vector<16xi32>
        %gather3A_602 = tpu.vector_load_idx %arg8[%add3A_601, %broadcast_in_dim3A] : memref<256x40xf32, #tpu.memory_space<vmem>>[vector<16xi32>, vector<16xi32>], vector<16xf32>,
        %add3A_603 = arith.addf %gather3A_602, %get3A_541 : vector<16xf32>
        %mul3A_604 = arith.constant 128 : i32
        %mul3A_605 = arith.muli %scan3A_537, %mul3A_604 : i32
        %add3A_606 = arith.constant 64 : i32
        %add3A_607 = arith.addi %mul3A_605, %add3A_606 : i32
        %swap3A_608 = arith.index_cast %add3A_607 : i32 to index
        %swap3A_609 = tpu.vector_load %arg9[%swap3A_608] {strides = array<i32>} : memref<4096xf32, #tpu.memory_space<vmem>>, vector<16xf32>,
        tpu.vector_store %arg9[%swap3A_608], %add3A_603 {strides = array<i32>} : memref<4096xf32, #tpu.memory_space<vmem>>, vector<16xf32>,
        %add3A_610 = arith.constant 0 : i32
        %add3A_611 = vector.broadcast %add3A_610 : i32 to vector<16xi32>
        %add3A_612 = arith.addi %add3A_611, %iota3A_350 : vector<16xi32>
        %add3A_613 = arith.constant 80 : i32
        %add3A_614 = vector.broadcast %add3A_613 : i32 to vector<16xi32>
        %add3A_615 = arith.addi %add3A_612, %add3A_614 : vector<16xi32>
        %gather3A_616 = tpu.vector_load_idx %arg8[%add3A_615, %broadcast_in_dim3A] : memref<256x40xf32, #tpu.memory_space<vmem>>[vector<16xi32>, vector<16xi32>], vector<16xf32>,
        %add3A_617 = arith.addf %gather3A_616, %get3A_541 : vector<16xf32>
        %mul3A_618 = arith.constant 128 : i32
        %mul3A_619 = arith.muli %scan3A_537, %mul3A_618 : i32
        %add3A_620 = arith.constant 80 : i32
        %add3A_621 = arith.addi %mul3A_619, %add3A_620 : i32
        %swap3A_622 = arith.index_cast %add3A_621 : i32 to index
        %swap3A_623 = tpu.vector_load %arg9[%swap3A_622] {strides = array<i32>} : memref<4096xf32, #tpu.memory_space<vmem>>, vector<16xf32>,
        tpu.vector_store %arg9[%swap3A_622], %add3A_617 {strides = array<i32>} : memref<4096xf32, #tpu.memory_space<vmem>>, vector<16xf32>,
        %add3A_624 = arith.constant 0 : i32
        %add3A_625 = vector.broadcast %add3A_624 : i32 to vector<16xi32>
        %add3A_626 = arith.addi %add3A_625, %iota3A_350 : vector<16xi32>
        %add3A_627 = arith.constant 96 : i32
        %add3A_628 = vector.broadcast %add3A_627 : i32 to vector<16xi32>
        %add3A_629 = arith.addi %add3A_626, %add3A_628 : vector<16xi32>
        %gather3A_630 = tpu.vector_load_idx %arg8[%add3A_629, %broadcast_in_dim3A] : memref<256x40xf32, #tpu.memory_space<vmem>>[vector<16xi32>, vector<16xi32>], vector<16xf32>,
        %add3A_631 = arith.addf %gather3A_630, %get3A_541 : vector<16xf32>
        %mul3A_632 = arith.constant 128 : i32
        %mul3A_633 = arith.muli %scan3A_537, %mul3A_632 : i32
        %add3A_634 = arith.constant 96 : i32
        %add3A_635 = arith.addi %mul3A_633, %add3A_634 : i32
        %swap3A_636 = arith.index_cast %add3A_635 : i32 to index
        %swap3A_637 = tpu.vector_load %arg9[%swap3A_636] {strides = array<i32>} : memref<4096xf32, #tpu.memory_space<vmem>>, vector<16xf32>,
        tpu.vector_store %arg9[%swap3A_636], %add3A_631 {strides = array<i32>} : memref<4096xf32, #tpu.memory_space<vmem>>, vector<16xf32>,
        %add3A_638 = arith.constant 0 : i32
        %add3A_639 = vector.broadcast %add3A_638 : i32 to vector<16xi32>
        %add3A_640 = arith.addi %add3A_639, %iota3A_350 : vector<16xi32>
        %add3A_641 = arith.constant 112 : i32
        %add3A_642 = vector.broadcast %add3A_641 : i32 to vector<16xi32>
        %add3A_643 = arith.addi %add3A_640, %add3A_642 : vector<16xi32>
        %gather3A_644 = tpu.vector_load_idx %arg8[%add3A_643, %broadcast_in_dim3A] : memref<256x40xf32, #tpu.memory_space<vmem>>[vector<16xi32>, vector<16xi32>], vector<16xf32>,
        %add3A_645 = arith.addf %gather3A_644, %get3A_541 : vector<16xf32>
        %mul3A_646 = arith.constant 128 : i32
        %mul3A_647 = arith.muli %scan3A_537, %mul3A_646 : i32
        %add3A_648 = arith.constant 112 : i32
        %add3A_649 = arith.addi %mul3A_647, %add3A_648 : i32
        %swap3A_650 = arith.index_cast %add3A_649 : i32 to index
        %swap3A_651 = tpu.vector_load %arg9[%swap3A_650] {strides = array<i32>} : memref<4096xf32, #tpu.memory_space<vmem>>, vector<16xf32>,
        tpu.vector_store %arg9[%swap3A_650], %add3A_645 {strides = array<i32>} : memref<4096xf32, #tpu.memory_space<vmem>>, vector<16xf32>,
      }
      %scan3A_356 = arith.constant 32 : i32
      %mul3A_357 = arith.constant 4 : i32
      %mul3A_358 = arith.muli %select_n3A_330, %mul3A_357 : i32
      %add3A_359 = arith.constant 0 : i32
      %add3A_360 = arith.addi %mul3A_358, %add3A_359 : i32
      %mul3A_361 = arith.constant 32768 : i32
      %mul3A_362 = arith.muli %add3A_360, %mul3A_361 : i32
      %mul3A_363 = arith.constant 1024 : i32
      %mul3A_364 = arith.muli %select_n3A_346, %mul3A_363 : i32
      %add3A_365 = arith.addi %mul3A_362, %mul3A_364 : i32
      %dma_start3A_366 = arith.constant 0 : i32
      %dma_start3A_367 = tpu.memref_slice %arg9[%dma_start3A_366] : memref<4096xf32, #tpu.memory_space<vmem>> -> memref<1024xf32, #tpu.memory_space<vmem>>
      %dma_start3A_368 = tpu.memref_slice %arg5[%add3A_365] : memref<26214400xf32, #tpu.memory_space<hbm>> -> memref<1024xf32, #tpu.memory_space<hbm>>
      %dma_start3A_369 = tpu.memref_slice %arg5[%add3A_365] : memref<26214400xf32, #tpu.memory_space<hbm>> -> memref<1024xf32, #tpu.memory_space<hbm>>
      %dma_start3A_370 = arith.constant 0 : i32
      %dma_start3A_371 = tpu.memref_slice %arg9[%dma_start3A_370] : memref<4096xf32, #tpu.memory_space<vmem>> -> memref<1024xf32, #tpu.memory_space<vmem>>
      tpu.enqueue_dma source(%dma_start3A_371 : memref<1024xf32, #tpu.memory_space<vmem>>) target(%dma_start3A_369 : memref<1024xf32, #tpu.memory_space<hbm>>) target_semaphore(%arg14 : memref<!tpu.dma_semaphore, #tpu.memory_space<semaphore_mem>>)
      %mul3A_372 = arith.constant 4 : i32
      %mul3A_373 = arith.muli %select_n3A_330, %mul3A_372 : i32
      %add3A_374 = arith.constant 1 : i32
      %add3A_375 = arith.addi %mul3A_373, %add3A_374 : i32
      %mul3A_376 = arith.constant 32768 : i32
      %mul3A_377 = arith.muli %add3A_375, %mul3A_376 : i32
      %mul3A_378 = arith.constant 1024 : i32
      %mul3A_379 = arith.muli %select_n3A_346, %mul3A_378 : i32
      %add3A_380 = arith.addi %mul3A_377, %mul3A_379 : i32
      %dma_start3A_381 = arith.constant 1024 : i32
      %dma_start3A_382 = tpu.memref_slice %arg9[%dma_start3A_381] : memref<4096xf32, #tpu.memory_space<vmem>> -> memref<1024xf32, #tpu.memory_space<vmem>>
      %dma_start3A_383 = tpu.memref_slice %arg5[%add3A_380] : memref<26214400xf32, #tpu.memory_space<hbm>> -> memref<1024xf32, #tpu.memory_space<hbm>>
      %dma_start3A_384 = tpu.memref_slice %arg5[%add3A_380] : memref<26214400xf32, #tpu.memory_space<hbm>> -> memref<1024xf32, #tpu.memory_space<hbm>>
      %dma_start3A_385 = arith.constant 1024 : i32
      %dma_start3A_386 = tpu.memref_slice %arg9[%dma_start3A_385] : memref<4096xf32, #tpu.memory_space<vmem>> -> memref<1024xf32, #tpu.memory_space<vmem>>
      tpu.enqueue_dma source(%dma_start3A_386 : memref<1024xf32, #tpu.memory_space<vmem>>) target(%dma_start3A_384 : memref<1024xf32, #tpu.memory_space<hbm>>) target_semaphore(%arg14 : memref<!tpu.dma_semaphore, #tpu.memory_space<semaphore_mem>>)
      %mul3A_387 = arith.constant 4 : i32
      %mul3A_388 = arith.muli %select_n3A_330, %mul3A_387 : i32
      %add3A_389 = arith.constant 2 : i32
      %add3A_390 = arith.addi %mul3A_388, %add3A_389 : i32
      %mul3A_391 = arith.constant 32768 : i32
      %mul3A_392 = arith.muli %add3A_390, %mul3A_391 : i32
      %mul3A_393 = arith.constant 1024 : i32
      %mul3A_394 = arith.muli %select_n3A_346, %mul3A_393 : i32
      %add3A_395 = arith.addi %mul3A_392, %mul3A_394 : i32
      %dma_start3A_396 = arith.constant 2048 : i32
      %dma_start3A_397 = tpu.memref_slice %arg9[%dma_start3A_396] : memref<4096xf32, #tpu.memory_space<vmem>> -> memref<1024xf32, #tpu.memory_space<vmem>>
      %dma_start3A_398 = tpu.memref_slice %arg5[%add3A_395] : memref<26214400xf32, #tpu.memory_space<hbm>> -> memref<1024xf32, #tpu.memory_space<hbm>>
      %dma_start3A_399 = tpu.memref_slice %arg5[%add3A_395] : memref<26214400xf32, #tpu.memory_space<hbm>> -> memref<1024xf32, #tpu.memory_space<hbm>>
      %dma_start3A_400 = arith.constant 2048 : i32
      %dma_start3A_401 = tpu.memref_slice %arg9[%dma_start3A_400] : memref<4096xf32, #tpu.memory_space<vmem>> -> memref<1024xf32, #tpu.memory_space<vmem>>
      tpu.enqueue_dma source(%dma_start3A_401 : memref<1024xf32, #tpu.memory_space<vmem>>) target(%dma_start3A_399 : memref<1024xf32, #tpu.memory_space<hbm>>) target_semaphore(%arg14 : memref<!tpu.dma_semaphore, #tpu.memory_space<semaphore_mem>>)
      %mul3A_402 = arith.constant 4 : i32
      %mul3A_403 = arith.muli %select_n3A_330, %mul3A_402 : i32
      %add3A_404 = arith.constant 3 : i32
      %add3A_405 = arith.addi %mul3A_403, %add3A_404 : i32
      %mul3A_406 = arith.constant 32768 : i32
      %mul3A_407 = arith.muli %add3A_405, %mul3A_406 : i32
      %mul3A_408 = arith.constant 1024 : i32
      %mul3A_409 = arith.muli %select_n3A_346, %mul3A_408 : i32
      %add3A_410 = arith.addi %mul3A_407, %mul3A_409 : i32
      %dma_start3A_411 = arith.constant 3072 : i32
      %dma_start3A_412 = tpu.memref_slice %arg9[%dma_start3A_411] : memref<4096xf32, #tpu.memory_space<vmem>> -> memref<1024xf32, #tpu.memory_space<vmem>>
      %dma_start3A_413 = tpu.memref_slice %arg5[%add3A_410] : memref<26214400xf32, #tpu.memory_space<hbm>> -> memref<1024xf32, #tpu.memory_space<hbm>>
      %dma_start3A_414 = tpu.memref_slice %arg5[%add3A_410] : memref<26214400xf32, #tpu.memory_space<hbm>> -> memref<1024xf32, #tpu.memory_space<hbm>>
      %dma_start3A_415 = arith.constant 3072 : i32
      %dma_start3A_416 = tpu.memref_slice %arg9[%dma_start3A_415] : memref<4096xf32, #tpu.memory_space<vmem>> -> memref<1024xf32, #tpu.memory_space<vmem>>
      tpu.enqueue_dma source(%dma_start3A_416 : memref<1024xf32, #tpu.memory_space<vmem>>) target(%dma_start3A_414 : memref<1024xf32, #tpu.memory_space<hbm>>) target_semaphore(%arg14 : memref<!tpu.dma_semaphore, #tpu.memory_space<semaphore_mem>>)
      %dma_wait3A_417 = arith.constant 0 : i32
      %dma_wait3A_418 = tpu.memref_slice %arg5[%dma_wait3A_417] : memref<26214400xf32, #tpu.memory_space<hbm>> -> memref<4096xf32, #tpu.memory_space<hbm>>
      %dma_wait3A_419 = arith.constant 0 : i32
      %dma_wait3A_420 = tpu.memref_slice %arg5[%dma_wait3A_419] : memref<26214400xf32, #tpu.memory_space<hbm>> -> memref<4096xf32, #tpu.memory_space<hbm>>
      tpu.wait_dma2 semaphore(%arg15 : memref<!tpu.dma_semaphore, #tpu.memory_space<semaphore_mem>>) src(%arg10 : memref<4096xf32, #tpu.memory_space<vmem>>) dst(%dma_wait3A_420 : memref<4096xf32, #tpu.memory_space<hbm>>)
      %add3A_421 = arith.constant 3 : i32
      %add3A_422 = arith.addi %add3A_48, %add3A_421 : i32
      %jit3A_423 = arith.constant 32 : i32
      %div3A_424 = arith.divsi %add3A_422, %jit3A_423 : i32
      %sign3A_425 = arith.constant 0 : i32
      %sign3A_426 = arith.cmpi sgt, %add3A_422, %sign3A_425 : i32
      %sign3A_427 = arith.extui %sign3A_426 : i1 to i32
      %sign3A_428 = arith.constant 0 : i32
      %sign3A_429 = arith.cmpi slt, %add3A_422, %sign3A_428 : i32
      %sign3A_430 = arith.extui %sign3A_429 : i1 to i32
      %sign3A_431 = arith.subi %sign3A_427, %sign3A_430 : i32
      %sign3A_432 = arith.constant 0 : i32
      %sign3A_433 = arith.cmpi sgt, %jit3A_423, %sign3A_432 : i32
      %sign3A_434 = arith.extui %sign3A_433 : i1 to i32
      %sign3A_435 = arith.constant 0 : i32
      %sign3A_436 = arith.cmpi slt, %jit3A_423, %sign3A_435 : i32
      %sign3A_437 = arith.extui %sign3A_436 : i1 to i32
      %sign3A_438 = arith.subi %sign3A_434, %sign3A_437 : i32
      %ne3A_439 = arith.cmpi ne, %sign3A_431, %sign3A_438 : i32
      %rem3A_440 = arith.remsi %add3A_422, %jit3A_423 : i32
      %ne3A_441 = arith.constant 0 : i32
      %ne3A_442 = arith.cmpi ne, %rem3A_440, %ne3A_441 : i32
      %and3A_443 = arith.andi %ne3A_439, %ne3A_442 : i1
      %sub3A_444 = arith.constant 1 : i32
      %sub3A_445 = arith.subi %div3A_424, %sub3A_444 : i32
      %select_n3A_446 = arith.select %and3A_443, %sub3A_445, %div3A_424 : i32
      %jit3A_447 = arith.constant 32 : i32
      %eq3A_448 = arith.constant 0 : i32
      %eq3A_449 = arith.cmpi eq, %jit3A_447, %eq3A_448 : i32
      %jit3A_450 = arith.constant 1 : i32
      %select_n3A_451 = arith.select %eq3A_449, %jit3A_450, %jit3A_447 : i32
      %rem3A_452 = arith.remsi %add3A_422, %select_n3A_451 : i32
      %ne3A_453 = arith.constant 0 : i32
      %ne3A_454 = arith.cmpi ne, %rem3A_452, %ne3A_453 : i32
      %lt3A_455 = arith.constant 0 : i32
      %lt3A_456 = arith.cmpi slt, %rem3A_452, %lt3A_455 : i32
      %lt3A_457 = arith.constant 0 : i32
      %lt3A_458 = arith.cmpi slt, %select_n3A_451, %lt3A_457 : i32
      %ne3A_459 = arith.xori %lt3A_456, %lt3A_458 : i1
      %and3A_460 = arith.andi %ne3A_459, %ne3A_454 : i1
      %add3A_461 = arith.addi %rem3A_452, %select_n3A_451 : i32
      %select_n3A_462 = arith.select %and3A_460, %add3A_461, %rem3A_452 : i32
      %sub3A_463 = arith.subi %select_n3A_446, %min3A_21 : i32
      %mul3A_464 = arith.constant 512 : i32
      %mul3A_465 = arith.muli %sub3A_463, %mul3A_464 : i32
      %iota3A_466 = tpu.iota {dimensions = array<i32: 0>} : vector<16xi32>
      %scan3A_467 = arith.constant 0 : i32
      %scan3A_468 = arith.constant 0 : i32
      %scan3A_469 = arith.constant 32 : i32
      %scan3A_470 = arith.addi %scan3A_468, %scan3A_469 : i32
      %scan3A_471 = arith.constant 1 : i32
      scf.for %scan3A_537 = %scan3A_468 to %scan3A_470 step %scan3A_471  : i32 {
        %mul3A_538 = arith.constant 16 : i32
        %mul3A_539 = arith.muli %scan3A_537, %mul3A_538 : i32
        %add3A_540 = arith.addi %mul3A_465, %mul3A_539 : i32
        %get3A = arith.index_cast %add3A_540 : i32 to index
        %get3A_541 = tpu.vector_load %arg11[%get3A] {strides = array<i32>} : memref<4096xf32, #tpu.memory_space<vmem>>, vector<16xf32>,
        %broadcast_in_dim3A = vector.broadcast %scan3A_537 : i32 to vector<16xi32>
        %add3A_542 = arith.constant 128 : i32
        %add3A_543 = vector.broadcast %add3A_542 : i32 to vector<16xi32>
        %add3A_544 = arith.addi %add3A_543, %iota3A_466 : vector<16xi32>
        %add3A_545 = arith.constant 0 : i32
        %add3A_546 = vector.broadcast %add3A_545 : i32 to vector<16xi32>
        %add3A_547 = arith.addi %add3A_544, %add3A_546 : vector<16xi32>
        %gather3A = tpu.vector_load_idx %arg8[%add3A_547, %broadcast_in_dim3A] : memref<256x40xf32, #tpu.memory_space<vmem>>[vector<16xi32>, vector<16xi32>], vector<16xf32>,
        %add3A_548 = arith.addf %gather3A, %get3A_541 : vector<16xf32>
        %mul3A_549 = arith.constant 128 : i32
        %mul3A_550 = arith.muli %scan3A_537, %mul3A_549 : i32
        %add3A_551 = arith.constant 0 : i32
        %add3A_552 = arith.addi %mul3A_550, %add3A_551 : i32
        %swap3A = arith.index_cast %add3A_552 : i32 to index
        %swap3A_553 = tpu.vector_load %arg10[%swap3A] {strides = array<i32>} : memref<4096xf32, #tpu.memory_space<vmem>>, vector<16xf32>,
        tpu.vector_store %arg10[%swap3A], %add3A_548 {strides = array<i32>} : memref<4096xf32, #tpu.memory_space<vmem>>, vector<16xf32>,
        %add3A_554 = arith.constant 128 : i32
        %add3A_555 = vector.broadcast %add3A_554 : i32 to vector<16xi32>
        %add3A_556 = arith.addi %add3A_555, %iota3A_466 : vector<16xi32>
        %add3A_557 = arith.constant 16 : i32
        %add3A_558 = vector.broadcast %add3A_557 : i32 to vector<16xi32>
        %add3A_559 = arith.addi %add3A_556, %add3A_558 : vector<16xi32>
        %gather3A_560 = tpu.vector_load_idx %arg8[%add3A_559, %broadcast_in_dim3A] : memref<256x40xf32, #tpu.memory_space<vmem>>[vector<16xi32>, vector<16xi32>], vector<16xf32>,
        %add3A_561 = arith.addf %gather3A_560, %get3A_541 : vector<16xf32>
        %mul3A_562 = arith.constant 128 : i32
        %mul3A_563 = arith.muli %scan3A_537, %mul3A_562 : i32
        %add3A_564 = arith.constant 16 : i32
        %add3A_565 = arith.addi %mul3A_563, %add3A_564 : i32
        %swap3A_566 = arith.index_cast %add3A_565 : i32 to index
        %swap3A_567 = tpu.vector_load %arg10[%swap3A_566] {strides = array<i32>} : memref<4096xf32, #tpu.memory_space<vmem>>, vector<16xf32>,
        tpu.vector_store %arg10[%swap3A_566], %add3A_561 {strides = array<i32>} : memref<4096xf32, #tpu.memory_space<vmem>>, vector<16xf32>,
        %add3A_568 = arith.constant 128 : i32
        %add3A_569 = vector.broadcast %add3A_568 : i32 to vector<16xi32>
        %add3A_570 = arith.addi %add3A_569, %iota3A_466 : vector<16xi32>
        %add3A_571 = arith.constant 32 : i32
        %add3A_572 = vector.broadcast %add3A_571 : i32 to vector<16xi32>
        %add3A_573 = arith.addi %add3A_570, %add3A_572 : vector<16xi32>
        %gather3A_574 = tpu.vector_load_idx %arg8[%add3A_573, %broadcast_in_dim3A] : memref<256x40xf32, #tpu.memory_space<vmem>>[vector<16xi32>, vector<16xi32>], vector<16xf32>,
        %add3A_575 = arith.addf %gather3A_574, %get3A_541 : vector<16xf32>
        %mul3A_576 = arith.constant 128 : i32
        %mul3A_577 = arith.muli %scan3A_537, %mul3A_576 : i32
        %add3A_578 = arith.constant 32 : i32
        %add3A_579 = arith.addi %mul3A_577, %add3A_578 : i32
        %swap3A_580 = arith.index_cast %add3A_579 : i32 to index
        %swap3A_581 = tpu.vector_load %arg10[%swap3A_580] {strides = array<i32>} : memref<4096xf32, #tpu.memory_space<vmem>>, vector<16xf32>,
        tpu.vector_store %arg10[%swap3A_580], %add3A_575 {strides = array<i32>} : memref<4096xf32, #tpu.memory_space<vmem>>, vector<16xf32>,
        %add3A_582 = arith.constant 128 : i32
        %add3A_583 = vector.broadcast %add3A_582 : i32 to vector<16xi32>
        %add3A_584 = arith.addi %add3A_583, %iota3A_466 : vector<16xi32>
        %add3A_585 = arith.constant 48 : i32
        %add3A_586 = vector.broadcast %add3A_585 : i32 to vector<16xi32>
        %add3A_587 = arith.addi %add3A_584, %add3A_586 : vector<16xi32>
        %gather3A_588 = tpu.vector_load_idx %arg8[%add3A_587, %broadcast_in_dim3A] : memref<256x40xf32, #tpu.memory_space<vmem>>[vector<16xi32>, vector<16xi32>], vector<16xf32>,
        %add3A_589 = arith.addf %gather3A_588, %get3A_541 : vector<16xf32>
        %mul3A_590 = arith.constant 128 : i32
        %mul3A_591 = arith.muli %scan3A_537, %mul3A_590 : i32
        %add3A_592 = arith.constant 48 : i32
        %add3A_593 = arith.addi %mul3A_591, %add3A_592 : i32
        %swap3A_594 = arith.index_cast %add3A_593 : i32 to index
        %swap3A_595 = tpu.vector_load %arg10[%swap3A_594] {strides = array<i32>} : memref<4096xf32, #tpu.memory_space<vmem>>, vector<16xf32>,
        tpu.vector_store %arg10[%swap3A_594], %add3A_589 {strides = array<i32>} : memref<4096xf32, #tpu.memory_space<vmem>>, vector<16xf32>,
        %add3A_596 = arith.constant 128 : i32
        %add3A_597 = vector.broadcast %add3A_596 : i32 to vector<16xi32>
        %add3A_598 = arith.addi %add3A_597, %iota3A_466 : vector<16xi32>
        %add3A_599 = arith.constant 64 : i32
        %add3A_600 = vector.broadcast %add3A_599 : i32 to vector<16xi32>
        %add3A_601 = arith.addi %add3A_598, %add3A_600 : vector<16xi32>
        %gather3A_602 = tpu.vector_load_idx %arg8[%add3A_601, %broadcast_in_dim3A] : memref<256x40xf32, #tpu.memory_space<vmem>>[vector<16xi32>, vector<16xi32>], vector<16xf32>,
        %add3A_603 = arith.addf %gather3A_602, %get3A_541 : vector<16xf32>
        %mul3A_604 = arith.constant 128 : i32
        %mul3A_605 = arith.muli %scan3A_537, %mul3A_604 : i32
        %add3A_606 = arith.constant 64 : i32
        %add3A_607 = arith.addi %mul3A_605, %add3A_606 : i32
        %swap3A_608 = arith.index_cast %add3A_607 : i32 to index
        %swap3A_609 = tpu.vector_load %arg10[%swap3A_608] {strides = array<i32>} : memref<4096xf32, #tpu.memory_space<vmem>>, vector<16xf32>,
        tpu.vector_store %arg10[%swap3A_608], %add3A_603 {strides = array<i32>} : memref<4096xf32, #tpu.memory_space<vmem>>, vector<16xf32>,
        %add3A_610 = arith.constant 128 : i32
        %add3A_611 = vector.broadcast %add3A_610 : i32 to vector<16xi32>
        %add3A_612 = arith.addi %add3A_611, %iota3A_466 : vector<16xi32>
        %add3A_613 = arith.constant 80 : i32
        %add3A_614 = vector.broadcast %add3A_613 : i32 to vector<16xi32>
        %add3A_615 = arith.addi %add3A_612, %add3A_614 : vector<16xi32>
        %gather3A_616 = tpu.vector_load_idx %arg8[%add3A_615, %broadcast_in_dim3A] : memref<256x40xf32, #tpu.memory_space<vmem>>[vector<16xi32>, vector<16xi32>], vector<16xf32>,
        %add3A_617 = arith.addf %gather3A_616, %get3A_541 : vector<16xf32>
        %mul3A_618 = arith.constant 128 : i32
        %mul3A_619 = arith.muli %scan3A_537, %mul3A_618 : i32
        %add3A_620 = arith.constant 80 : i32
        %add3A_621 = arith.addi %mul3A_619, %add3A_620 : i32
        %swap3A_622 = arith.index_cast %add3A_621 : i32 to index
        %swap3A_623 = tpu.vector_load %arg10[%swap3A_622] {strides = array<i32>} : memref<4096xf32, #tpu.memory_space<vmem>>, vector<16xf32>,
        tpu.vector_store %arg10[%swap3A_622], %add3A_617 {strides = array<i32>} : memref<4096xf32, #tpu.memory_space<vmem>>, vector<16xf32>,
        %add3A_624 = arith.constant 128 : i32
        %add3A_625 = vector.broadcast %add3A_624 : i32 to vector<16xi32>
        %add3A_626 = arith.addi %add3A_625, %iota3A_466 : vector<16xi32>
        %add3A_627 = arith.constant 96 : i32
        %add3A_628 = vector.broadcast %add3A_627 : i32 to vector<16xi32>
        %add3A_629 = arith.addi %add3A_626, %add3A_628 : vector<16xi32>
        %gather3A_630 = tpu.vector_load_idx %arg8[%add3A_629, %broadcast_in_dim3A] : memref<256x40xf32, #tpu.memory_space<vmem>>[vector<16xi32>, vector<16xi32>], vector<16xf32>,
        %add3A_631 = arith.addf %gather3A_630, %get3A_541 : vector<16xf32>
        %mul3A_632 = arith.constant 128 : i32
        %mul3A_633 = arith.muli %scan3A_537, %mul3A_632 : i32
        %add3A_634 = arith.constant 96 : i32
        %add3A_635 = arith.addi %mul3A_633, %add3A_634 : i32
        %swap3A_636 = arith.index_cast %add3A_635 : i32 to index
        %swap3A_637 = tpu.vector_load %arg10[%swap3A_636] {strides = array<i32>} : memref<4096xf32, #tpu.memory_space<vmem>>, vector<16xf32>,
        tpu.vector_store %arg10[%swap3A_636], %add3A_631 {strides = array<i32>} : memref<4096xf32, #tpu.memory_space<vmem>>, vector<16xf32>,
        %add3A_638 = arith.constant 128 : i32
        %add3A_639 = vector.broadcast %add3A_638 : i32 to vector<16xi32>
        %add3A_640 = arith.addi %add3A_639, %iota3A_466 : vector<16xi32>
        %add3A_641 = arith.constant 112 : i32
        %add3A_642 = vector.broadcast %add3A_641 : i32 to vector<16xi32>
        %add3A_643 = arith.addi %add3A_640, %add3A_642 : vector<16xi32>
        %gather3A_644 = tpu.vector_load_idx %arg8[%add3A_643, %broadcast_in_dim3A] : memref<256x40xf32, #tpu.memory_space<vmem>>[vector<16xi32>, vector<16xi32>], vector<16xf32>,
        %add3A_645 = arith.addf %gather3A_644, %get3A_541 : vector<16xf32>
        %mul3A_646 = arith.constant 128 : i32
        %mul3A_647 = arith.muli %scan3A_537, %mul3A_646 : i32
        %add3A_648 = arith.constant 112 : i32
        %add3A_649 = arith.addi %mul3A_647, %add3A_648 : i32
        %swap3A_650 = arith.index_cast %add3A_649 : i32 to index
        %swap3A_651 = tpu.vector_load %arg10[%swap3A_650] {strides = array<i32>} : memref<4096xf32, #tpu.memory_space<vmem>>, vector<16xf32>,
        tpu.vector_store %arg10[%swap3A_650], %add3A_645 {strides = array<i32>} : memref<4096xf32, #tpu.memory_space<vmem>>, vector<16xf32>,
      }
      %scan3A_472 = arith.constant 32 : i32
      %mul3A_473 = arith.constant 4 : i32
      %mul3A_474 = arith.muli %select_n3A_446, %mul3A_473 : i32
      %add3A_475 = arith.constant 0 : i32
      %add3A_476 = arith.addi %mul3A_474, %add3A_475 : i32
      %mul3A_477 = arith.constant 32768 : i32
      %mul3A_478 = arith.muli %add3A_476, %mul3A_477 : i32
      %mul3A_479 = arith.constant 1024 : i32
      %mul3A_480 = arith.muli %select_n3A_462, %mul3A_479 : i32
      %add3A_481 = arith.addi %mul3A_478, %mul3A_480 : i32
      %dma_start3A_482 = arith.constant 0 : i32
      %dma_start3A_483 = tpu.memref_slice %arg10[%dma_start3A_482] : memref<4096xf32, #tpu.memory_space<vmem>> -> memref<1024xf32, #tpu.memory_space<vmem>>
      %dma_start3A_484 = tpu.memref_slice %arg5[%add3A_481] : memref<26214400xf32, #tpu.memory_space<hbm>> -> memref<1024xf32, #tpu.memory_space<hbm>>
      %dma_start3A_485 = tpu.memref_slice %arg5[%add3A_481] : memref<26214400xf32, #tpu.memory_space<hbm>> -> memref<1024xf32, #tpu.memory_space<hbm>>
      %dma_start3A_486 = arith.constant 0 : i32
      %dma_start3A_487 = tpu.memref_slice %arg10[%dma_start3A_486] : memref<4096xf32, #tpu.memory_space<vmem>> -> memref<1024xf32, #tpu.memory_space<vmem>>
      tpu.enqueue_dma source(%dma_start3A_487 : memref<1024xf32, #tpu.memory_space<vmem>>) target(%dma_start3A_485 : memref<1024xf32, #tpu.memory_space<hbm>>) target_semaphore(%arg15 : memref<!tpu.dma_semaphore, #tpu.memory_space<semaphore_mem>>)
      %mul3A_488 = arith.constant 4 : i32
      %mul3A_489 = arith.muli %select_n3A_446, %mul3A_488 : i32
      %add3A_490 = arith.constant 1 : i32
      %add3A_491 = arith.addi %mul3A_489, %add3A_490 : i32
      %mul3A_492 = arith.constant 32768 : i32
      %mul3A_493 = arith.muli %add3A_491, %mul3A_492 : i32
      %mul3A_494 = arith.constant 1024 : i32
      %mul3A_495 = arith.muli %select_n3A_462, %mul3A_494 : i32
      %add3A_496 = arith.addi %mul3A_493, %mul3A_495 : i32
      %dma_start3A_497 = arith.constant 1024 : i32
      %dma_start3A_498 = tpu.memref_slice %arg10[%dma_start3A_497] : memref<4096xf32, #tpu.memory_space<vmem>> -> memref<1024xf32, #tpu.memory_space<vmem>>
      %dma_start3A_499 = tpu.memref_slice %arg5[%add3A_496] : memref<26214400xf32, #tpu.memory_space<hbm>> -> memref<1024xf32, #tpu.memory_space<hbm>>
      %dma_start3A_500 = tpu.memref_slice %arg5[%add3A_496] : memref<26214400xf32, #tpu.memory_space<hbm>> -> memref<1024xf32, #tpu.memory_space<hbm>>
      %dma_start3A_501 = arith.constant 1024 : i32
      %dma_start3A_502 = tpu.memref_slice %arg10[%dma_start3A_501] : memref<4096xf32, #tpu.memory_space<vmem>> -> memref<1024xf32, #tpu.memory_space<vmem>>
      tpu.enqueue_dma source(%dma_start3A_502 : memref<1024xf32, #tpu.memory_space<vmem>>) target(%dma_start3A_500 : memref<1024xf32, #tpu.memory_space<hbm>>) target_semaphore(%arg15 : memref<!tpu.dma_semaphore, #tpu.memory_space<semaphore_mem>>)
      %mul3A_503 = arith.constant 4 : i32
      %mul3A_504 = arith.muli %select_n3A_446, %mul3A_503 : i32
      %add3A_505 = arith.constant 2 : i32
      %add3A_506 = arith.addi %mul3A_504, %add3A_505 : i32
      %mul3A_507 = arith.constant 32768 : i32
      %mul3A_508 = arith.muli %add3A_506, %mul3A_507 : i32
      %mul3A_509 = arith.constant 1024 : i32
      %mul3A_510 = arith.muli %select_n3A_462, %mul3A_509 : i32
      %add3A_511 = arith.addi %mul3A_508, %mul3A_510 : i32
      %dma_start3A_512 = arith.constant 2048 : i32
      %dma_start3A_513 = tpu.memref_slice %arg10[%dma_start3A_512] : memref<4096xf32, #tpu.memory_space<vmem>> -> memref<1024xf32, #tpu.memory_space<vmem>>
      %dma_start3A_514 = tpu.memref_slice %arg5[%add3A_511] : memref<26214400xf32, #tpu.memory_space<hbm>> -> memref<1024xf32, #tpu.memory_space<hbm>>
      %dma_start3A_515 = tpu.memref_slice %arg5[%add3A_511] : memref<26214400xf32, #tpu.memory_space<hbm>> -> memref<1024xf32, #tpu.memory_space<hbm>>
      %dma_start3A_516 = arith.constant 2048 : i32
      %dma_start3A_517 = tpu.memref_slice %arg10[%dma_start3A_516] : memref<4096xf32, #tpu.memory_space<vmem>> -> memref<1024xf32, #tpu.memory_space<vmem>>
      tpu.enqueue_dma source(%dma_start3A_517 : memref<1024xf32, #tpu.memory_space<vmem>>) target(%dma_start3A_515 : memref<1024xf32, #tpu.memory_space<hbm>>) target_semaphore(%arg15 : memref<!tpu.dma_semaphore, #tpu.memory_space<semaphore_mem>>)
      %mul3A_518 = arith.constant 4 : i32
      %mul3A_519 = arith.muli %select_n3A_446, %mul3A_518 : i32
      %add3A_520 = arith.constant 3 : i32
      %add3A_521 = arith.addi %mul3A_519, %add3A_520 : i32
      %mul3A_522 = arith.constant 32768 : i32
      %mul3A_523 = arith.muli %add3A_521, %mul3A_522 : i32
      %mul3A_524 = arith.constant 1024 : i32
      %mul3A_525 = arith.muli %select_n3A_462, %mul3A_524 : i32
      %add3A_526 = arith.addi %mul3A_523, %mul3A_525 : i32
      %dma_start3A_527 = arith.constant 3072 : i32
      %dma_start3A_528 = tpu.memref_slice %arg10[%dma_start3A_527] : memref<4096xf32, #tpu.memory_space<vmem>> -> memref<1024xf32, #tpu.memory_space<vmem>>
      %dma_start3A_529 = tpu.memref_slice %arg5[%add3A_526] : memref<26214400xf32, #tpu.memory_space<hbm>> -> memref<1024xf32, #tpu.memory_space<hbm>>
      %dma_start3A_530 = tpu.memref_slice %arg5[%add3A_526] : memref<26214400xf32, #tpu.memory_space<hbm>> -> memref<1024xf32, #tpu.memory_space<hbm>>
      %dma_start3A_531 = arith.constant 3072 : i32
      %dma_start3A_532 = tpu.memref_slice %arg10[%dma_start3A_531] : memref<4096xf32, #tpu.memory_space<vmem>> -> memref<1024xf32, #tpu.memory_space<vmem>>
      tpu.enqueue_dma source(%dma_start3A_532 : memref<1024xf32, #tpu.memory_space<vmem>>) target(%dma_start3A_530 : memref<1024xf32, #tpu.memory_space<hbm>>) target_semaphore(%arg15 : memref<!tpu.dma_semaphore, #tpu.memory_space<semaphore_mem>>)
      %dma_wait3A_533 = tpu.memref_slice %arg6[%mul3A_296] : memref<25600xi32, #tpu.memory_space<vmem>> -> memref<256xi32, #tpu.memory_space<vmem>>
      %dma_wait3A_534 = arith.constant 0 : i32
      %dma_wait3A_535 = arith.constant 0 : i32
      %dma_wait3A_536 = tpu.memref_slice %arg3[%dma_wait3A_534, %dma_wait3A_535] : memref<1000000x40xf32, #tpu.memory_space<hbm>> -> memref<1000000x40xf32, #tpu.memory_space<hbm>>
      tpu.wait_indirect_dma semaphore(%arg12 : memref<!tpu.dma_semaphore, #tpu.memory_space<semaphore_mem>>) src(%dma_wait3A_536 : memref<1000000x40xf32, #tpu.memory_space<hbm>>) dst(%arg7 : memref<256x40xf32, #tpu.memory_space<vmem>>)
    }
    %scan3A_36 = arith.constant 50 : i32
    %dma_wait3A_37 = arith.constant 0 : i32
    %dma_wait3A_38 = tpu.memref_slice %arg5[%dma_wait3A_37] : memref<26214400xf32, #tpu.memory_space<hbm>> -> memref<4096xf32, #tpu.memory_space<hbm>>
    %dma_wait3A_39 = arith.constant 0 : i32
    %dma_wait3A_40 = tpu.memref_slice %arg5[%dma_wait3A_39] : memref<26214400xf32, #tpu.memory_space<hbm>> -> memref<4096xf32, #tpu.memory_space<hbm>>
    tpu.wait_dma2 semaphore(%arg14 : memref<!tpu.dma_semaphore, #tpu.memory_space<semaphore_mem>>) src(%arg9 : memref<4096xf32, #tpu.memory_space<vmem>>) dst(%dma_wait3A_40 : memref<4096xf32, #tpu.memory_space<hbm>>)
    %dma_wait3A_41 = arith.constant 0 : i32
    %dma_wait3A_42 = tpu.memref_slice %arg5[%dma_wait3A_41] : memref<26214400xf32, #tpu.memory_space<hbm>> -> memref<4096xf32, #tpu.memory_space<hbm>>
    %dma_wait3A_43 = arith.constant 0 : i32
    %dma_wait3A_44 = tpu.memref_slice %arg5[%dma_wait3A_43] : memref<26214400xf32, #tpu.memory_space<hbm>> -> memref<4096xf32, #tpu.memory_space<hbm>>
    tpu.wait_dma2 semaphore(%arg15 : memref<!tpu.dma_semaphore, #tpu.memory_space<semaphore_mem>>) src(%arg10 : memref<4096xf32, #tpu.memory_space<vmem>>) dst(%dma_wait3A_44 : memref<4096xf32, #tpu.memory_space<hbm>>)
    return
  }
}

</mosaic_0001>

<sc_bundles>
// kernel: _run.4.cloned.1.call-start
scs
__scs_entry_jumppad:
0x0: {  	(pc) =	sbr.rel $0x88, $3  }
0x1: {  	(tag) =	ssettag $0x0;
	lr =	simm.s32 $0x1  }
0x2: {  	[smem:$0x3F9D] =	sst lr;
	_ =	strace $0xD0000000  }
0x3: {  	_ = 	snop  }
0x4: {  	_ = 	snop  }
0x5: {  	_ = 	snop  }
0x6: {  	_ = 	snop  }
0x7: {  	_ = 	snop  }
__scs_overlays_trampoline_lowered:
0x8: {  	[smem:$0x3FAC] =	sst s0  }
0x9: {  	[smem:$0x3FAD] =	sst s1  }
0xa: {  	[smem:$0x3FAE] =	sst s2  }
0xb: {  	[smem:$0x3FAF] =	sst s3  }
0xc: {  	[smem:$0x3FB0] =	sst s4  }
0xd: {  	[smem:$0x3FB1] =	sst s5  }
0xe: {  	[smem:$0x3FB2] =	sst s6  }
0xf: {  	[smem:$0x3FB3] =	sst s7  }
0x10: {  	[smem:$0x3FB4] =	sst s8  }
0x11: {  	[smem:$0x3FB5] =	sst s9;
	s0 =	simm.s32 @!p0 $0x0  }
0x12: {  	s1 =	sld [smem:$0x3F9B];
	s0 =	simm.s32 @p0 $0x1  }
0x13: {  	[smem:$0x3FB6] =	sst s0;
	s0 =	simm.s32 @!p1 $0x0  }
0x14: {  	s2 =	sld [smem:$0x3F9A];
	s0 =	simm.s32 @p1 $0x1  }
0x15: {  	[smem:$0x3FB7] =	sst s0;
	s0 =	simm.s32 @!p2 $0x0  }
0x16: {  	s3 =	sld [smem:$0x3FDB];
	s0 =	simm.s32 @p2 $0x1  }
0x17: {  	s4 =	simm.s32 $0x1BF5;
	[smem:$0x3FB9] =	sst s0  }
0x18: {  	s0 =	sld [smem:$0x3F9C];
	_ =	swait.ge [sflag:s4], $0x0  }
0x19: {  	s7 =	sld [smem:$0x3F9D]  }
0x1a: {  	s8 =	sadd.s32 $0xFFFFE003, lr  }
0x1b: {  	s9 =	sadd.s32 $0xFFFFFEF7, lr;
	s5 =	simm.s32 $0xFFFFFFFF;
	p2 =	slt.u32 s8, $0xFFFFF086  }
0x1c: {  	p1 =	slt.u32 s9, $0xF7A;
	s5 =	simm.s32 @!p2 $0x0  }
0x1d: {  	s5 =	simm.s32 @p1 $0x1;
	p0 =	seq.s32 s7, s2  }
0x1e: {  	s7 =	smul.u32 @!p0 $0xF7A, s2;
	p2 =	seq.s32 @!p0 s5, $0x0  }
0x1f: {  	s9 =	smul.u32 $0xF7A, s1;
	s8 =	simm.s32 @!p0 $0x1BF5;
	p2 =	por !p2, p0  }
0x20: {  	[sflag:s8] =	ssyncset.s32 @!p0 $0xFFFFF086;
	s6 =	sadd.s32 @!p0 s3, s7;
	s7 =	simm.s32 @!p0 $0x108  }
0x21: {  	s3 =	sadd.s32 s3, s9;
	s6 =	sadd.s32 @!p0 $0x88, s6;
	s7 =	simm.s32 @p2 $0x1082  }
0x22: {  	[simem:s7], [sflag:s8] =	dma.local @!p0 [hbm:s6], $0xF7A  }
0x23: {  	s9 =	sor.u32 $0xD0000000, s2;
	s6 =	simm.s32 $0x108;
	_ =	swait.ge @!p0 [sflag:s8], $0x0  }
0x24: {  	s3 =	sadd.s32 $0x88, s3;
	s6 =	simm.s32 @!p1 $0x1082;
	[sflag:s4] =	ssyncset.s32 $0xFFFFF086  }
0x25: {  	[simem:s6], [sflag:s4] =	dma.local [hbm:s3], $0xF7A  }
0x26: {  	[smem:$0x3F9D] =	sst s1;
	(tag) =	ssettag s2;
	_ =	strace s9  }
0x27: {  	s1 =	sld [smem:$0x3FAD]  }
0x28: {  	s2 =	sld [smem:$0x3FAE]  }
0x29: {  	s4 =	sld [smem:$0x3FB0]  }
0x2a: {  	p0 =	seq.s32 s5, $0x0;
	s5 =	sld [smem:$0x3FB1]  }
0x2b: {  	s6 =	sld [smem:$0x3FB2]  }
0x2c: {  	s7 =	sld [smem:$0x3FB3]  }
0x2d: {  	s3 =	simm.s32 $0x108;
	s8 =	sld [smem:$0x3FB4]  }
0x2e: {  	s3 =	simm.s32 @!p0 $0x1082;
	s9 =	sld [smem:$0x3FB5]  }
0x2f: {  	lr =	sadd.s32 s0, s3;
	s0 =	sld [smem:$0x3FAC]  }
0x30: {  	s3 =	sld [smem:$0x3FAF]  }
0x31: {  	[smem:$0x3FB8] =	sst s10  }
0x32: {  	s10 =	sld [smem:$0x3FB6];
	_ =	sdelay $0x3  }
0x33: {  	p0 =	seq.s32 s10, $0x1;
	s10 =	sld [smem:$0x3FB8];
	_ =	sdelay $0x3  }
0x34: {  	[smem:$0x3FB8] =	sst s10  }
0x35: {  	s10 =	sld [smem:$0x3FB7];
	_ =	sdelay $0x3  }
0x36: {  	p1 =	seq.s32 s10, $0x1;
	s10 =	sld [smem:$0x3FB8];
	_ =	sdelay $0x3  }
0x37: {  	[smem:$0x3FB8] =	sst s10  }
0x38: {  	s10 =	sld [smem:$0x3FB9]  }
0x39: {  	_ = 	snop;
	(pc) =	sbr.ind lr, $3  }
0x3a: {  	_ = 	snop  }
0x3b: {  	_ = 	snop  }
0x3c: {  	p2 =	seq.s32 s10, $0x1;
	s10 =	sld [smem:$0x3FB8]  }
0x3d: {  	_ =	shalt  }
0x3e: {  	_ =	shalt  }
0x3f: {  	_ =	shalt  }
0x40: {  	_ =	shalt  }
0x41: {  	_ =	shalt  }
0x42: {  	_ =	shalt  }
0x43: {  	_ =	shalt  }
0x44: {  	_ =	shalt  }
0x45: {  	_ =	shalt  }
0x46: {  	_ =	shalt  }
0x47: {  	_ =	shalt  }
0x48: {  	_ =	shalt  }
0x49: {  	_ =	shalt  }
0x4a: {  	_ =	shalt  }
0x4b: {  	_ =	shalt  }
0x4c: {  	_ =	shalt  }
0x4d: {  	_ =	shalt  }
0x4e: {  	_ =	shalt  }
0x4f: {  	_ =	shalt  }
0x50: {  	_ =	shalt  }
0x51: {  	_ =	shalt  }
0x52: {  	_ =	shalt  }
0x53: {  	_ =	shalt  }
0x54: {  	_ =	shalt  }
0x55: {  	_ =	shalt  }
0x56: {  	_ =	shalt  }
0x57: {  	_ =	shalt  }
0x58: {  	_ =	shalt  }
0x59: {  	_ =	shalt  }
0x5a: {  	_ =	shalt  }
0x5b: {  	_ =	shalt  }
0x5c: {  	_ =	shalt  }
0x5d: {  	_ =	shalt  }
0x5e: {  	_ =	shalt  }
0x5f: {  	_ =	shalt  }
0x60: {  	_ =	shalt  }
0x61: {  	_ =	shalt  }
0x62: {  	_ =	shalt  }
0x63: {  	_ =	shalt  }
0x64: {  	_ =	shalt  }
0x65: {  	_ =	shalt  }
0x66: {  	_ =	shalt  }
0x67: {  	_ =	shalt  }
0x68: {  	_ =	shalt  }
0x69: {  	_ =	shalt  }
0x6a: {  	_ =	shalt  }
0x6b: {  	_ =	shalt  }
0x6c: {  	_ =	shalt  }
0x6d: {  	_ =	shalt  }
0x6e: {  	_ =	shalt  }
0x6f: {  	_ =	shalt  }
0x70: {  	_ =	shalt  }
0x71: {  	_ =	shalt  }
0x72: {  	_ =	shalt  }
0x73: {  	_ =	shalt  }
0x74: {  	_ =	shalt  }
0x75: {  	_ =	shalt  }
0x76: {  	_ =	shalt  }
0x77: {  	_ =	shalt  }
0x78: {  	_ =	shalt  }
0x79: {  	_ =	shalt  }
0x7a: {  	_ =	shalt  }
0x7b: {  	_ =	shalt  }
0x7c: {  	_ =	shalt  }
0x7d: {  	_ =	shalt  }
0x7e: {  	_ =	shalt  }
0x7f: {  	_ =	shalt  }
0x80: {  	_ =	shalt  }
0x81: {  	_ =	shalt  }
0x82: {  	_ =	shalt  }
0x83: {  	_ =	shalt  }
0x84: {  	_ =	shalt  }
0x85: {  	_ =	shalt  }
0x86: {  	_ =	shalt  }
0x87: {  	_ =	shalt  }
.Lfunc_end0:
.L_simem_size_0:
called_computation_lowered:
.L_overlay_start_0:
0x88: {  	s2 =	sld [smem:$0x3FD9]  }
0x89: {  	s3 =	sld [smem:$0x3FFE];
	_ =	sdelay $0x1  }
0x8a: {  	s1 =	srdreg.scid  }
0x8b: {  	s0 =	sand.u32 $0x1, s1  }
0x8c: {  	s17 =	sshll.u32 s0, $0xA;
	s2 =	sadd.s32 s3, s2  }
0x8d: {  	s2 =	sadd.s32 s2, s17  }
0x8e: {  	[smem:$0x3FC4] =	sst s2  }
0x8f: {  	_ = 	snop  }
0x90: {  	s2 =	sld [smem:$0x3FC9]  }
0x91: {  	s18 =	sld [smem:$0x3FC8];
	(tm) =	ssettm $0x1  }
0x92: {  	s4 =	sld [smem:$0x3FFB];
	_ =	sdelay $0x3  }
0x93: {  	_ =	strace s4  }
0x94: {  	s4 =	sld [smem:$0x3FFC];
	_ =	sdelay $0x3  }
0x95: {  	_ =	strace s4  }
0x96: {  	s4 =	sld [smem:$0x3FFD];
	_ =	sdelay $0x3  }
0x97: {  	_ =	strace s4  }
0x98: {  	_ =	strace $0x8FFFFFFF  }
0x99: {  	s19 =	sld [smem:$0x3FDB];
	_ =	sdelay $0x1  }
0x9a: {  	s5 =	simm.s32 $_scs_section_size  }
0x9b: {  	s6 =	simm.s32 $_size__tile_overlayer_lowered;
	s7 =	simm.s32 $_tile_overlayer_lowered  }
0x9c: {  	s22 =	simm.s32 $0x1BFF;
	s21 =	sshll.u32 s7, $0x1;
	s4 =	sadd.s32 s5, s19  }
0x9d: {  	s8 =	simm.s32 $0x0;
	s20 =	sshll.u32 s6, $0x1;
	s6 =	sadd.s32 s21, s4  }
0x9e: {  	[timem:s8], [sflag:s22] =	dma.local [hbm:s6], s20  }
0x9f: {  	_ =	swait.ge [sflag:s22], s20  }
0xa0: {  	s5 =	ssub.s32 $0x0, s20;
	[sflag:s22] =	ssyncset.done $0x0  }
0xa1: {  	[sflag:s22] =	ssyncadd.s32 s5;
	_ =	sdelay $0x1  }
0xa2: {  	s23 =	simm.s32 $0x1B8B  }
0xa3: {  	_ =	swait.ge [sflag:s23], $0x1  }
0xa4: {  	[sflag:s23] =	ssyncset.done $0x0  }
0xa5: {  	s25 =	simm.s32 $0x1B8E;
	s24 =	sld [smem:$0x3FFE];
	[sflag:s23] =	ssyncadd.s32 $0xFFFFFFFF  }
0xa6: {  	s26 =	simm.s32 $execute0_lowered;
	[smem:$0x3FD2] =	sst s25  }
0xa7: {  	s6 =	sshll.u32 s26, $0x1;
	_ =	strace $0x80000046;
	[dreg:$0x1] =	wrdreg $0xFFFFFFFF  }
0xa8: {  	s28 =	simm.s32 $_size_execute0_lowered;
	s4 =	sadd.s32 s4, s6;
	[dreg:$0x0] =	wrdreg $0x0  }
0xa9: {  	s6 =	sshll.u32 s28, $0x1;
	[dreg:$0x2] =	wrdreg s4  }
0xaa: {  	[dreg:$0x3] =	wrdreg s6  }
0xab: {  	[dreg:$0x4] =	wrdreg $0xC0  }
0xac: {  	_ =	task [dreg:s8], $0x5FFFF  }
0xad: {  	[dreg:$0x1] =	wrdreg $0xFFFFFFFF  }
0xae: {  	[dreg:$0x0] =	wrdreg $0x60  }
0xaf: {  	[dreg:$0x2] =	wrdreg s2  }
0xb0: {  	[dreg:$0x3] =	wrdreg s18  }
0xb1: {  	[dreg:$0x4] =	wrdreg s24  }
0xb2: {  	[dreg:$0x5] =	wrdreg $0x9  }
0xb3: {  	_ =	task.clear_ibuf [dreg:s8], $0x6FFFF;
	_ =	strace $0x90000046  }
0xb4: {  	s29 =	simm.s32 $0x9;
	_ =	strace $0x80000048  }
0xb5: {  	_ =	swait.ge [sflag:s29], $0x1  }
0xb6: {  	[sflag:s29] =	ssyncadd.s32 $0xFFFFFFFF  }
0xb7: {  	_ =	strace $0x90000048  }
0xb8: {  	_ =	sfence  }
0xb9: {  	s30 =	sld [smem:$0x0];
	_ =	sdelay $0x2  }
0xba: {  	s31 =	sshll.u32 s1, $0xD;
	s1 =	sshrl.u32 s1, $0x2  }
0xbb: {  	s3 =	sand.u32 $0x4000, s31;
	s1 =	sadd.s32 s1, s30  }
0xbc: {  	s0 =	sor.u32 s3, s0;
	s1 =	sshll.u32 s1, $0x11  }
0xbd: {  	s0 =	sor.u32 s1, s0  }
0xbe: {  	s0 =	sadd.s32 $0x8F2B, s0  }
0xbf: {  	[sflag:s0] =	ssyncadd.remote.s32 $0x1  }
0xc0: {  	_ =	sfence.sel $0xFFFF  }
0xc1: {  	[dreg:$0x0] =	wrdreg $0xFFFFFFFF;
	(pc) =	sbr.abs _section_cstart, $3  }
0xc2: {  	[dreg:$0x1] =	wrdreg $0xFFFFFFFF  }
0xc3: {  	_ =	task.clear_ibuf [dreg:s8], $0x2FFFF;
	_ =	strace $0x9FFFFFFF  }
0xc4: {  	(tm) =	ssettm $0x7FFFFFFF  }
0xc5: {  	_ =	shalt  }
tec
execute0_lowered:
.L_overlay_start_1:
0x0: {  	(tag) =	ssettag $0x1  }
0x1: {  	v0 =	vimm.s32 $0xB80  }
0x2: {  	s1 =	rddreg [dreg:$0x0];
	vm0 =	vcmask $0x300;
	v1 =	vimm.s32 $0x1B80;
	vm1 =	vcmask $0x704  }
0x3: {  	s0 =	rddreg [dreg:$0x2];
	vm15 =	vcmask $0xB08;
	v0 =	vsel vm0, $0x0, v0;
	v1 =	vsel vm0, $0x1000, v1  }
0x4: {  	s2 =	srdreg.scid;
	s3 =	stileid.u32;
	s4 =	simm.s32 $0x0;
	vm4 =	vcmask $0xF0C;
	v0 =	vsel vm1, $0x80, v0;
	v1 =	vsel vm1, $0x1080, v1  }
0x5: {  	vm5 =	vcmask $0x1310;
	s15 =	simm.s32 $0x800;
	s17 =	simm.s32 $0x5;
	s18 =	simm.s32 $0x1000;
	v0 =	vsel vm15, $0x100, v0;
	v1 =	vsel vm15, $0x1100, v1  }
0x6: {  	vm6 =	vcmask $0x1714;
	s20 =	simm.s32 $0x1800;
	s21 =	simm.s32 $0x2000;
	s22 =	simm.s32 $0x2800;
	v0 =	vsel vm4, $0x180, v0;
	v1 =	vsel vm4, $0x1180, v1  }
0x7: {  	vm7 =	vcmask $0x1B18;
	s23 =	simm.s32 $0x3000;
	s28 =	simm.s32 $0x2;
	s29 =	simm.s32 $0x5400;
	v0 =	vsel vm5, $0x200, v0;
	v1 =	vsel vm5, $0x1200, v1  }
0x8: {  	vm8 =	vcmask $0x1F1C;
	s30 =	simm.s32 $0x3;
	s31 =	simm.s32 $0x4;
	s2 =	sand.u32 $0x1, s2;
	v0 =	vsel vm6, $0x280, v0;
	v1 =	vsel vm6, $0x1280, v1  }
0x9: {  	vm9 =	vcmask $0x2320;
	s3 =	sshll.u32 s3, $0x1;
	[smem:$0x7FF] =	sst s4;
	s5 =	sadd.s32 $0x800, s0;
	v0 =	vsel vm7, $0x300, v0;
	v1 =	vsel vm7, $0x1300, v1  }
0xa: {  	s0 =	sadd.s32 $0x4C5200, s0;
	s3 =	sor.u32 s2, s3;
	_ =	strace $0x80000047;
	v0 =	vsel vm8, $0x380, v0;
	v1 =	vsel vm8, $0x1380, v1  }
0xb: {  	vm10 =	vcmask $0x2724;
	s2 =	ssub.s32 $0x2, s2;
	[dreg:$0x4] =	wrdreg s0;
	s7 =	smul.u32 $0x7B00, s3;
	v0 =	vsel vm9, $0x800, v0;
	v1 =	vsel vm9, $0x1800, v1  }
0xc: {  	vm11 =	vcmask $0x2B28;
	s0 =	simm.s32 $0x0;
	s8 =	sshrl.u32 s2, $0x1;
	s6 =	smul.u32 $0xF6, s3;
	v0 =	vsel vm10, $0x880, v0;
	v1 =	vsel vm10, $0x1880, v1  }
0xd: {  	vm12 =	vcmask $0x2F2C;
	p0 =	sne.s32 s3, $0x0;
	s2 =	ssub.s32 s2, s8;
	s8 =	sadd.s32 s1, s7;
	v0 =	vsel vm11, $0x900, v0;
	v1 =	vsel vm11, $0x1900, v1  }
0xe: {  	vm13 =	vcmask $0x3330;
	s9 =	sor.u32 $0x1, s6;
	s10 =	sadd.s32 $0x2, s6;
	s24 =	smax.u32 s2, $0x1;
	v0 =	vsel vm12, $0x980, v0;
	v1 =	vsel vm12, $0x1980, v1  }
0xf: {  	vm14 =	vcmask $0x3734;
	[dreg:$0x5] =	wrdreg s24;
	s25 =	sadd.s32 $0xF4280, s8;
	s26 =	sadd.s32 $0x1E8500, s8;
	v0 =	vsel vm13, $0xA00, v0;
	v1 =	vsel vm13, $0x1A00, v1  }
0x10: {  	vm15 =	vcmask $0x3B38;
	s19 =	sadd.s32 $0x2DC780, s8;
	s24 =	simm.s32 $0x3800;
	[dreg:$0x6] =	wrdreg s25;
	v0 =	vsel vm14, $0xA80, v0;
	v1 =	vsel vm14, $0x1A80, v1  }
0x11: {  	[dreg:$0x7] =	wrdreg s26;
	s25 =	simm.s32 $0x1;
	s26 =	simm.s32 $0x4000;
	v0 =	vsel vm15, $0xB00, v0;
	v1 =	vsel vm15, $0x1B00, v1  }
.LBB2_1:
.Ltmp0:
0x12: {  	(pc) =	sbr.rel @p0 .LBB2_3-.Ltmp0, $1  }
0x13: {  	_ =	sdelay $0x3  }
0x14: {  	s2 =	rddreg [dreg:$0x1];
	s3 =	simm.s32 $0x6800  }
0x15: {  	[tilespmem:s3], [sflag:$0x5] =	stream.linear.gather [hbm4b:s2+s4], $0x800, $0x38;
	[tilespmem:$0x7A00] =	vst v63  }
0x16: {  	_ =	swait.ge [sflag:s17], $0x800  }
0x17: {  	[sflag:s17] =	ssyncset.done $0x0  }
0x18: {  	[sflag:s17] =	ssyncadd.s32 $0xFFFFF800  }
0x19: {  	v2 =	vld [tilespmem:$0x6800]  }
0x1a: {  	v3 =	vld [tilespmem:$0x6810]  }
0x1b: {  	v4 =	vld [tilespmem:$0x6820]  }
0x1c: {  	v5 =	vld [tilespmem:$0x6830]  }
0x1d: {  	v6 =	vld [tilespmem:$0x6840]  }
0x1e: {  	v46 =	vld [tilespmem:$0x6870];
	[tilespmem:$0x7000] =	vst v2  }
0x1f: {  	v2 =	vld [tilespmem:$0x6850];
	[tilespmem:$0x7010] =	vst v3  }
0x20: {  	v3 =	vld [tilespmem:$0x6860];
	[tilespmem:$0x7028] =	vst v4  }
0x21: {  	v47 =	vld [tilespmem:$0x6880];
	[tilespmem:$0x7038] =	vst v5  }
0x22: {  	v48 =	vld [tilespmem:$0x6890];
	[tilespmem:$0x7050] =	vst v6  }
0x23: {  	v49 =	vld [tilespmem:$0x68C0];
	[tilespmem:$0x7088] =	vst v46  }
0x24: {  	[tilespmem:$0x7060] =	vst v2;
	v2 =	vld [tilespmem:$0x68A0]  }
0x25: {  	[tilespmem:$0x7078] =	vst v3;
	v3 =	vld [tilespmem:$0x68B0]  }
0x26: {  	v50 =	vld [tilespmem:$0x68D0];
	[tilespmem:$0x70A0] =	vst v47  }
0x27: {  	v51 =	vld [tilespmem:$0x68E0];
	[tilespmem:$0x70B0] =	vst v48  }
0x28: {  	v52 =	vld [tilespmem:$0x6910];
	[tilespmem:$0x70F0] =	vst v49  }
0x29: {  	[tilespmem:$0x70C8] =	vst v2;
	v2 =	vld [tilespmem:$0x68F0]  }
0x2a: {  	[tilespmem:$0x70D8] =	vst v3;
	v3 =	vld [tilespmem:$0x6900]  }
0x2b: {  	v53 =	vld [tilespmem:$0x6920];
	[tilespmem:$0x7100] =	vst v50  }
0x2c: {  	v54 =	vld [tilespmem:$0x6930];
	[tilespmem:$0x7118] =	vst v51  }
0x2d: {  	v55 =	vld [tilespmem:$0x6960];
	[tilespmem:$0x7150] =	vst v52  }
0x2e: {  	[tilespmem:$0x7128] =	vst v2;
	v2 =	vld [tilespmem:$0x6940]  }
0x2f: {  	[tilespmem:$0x7140] =	vst v3;
	v3 =	vld [tilespmem:$0x6950]  }
0x30: {  	v56 =	vld [tilespmem:$0x6970];
	[tilespmem:$0x7168] =	vst v53  }
0x31: {  	v57 =	vld [tilespmem:$0x6980];
	[tilespmem:$0x7178] =	vst v54  }
0x32: {  	v58 =	vld [tilespmem:$0x69B0];
	[tilespmem:$0x71B8] =	vst v55  }
0x33: {  	[tilespmem:$0x7190] =	vst v2;
	v2 =	vld [tilespmem:$0x6990]  }
0x34: {  	[tilespmem:$0x71A0] =	vst v3;
	v3 =	vld [tilespmem:$0x69A0]  }
0x35: {  	v59 =	vld [tilespmem:$0x69C0];
	[tilespmem:$0x71C8] =	vst v56  }
0x36: {  	v60 =	vld [tilespmem:$0x69D0];
	[tilespmem:$0x71E0] =	vst v57  }
0x37: {  	v61 =	vld [tilespmem:$0x6A00];
	[tilespmem:$0x7218] =	vst v58  }
0x38: {  	[tilespmem:$0x71F0] =	vst v2;
	v2 =	vld [tilespmem:$0x69E0]  }
0x39: {  	[tilespmem:$0x7208] =	vst v3;
	v3 =	vld [tilespmem:$0x69F0]  }
0x3a: {  	v62 =	vld [tilespmem:$0x6A10];
	[tilespmem:$0x7230] =	vst v59  }
0x3b: {  	v63 =	vld [tilespmem:$0x6A20];
	[tilespmem:$0x7240] =	vst v60  }
0x3c: {  	v9 =	vld [tilespmem:$0x6A50];
	[tilespmem:$0x7280] =	vst v61  }
0x3d: {  	[tilespmem:$0x7258] =	vst v2;
	v2 =	vld [tilespmem:$0x6A30]  }
0x3e: {  	[tilespmem:$0x7268] =	vst v3;
	v3 =	vld [tilespmem:$0x6A40]  }
0x3f: {  	v10 =	vld [tilespmem:$0x6A60];
	[tilespmem:$0x7290] =	vst v62  }
0x40: {  	v11 =	vld [tilespmem:$0x6A70];
	[tilespmem:$0x72A8] =	vst v63  }
0x41: {  	v12 =	vld [tilespmem:$0x6AA0];
	[tilespmem:$0x72E0] =	vst v9  }
0x42: {  	[tilespmem:$0x72B8] =	vst v2;
	v2 =	vld [tilespmem:$0x6A80]  }
0x43: {  	[tilespmem:$0x72D0] =	vst v3;
	v3 =	vld [tilespmem:$0x6A90]  }
0x44: {  	v13 =	vld [tilespmem:$0x6AB0];
	[tilespmem:$0x72F8] =	vst v10  }
0x45: {  	v14 =	vld [tilespmem:$0x6AC0];
	[tilespmem:$0x7308] =	vst v11  }
0x46: {  	v15 =	vld [tilespmem:$0x6AF0];
	[tilespmem:$0x7348] =	vst v12  }
0x47: {  	[tilespmem:$0x7320] =	vst v2;
	v2 =	vld [tilespmem:$0x6AD0]  }
0x48: {  	[tilespmem:$0x7330] =	vst v3;
	v3 =	vld [tilespmem:$0x6AE0]  }
0x49: {  	v16 =	vld [tilespmem:$0x6B00];
	[tilespmem:$0x7358] =	vst v13  }
0x4a: {  	v17 =	vld [tilespmem:$0x6B10];
	[tilespmem:$0x7370] =	vst v14  }
0x4b: {  	v18 =	vld [tilespmem:$0x6B40];
	[tilespmem:$0x73A8] =	vst v15  }
0x4c: {  	[tilespmem:$0x7380] =	vst v2;
	v2 =	vld [tilespmem:$0x6B20]  }
0x4d: {  	[tilespmem:$0x7398] =	vst v3;
	v3 =	vld [tilespmem:$0x6B30]  }
0x4e: {  	v19 =	vld [tilespmem:$0x6B50];
	[tilespmem:$0x73C0] =	vst v16  }
0x4f: {  	v20 =	vld [tilespmem:$0x6B60];
	[tilespmem:$0x73D0] =	vst v17  }
0x50: {  	v21 =	vld [tilespmem:$0x6B90];
	[tilespmem:$0x7410] =	vst v18  }
0x51: {  	[tilespmem:$0x73E8] =	vst v2;
	v2 =	vld [tilespmem:$0x6B70]  }
0x52: {  	[tilespmem:$0x73F8] =	vst v3;
	v3 =	vld [tilespmem:$0x6B80]  }
0x53: {  	v22 =	vld [tilespmem:$0x6BA0];
	[tilespmem:$0x7420] =	vst v19  }
0x54: {  	v23 =	vld [tilespmem:$0x6BB0];
	[tilespmem:$0x7438] =	vst v20  }
0x55: {  	v24 =	vld [tilespmem:$0x6BE0];
	[tilespmem:$0x7470] =	vst v21  }
0x56: {  	[tilespmem:$0x7448] =	vst v2;
	v2 =	vld [tilespmem:$0x6BC0]  }
0x57: {  	[tilespmem:$0x7460] =	vst v3;
	v3 =	vld [tilespmem:$0x6BD0]  }
0x58: {  	v25 =	vld [tilespmem:$0x6BF0];
	[tilespmem:$0x7488] =	vst v22  }
0x59: {  	v26 =	vld [tilespmem:$0x6C00];
	[tilespmem:$0x7498] =	vst v23  }
0x5a: {  	v27 =	vld [tilespmem:$0x6C30];
	[tilespmem:$0x74D8] =	vst v24  }
0x5b: {  	[tilespmem:$0x74B0] =	vst v2;
	v2 =	vld [tilespmem:$0x6C10]  }
0x5c: {  	[tilespmem:$0x74C0] =	vst v3;
	v3 =	vld [tilespmem:$0x6C20]  }
0x5d: {  	v28 =	vld [tilespmem:$0x6C40];
	[tilespmem:$0x74E8] =	vst v25  }
0x5e: {  	v29 =	vld [tilespmem:$0x6C50];
	[tilespmem:$0x7500] =	vst v26  }
0x5f: {  	v30 =	vld [tilespmem:$0x6C80];
	[tilespmem:$0x7538] =	vst v27  }
0x60: {  	[tilespmem:$0x7510] =	vst v2;
	v2 =	vld [tilespmem:$0x6C60]  }
0x61: {  	[tilespmem:$0x7528] =	vst v3;
	v3 =	vld [tilespmem:$0x6C70]  }
0x62: {  	v31 =	vld [tilespmem:$0x6C90];
	[tilespmem:$0x7550] =	vst v28  }
0x63: {  	v32 =	vld [tilespmem:$0x6CA0];
	[tilespmem:$0x7560] =	vst v29  }
0x64: {  	v33 =	vld [tilespmem:$0x6CD0];
	[tilespmem:$0x75A0] =	vst v30  }
0x65: {  	[tilespmem:$0x7578] =	vst v2;
	v2 =	vld [tilespmem:$0x6CB0]  }
0x66: {  	[tilespmem:$0x7588] =	vst v3;
	v3 =	vld [tilespmem:$0x6CC0]  }
0x67: {  	v34 =	vld [tilespmem:$0x6CE0];
	[tilespmem:$0x75B0] =	vst v31  }
0x68: {  	v35 =	vld [tilespmem:$0x6CF0];
	[tilespmem:$0x75C8] =	vst v32  }
0x69: {  	v36 =	vld [tilespmem:$0x6D20];
	[tilespmem:$0x7600] =	vst v33  }
0x6a: {  	[tilespmem:$0x75D8] =	vst v2;
	v2 =	vld [tilespmem:$0x6D00]  }
0x6b: {  	[tilespmem:$0x75F0] =	vst v3;
	v3 =	vld [tilespmem:$0x6D10]  }
0x6c: {  	v37 =	vld [tilespmem:$0x6D30];
	[tilespmem:$0x7618] =	vst v34  }
0x6d: {  	v38 =	vld [tilespmem:$0x6D40];
	[tilespmem:$0x7628] =	vst v35  }
0x6e: {  	v39 =	vld [tilespmem:$0x6D70];
	[tilespmem:$0x7668] =	vst v36  }
0x6f: {  	[tilespmem:$0x7640] =	vst v2;
	v2 =	vld [tilespmem:$0x6D50]  }
0x70: {  	[tilespmem:$0x7650] =	vst v3;
	v3 =	vld [tilespmem:$0x6D60]  }
0x71: {  	v40 =	vld [tilespmem:$0x6D80];
	[tilespmem:$0x7678] =	vst v37  }
0x72: {  	v41 =	vld [tilespmem:$0x6D90];
	[tilespmem:$0x7690] =	vst v38  }
0x73: {  	v42 =	vld [tilespmem:$0x6DC0];
	[tilespmem:$0x76C8] =	vst v39  }
0x74: {  	[tilespmem:$0x76A0] =	vst v2;
	v2 =	vld [tilespmem:$0x6DA0]  }
0x75: {  	[tilespmem:$0x76B8] =	vst v3;
	v3 =	vld [tilespmem:$0x6DB0]  }
0x76: {  	v43 =	vld [tilespmem:$0x6DD0];
	[tilespmem:$0x76E0] =	vst v40  }
0x77: {  	v44 =	vld [tilespmem:$0x6DE0];
	[tilespmem:$0x76F0] =	vst v41  }
0x78: {  	v45 =	vld [tilespmem:$0x6E10];
	[tilespmem:$0x7730] =	vst v42  }
0x79: {  	[tilespmem:$0x7708] =	vst v2;
	v2 =	vld [tilespmem:$0x6DF0]  }
0x7a: {  	[tilespmem:$0x7718] =	vst v3;
	v3 =	vld [tilespmem:$0x6E00]  }
0x7b: {  	[tilespmem:$0x7740] =	vst v43;
	v46 =	vld [tilespmem:$0x6E20]  }
0x7c: {  	[tilespmem:$0x7758] =	vst v44;
	v47 =	vld [tilespmem:$0x6E30]  }
0x7d: {  	[tilespmem:$0x7790] =	vst v45;
	v48 =	vld [tilespmem:$0x6E60]  }
0x7e: {  	[tilespmem:$0x7768] =	vst v2;
	v2 =	vld [tilespmem:$0x6E40]  }
0x7f: {  	[tilespmem:$0x7780] =	vst v3;
	v3 =	vld [tilespmem:$0x6E50]  }
0x80: {  	v49 =	vld [tilespmem:$0x6E70];
	[tilespmem:$0x77A8] =	vst v46  }
0x81: {  	v50 =	vld [tilespmem:$0x6E80];
	[tilespmem:$0x77B8] =	vst v47  }
0x82: {  	v51 =	vld [tilespmem:$0x6EB0];
	[tilespmem:$0x77F8] =	vst v48  }
0x83: {  	[tilespmem:$0x77D0] =	vst v2;
	v2 =	vld [tilespmem:$0x6E90]  }
0x84: {  	[tilespmem:$0x77E0] =	vst v3;
	v3 =	vld [tilespmem:$0x6EA0]  }
0x85: {  	v52 =	vld [tilespmem:$0x6EC0];
	[tilespmem:$0x7808] =	vst v49  }
0x86: {  	v53 =	vld [tilespmem:$0x6ED0];
	[tilespmem:$0x7820] =	vst v50  }
0x87: {  	v54 =	vld [tilespmem:$0x6F00];
	[tilespmem:$0x7858] =	vst v51  }
0x88: {  	[tilespmem:$0x7830] =	vst v2;
	v2 =	vld [tilespmem:$0x6EE0]  }
0x89: {  	[tilespmem:$0x7848] =	vst v3;
	v3 =	vld [tilespmem:$0x6EF0]  }
0x8a: {  	v55 =	vld [tilespmem:$0x6F10];
	[tilespmem:$0x7870] =	vst v52  }
0x8b: {  	v56 =	vld [tilespmem:$0x6F20];
	[tilespmem:$0x7880] =	vst v53  }
0x8c: {  	v57 =	vld [tilespmem:$0x6F50];
	[tilespmem:$0x78C0] =	vst v54  }
0x8d: {  	[tilespmem:$0x7898] =	vst v2;
	v2 =	vld [tilespmem:$0x6F30]  }
0x8e: {  	[tilespmem:$0x78A8] =	vst v3;
	v3 =	vld [tilespmem:$0x6F40]  }
0x8f: {  	v58 =	vld [tilespmem:$0x6F60];
	[tilespmem:$0x78D0] =	vst v55  }
0x90: {  	v59 =	vld [tilespmem:$0x6F70];
	[tilespmem:$0x78E8] =	vst v56  }
0x91: {  	v60 =	vld [tilespmem:$0x6FA0];
	[tilespmem:$0x7920] =	vst v57  }
0x92: {  	[tilespmem:$0x78F8] =	vst v2;
	v2 =	vld [tilespmem:$0x6F80]  }
0x93: {  	[tilespmem:$0x7910] =	vst v3;
	v3 =	vld [tilespmem:$0x6F90]  }
0x94: {  	v61 =	vld [tilespmem:$0x6FB0];
	[tilespmem:$0x7938] =	vst v58  }
0x95: {  	v62 =	vld [tilespmem:$0x6FC0];
	[tilespmem:$0x7948] =	vst v59  }
0x96: {  	v63 =	vld [tilespmem:$0x6FF0];
	[tilespmem:$0x7988] =	vst v60  }
0x97: {  	[tilespmem:$0x7960] =	vst v2;
	v2 =	vld [tilespmem:$0x6FD0]  }
0x98: {  	[tilespmem:$0x7970] =	vst v3;
	v3 =	vld [tilespmem:$0x6FE0]  }
0x99: {  	[tilespmem:$0x7998] =	vst v61  }
0x9a: {  	[tilespmem:$0x79B0] =	vst v62  }
0x9b: {  	[tilespmem:$0x79E8] =	vst v63  }
0x9c: {  	[tilespmem:$0x79C0] =	vst v2  }
0x9d: {  	s16 =	simm.s32 $0x7000;
	s14 =	rddreg [dreg:$0x4];
	[tilespmem:$0x79D8] =	vst v3  }
0x9e: {  	[hbm4b:s14+s4] =	stream.linear.scatter [tilespmem:s16], [sflag:$0x5], $0xA00, $0x38;
	[tilespmem:$0x7A00] =	vst v63  }
0x9f: {  	_ =	swait.ge [sflag:s17], $0xA00  }
0xa0: {  	[sflag:s17] =	ssyncset.done $0x0  }
0xa1: {  	[sflag:s17] =	ssyncadd.s32 $0xFFFFF600  }
.LBB2_3:
0xa2: {  	s3 =	simm.s32 $0x0  }
0xa3: {  	[tilespmem:s3], [sflag:$0x1] =	stream.linear.gather [hbm4b:s8+s3], $0x400, $0x38;
	[tilespmem:$0x7A00] =	vst v63  }
0xa4: {  	s2 =	rddreg [dreg:$0x6]  }
0xa5: {  	[tilespmem:s15], [sflag:$0x1] =	stream.linear.gather [hbm4b:s2+s3], $0x400, $0x38;
	[tilespmem:$0x7A00] =	vst v63  }
0xa6: {  	s16 =	rddreg [dreg:$0x7]  }
0xa7: {  	[tilespmem:s18], [sflag:$0x1] =	stream.linear.gather [hbm4b:s16+s3], $0x400, $0x38;
	[tilespmem:$0x7A00] =	vst v63  }
0xa8: {  	s2 =	simm.s32 $0x0  }
0xa9: {  	[tilespmem:s20], [sflag:$0x1] =	stream.linear.gather [hbm4b:s19+s3], $0x400, $0x38;
	[tilespmem:$0x7A00] =	vst v63  }
.LBB2_4:
0xaa: {  	s13 =	sshll.u32 s2, $0x1  }
0xab: {  	s7 =	sadd.s32 s13, s9  }
0xac: {  	s12 =	smin.u32 s7, $0x1E83  }
0xad: {  	s7 =	sshll.u32 s12, $0x7  }
0xae: {  	s7 =	sadd.s32 s1, s7  }
0xaf: {  	[tilespmem:s21], [sflag:$0x2] =	stream.linear.gather [hbm4b:s7+s4], $0x400, $0x38;
	[tilespmem:$0x7A00] =	vst v63  }
0xb0: {  	s11 =	sadd.s32 $0xF4280, s7  }
0xb1: {  	[tilespmem:s22], [sflag:$0x2] =	stream.linear.gather [hbm4b:s11+s4], $0x400, $0x38;
	[tilespmem:$0x7A00] =	vst v63  }
0xb2: {  	s14 =	sadd.s32 $0x1E8500, s7  }
0xb3: {  	[tilespmem:s23], [sflag:$0x2] =	stream.linear.gather [hbm4b:s14+s4], $0x400, $0x38;
	[tilespmem:$0x7A00] =	vst v63  }
0xb4: {  	s7 =	sadd.s32 $0x2DC780, s7  }
0xb5: {  	[tilespmem:s24], [sflag:$0x2] =	stream.linear.gather [hbm4b:s7+s4], $0x400, $0x38;
	[tilespmem:$0x7A00] =	vst v63  }
0xb6: {  	_ =	swait.ge [sflag:s25], $0x1000  }
0xb7: {  	p1 =	seq.s32 s2, $0x0;
	v2 =	vor.u32 s3, v0;
	[sflag:s25] =	ssyncset.done $0x0  }
0xb8: {  	s7 =	simm.s32 @!p1 $0x3;
	[sflag:s25] =	ssyncadd.s32 $0xFFFFF000  }
0xb9: {  	_ =	swait.ge @!p1 [sflag:s7], $0x1400  }
0xba: {  	[sflag:s7] =	ssyncset.done @!p1 $0x0  }
0xbb: {  	[sflag:s7] =	ssyncadd.s32 @!p1 $0xFFFFEC00  }
0xbc: {  	v2 =	vld.idx.msk [tilespmem:v2+s4+$0x0], $0xffff  }
0xbd: {  	v3 =	vor.u32 s3, v1;
	_ =	sdelay $0x2  }
0xbe: {  	s7 =	simm.s32 $0x4050  }
0xbf: {  	[tilespmem:s7+$0xFFFFFFB0] =	vst v2  }
0xc0: {  	s16 =	simm.s32 $0x1;
	v2 =	vld.idx.msk [tilespmem:v3+s4+$0x0], $0xffff  }
0xc1: {  	v3 =	vor.u32 s16, v0;
	_ =	sdelay $0x3  }
0xc2: {  	[tilespmem:s7+$0xFFFFFFC0] =	vst v2  }
0xc3: {  	v2 =	vld.idx.msk [tilespmem:v3+s4+$0x0], $0xffff  }
0xc4: {  	v3 =	vor.u32 s16, v1;
	_ =	sdelay $0x3  }
0xc5: {  	[tilespmem:s7+$0xFFFFFFD8] =	vst v2  }
0xc6: {  	s14 =	simm.s32 $0x2;
	v2 =	vld.idx.msk [tilespmem:v3+s4+$0x0], $0xffff  }
0xc7: {  	v3 =	vor.u32 s14, v0;
	_ =	sdelay $0x3  }
0xc8: {  	[tilespmem:s7+$0xFFFFFFE8] =	vst v2  }
0xc9: {  	v2 =	vld.idx.msk [tilespmem:v3+s4+$0x0], $0xffff  }
0xca: {  	v3 =	vor.u32 s14, v1;
	_ =	sdelay $0x3  }
0xcb: {  	[tilespmem:s7+$0x0] =	vst v2  }
0xcc: {  	s16 =	simm.s32 $0x3;
	v2 =	vld.idx.msk [tilespmem:v3+s4+$0x0], $0xffff  }
0xcd: {  	v3 =	vor.u32 s16, v0;
	_ =	sdelay $0x3  }
0xce: {  	[tilespmem:s7+$0x10] =	vst v2  }
0xcf: {  	v2 =	vld.idx.msk [tilespmem:v3+s4+$0x0], $0xffff  }
0xd0: {  	v3 =	vor.u32 s16, v1;
	_ =	sdelay $0x3  }
0xd1: {  	[tilespmem:s7+$0x28] =	vst v2  }
0xd2: {  	s11 =	simm.s32 $0x4;
	v2 =	vld.idx.msk [tilespmem:v3+s4+$0x0], $0xffff  }
0xd3: {  	s14 =	simm.s32 $0x8;
	v3 =	vor.u32 s11, v0  }
.LBB2_5:
0xd4: {  	p2 =	slt.u32 s14, $0x7C;
	_ =	sdelay $0x2  }
0xd5: {  	[tilespmem:s7+$0x38] =	vst v2  }
0xd6: {  	v2 =	vld.idx.msk [tilespmem:v3+s4+$0x0], $0xffff;
	_ =	sdelay $0x1  }
0xd7: {  	v3 =	vor.u32 s11, v1;
	_ =	sdelay $0x2  }
0xd8: {  	s7 =	sadd.s32 $0xA0, s7  }
0xd9: {  	[tilespmem:s7+$0xFFFFFFB0] =	vst v2  }
0xda: {  	v2 =	vld.idx.msk [tilespmem:v3+s4+$0x0], $0xffff  }
0xdb: {  	s16 =	sadd.s32 $0x1, s11  }
0xdc: {  	v3 =	vor.u32 s16, v0;
	_ =	sdelay $0x3  }
0xdd: {  	[tilespmem:s7+$0xFFFFFFC0] =	vst v2  }
0xde: {  	v2 =	vld.idx.msk [tilespmem:v3+s4+$0x0], $0xffff;
	_ =	sdelay $0x1  }
0xdf: {  	v3 =	vor.u32 s16, v1;
	_ =	sdelay $0x3  }
0xe0: {  	[tilespmem:s7+$0xFFFFFFD8] =	vst v2  }
0xe1: {  	v2 =	vld.idx.msk [tilespmem:v3+s4+$0x0], $0xffff  }
0xe2: {  	s16 =	sadd.s32 $0x2, s11  }
0xe3: {  	v3 =	vor.u32 s16, v0;
	_ =	sdelay $0x3  }
0xe4: {  	[tilespmem:s7+$0xFFFFFFE8] =	vst v2  }
0xe5: {  	v2 =	vld.idx.msk [tilespmem:v3+s4+$0x0], $0xffff;
	_ =	sdelay $0x1  }
0xe6: {  	v3 =	vor.u32 s16, v1;
	_ =	sdelay $0x3  }
0xe7: {  	[tilespmem:s7+$0x0] =	vst v2  }
0xe8: {  	v2 =	vld.idx.msk [tilespmem:v3+s4+$0x0], $0xffff  }
0xe9: {  	s16 =	sadd.s32 $0x3, s11;
	s11 =	smov.u32 s14  }
0xea: {  	v3 =	vor.u32 s16, v0;
	_ =	sdelay $0x3  }
0xeb: {  	[tilespmem:s7+$0x10] =	vst v2  }
0xec: {  	v2 =	vld.idx.msk [tilespmem:v3+s4+$0x0], $0xffff;
	_ =	sdelay $0x1  }
0xed: {  	v3 =	vor.u32 s16, v1;
	_ =	sdelay $0x2  }
.Ltmp1:
0xee: {  	(pc) =	sbr.rel @p2 .LBB2_5-.Ltmp1, $3  }
0xef: {  	[tilespmem:s7+$0x28] =	vst v2  }
0xf0: {  	v2 =	vld.idx.msk [tilespmem:v3+s4+$0x0], $0xffff;
	_ =	sdelay $0x1  }
0xf1: {  	s14 =	sadd.s32 $0x4, s14;
	v3 =	vor.u32 s11, v0  }
0xf2: {  	_ =	sdelay $0x2  }
0xf3: {  	[tilespmem:s7+$0x38] =	vst v2  }
0xf4: {  	v2 =	vld.idx.msk [tilespmem:v3+s4+$0x0], $0xffff  }
0xf5: {  	v3 =	vor.u32 s11, v1;
	_ =	sdelay $0x2  }
0xf6: {  	s7 =	sadd.s32 $0xA0, s7  }
0xf7: {  	[tilespmem:s7+$0xFFFFFFB0] =	vst v2  }
0xf8: {  	s14 =	sadd.s32 $0x1, s11;
	v2 =	vld.idx.msk [tilespmem:v3+s4+$0x0], $0xffff  }
0xf9: {  	v3 =	vor.u32 s14, v0;
	_ =	sdelay $0x3  }
0xfa: {  	[tilespmem:s7+$0xFFFFFFC0] =	vst v2  }
0xfb: {  	v2 =	vld.idx.msk [tilespmem:v3+s4+$0x0], $0xffff  }
0xfc: {  	v3 =	vor.u32 s14, v1;
	_ =	sdelay $0x3  }
0xfd: {  	[tilespmem:s7+$0xFFFFFFD8] =	vst v2  }
0xfe: {  	s16 =	sadd.s32 $0x2, s11;
	v2 =	vld.idx.msk [tilespmem:v3+s4+$0x0], $0xffff  }
0xff: {  	v3 =	vor.u32 s16, v0;
	_ =	sdelay $0x3  }
0x100: {  	[tilespmem:s7+$0xFFFFFFE8] =	vst v2  }
0x101: {  	v2 =	vld.idx.msk [tilespmem:v3+s4+$0x0], $0xffff  }
0x102: {  	v3 =	vor.u32 s16, v1;
	_ =	sdelay $0x3  }
0x103: {  	[tilespmem:s7+$0x0] =	vst v2  }
0x104: {  	s16 =	sadd.s32 $0x3, s11;
	v2 =	vld.idx.msk [tilespmem:v3+s4+$0x0], $0xffff  }
0x105: {  	v3 =	vor.u32 s16, v0;
	_ =	sdelay $0x3  }
0x106: {  	[tilespmem:s7+$0x10] =	vst v2  }
0x107: {  	v2 =	vld.idx.msk [tilespmem:v3+s4+$0x0], $0xffff  }
0x108: {  	v3 =	vor.u32 s16, v1;
	_ =	sdelay $0x3  }
0x109: {  	[tilespmem:s7+$0x28] =	vst v2  }
0x10a: {  	s14 =	sadd.s32 s6, s13;
	v2 =	vld.idx.msk [tilespmem:v3+s4+$0x0], $0xffff  }
0x10b: {  	s11 =	smin.u32 s14, $0x1E83  }
0x10c: {  	s11 =	smul.u32 $0x280, s11;
	_ =	sdelay $0x1  }
0x10d: {  	s16 =	sadd.s32 s5, s11;
	s11 =	sadd.s32 s13, s10  }
0x10e: {  	[tilespmem:s7+$0x38] =	vst v2;
	s7 =	smin.u32 s11, $0x1E83  }
0x10f: {  	[hbm4b:s16+s4] =	stream.linear.scatter [tilespmem:s26], [sflag:$0x3], $0x1400, $0x38;
	[tilespmem:$0x7A00] =	vst v63  }
0x110: {  	s7 =	sshll.u32 s7, $0x7  }
0x111: {  	s7 =	sadd.s32 s1, s7  }
0x112: {  	[tilespmem:s4], [sflag:$0x1] =	stream.linear.gather [hbm4b:s7+s4], $0x400, $0x38;
	[tilespmem:$0x7A00] =	vst v63  }
0x113: {  	s13 =	sadd.s32 $0xF4280, s7  }
0x114: {  	[tilespmem:s15], [sflag:$0x1] =	stream.linear.gather [hbm4b:s13+s4], $0x400, $0x38;
	[tilespmem:$0x7A00] =	vst v63  }
0x115: {  	s14 =	sadd.s32 $0x1E8500, s7  }
0x116: {  	[tilespmem:s18], [sflag:$0x1] =	stream.linear.gather [hbm4b:s14+s4], $0x400, $0x38;
	[tilespmem:$0x7A00] =	vst v63  }
0x117: {  	s7 =	sadd.s32 $0x2DC780, s7  }
0x118: {  	[tilespmem:s20], [sflag:$0x1] =	stream.linear.gather [hbm4b:s7+s4], $0x400, $0x38;
	[tilespmem:$0x7A00] =	vst v63  }
0x119: {  	s16 =	simm.s32 $0x0;
	_ =	swait.ge [sflag:s28], $0x1000  }
0x11a: {  	v2 =	vor.u32 s16, v0;
	[sflag:s28] =	ssyncset.done $0x0  }
0x11b: {  	s11 =	simm.s32 @!p1 $0x4;
	[sflag:s28] =	ssyncadd.s32 $0xFFFFF000  }
0x11c: {  	_ =	swait.ge @!p1 [sflag:s11], $0x1400  }
0x11d: {  	[sflag:s11] =	ssyncset.done @!p1 $0x0  }
0x11e: {  	[sflag:s11] =	ssyncadd.s32 @!p1 $0xFFFFEC00  }
0x11f: {  	v2 =	vld.idx.msk [tilespmem:v2+s21+$0x0], $0xffff  }
0x120: {  	v3 =	vor.u32 s16, v1;
	_ =	sdelay $0x2  }
0x121: {  	s7 =	simm.s32 $0x5450  }
0x122: {  	[tilespmem:s7+$0xFFFFFFB0] =	vst v2  }
0x123: {  	s13 =	simm.s32 $0x1;
	v2 =	vld.idx.msk [tilespmem:v3+s21+$0x0], $0xffff  }
0x124: {  	v3 =	vor.u32 s13, v0;
	_ =	sdelay $0x3  }
0x125: {  	[tilespmem:s7+$0xFFFFFFC0] =	vst v2  }
0x126: {  	v2 =	vld.idx.msk [tilespmem:v3+s21+$0x0], $0xffff  }
0x127: {  	v3 =	vor.u32 s13, v1;
	_ =	sdelay $0x3  }
0x128: {  	[tilespmem:s7+$0xFFFFFFD8] =	vst v2  }
0x129: {  	s14 =	simm.s32 $0x2;
	v2 =	vld.idx.msk [tilespmem:v3+s21+$0x0], $0xffff  }
0x12a: {  	v3 =	vor.u32 s14, v0;
	_ =	sdelay $0x3  }
0x12b: {  	[tilespmem:s7+$0xFFFFFFE8] =	vst v2  }
0x12c: {  	v2 =	vld.idx.msk [tilespmem:v3+s21+$0x0], $0xffff  }
0x12d: {  	v3 =	vor.u32 s14, v1;
	_ =	sdelay $0x3  }
0x12e: {  	[tilespmem:s7+$0x0] =	vst v2  }
0x12f: {  	s16 =	simm.s32 $0x3;
	v2 =	vld.idx.msk [tilespmem:v3+s21+$0x0], $0xffff  }
0x130: {  	v3 =	vor.u32 s16, v0;
	_ =	sdelay $0x3  }
0x131: {  	[tilespmem:s7+$0x10] =	vst v2  }
0x132: {  	v2 =	vld.idx.msk [tilespmem:v3+s21+$0x0], $0xffff  }
0x133: {  	v3 =	vor.u32 s16, v1;
	_ =	sdelay $0x3  }
0x134: {  	[tilespmem:s7+$0x28] =	vst v2  }
0x135: {  	s11 =	simm.s32 $0x4;
	v2 =	vld.idx.msk [tilespmem:v3+s21+$0x0], $0xffff  }
0x136: {  	s13 =	simm.s32 $0x8;
	v3 =	vor.u32 s11, v0  }
.LBB2_7:
0x137: {  	p1 =	slt.u32 s13, $0x7C;
	_ =	sdelay $0x2  }
0x138: {  	[tilespmem:s7+$0x38] =	vst v2  }
0x139: {  	v2 =	vld.idx.msk [tilespmem:v3+s21+$0x0], $0xffff;
	_ =	sdelay $0x1  }
0x13a: {  	v3 =	vor.u32 s11, v1;
	_ =	sdelay $0x2  }
0x13b: {  	s7 =	sadd.s32 $0xA0, s7  }
0x13c: {  	[tilespmem:s7+$0xFFFFFFB0] =	vst v2  }
0x13d: {  	v2 =	vld.idx.msk [tilespmem:v3+s21+$0x0], $0xffff  }
0x13e: {  	s14 =	sadd.s32 $0x1, s11  }
0x13f: {  	v3 =	vor.u32 s14, v0;
	_ =	sdelay $0x3  }
0x140: {  	[tilespmem:s7+$0xFFFFFFC0] =	vst v2  }
0x141: {  	v2 =	vld.idx.msk [tilespmem:v3+s21+$0x0], $0xffff;
	_ =	sdelay $0x1  }
0x142: {  	v3 =	vor.u32 s14, v1;
	_ =	sdelay $0x3  }
0x143: {  	[tilespmem:s7+$0xFFFFFFD8] =	vst v2  }
0x144: {  	v2 =	vld.idx.msk [tilespmem:v3+s21+$0x0], $0xffff  }
0x145: {  	s14 =	sadd.s32 $0x2, s11  }
0x146: {  	v3 =	vor.u32 s14, v0;
	_ =	sdelay $0x3  }
0x147: {  	[tilespmem:s7+$0xFFFFFFE8] =	vst v2  }
0x148: {  	v2 =	vld.idx.msk [tilespmem:v3+s21+$0x0], $0xffff;
	_ =	sdelay $0x1  }
0x149: {  	v3 =	vor.u32 s14, v1;
	_ =	sdelay $0x3  }
0x14a: {  	[tilespmem:s7+$0x0] =	vst v2  }
0x14b: {  	v2 =	vld.idx.msk [tilespmem:v3+s21+$0x0], $0xffff  }
0x14c: {  	s14 =	sadd.s32 $0x3, s11;
	s11 =	smov.u32 s13  }
0x14d: {  	v3 =	vor.u32 s14, v0;
	_ =	sdelay $0x3  }
0x14e: {  	[tilespmem:s7+$0x10] =	vst v2  }
0x14f: {  	v2 =	vld.idx.msk [tilespmem:v3+s21+$0x0], $0xffff;
	_ =	sdelay $0x1  }
0x150: {  	v3 =	vor.u32 s14, v1;
	_ =	sdelay $0x2  }
.Ltmp2:
0x151: {  	(pc) =	sbr.rel @p1 .LBB2_7-.Ltmp2, $3  }
0x152: {  	[tilespmem:s7+$0x28] =	vst v2  }
0x153: {  	v2 =	vld.idx.msk [tilespmem:v3+s21+$0x0], $0xffff;
	_ =	sdelay $0x1  }
0x154: {  	s13 =	sadd.s32 $0x4, s13;
	v3 =	vor.u32 s11, v0  }
0x155: {  	_ =	sdelay $0x2  }
0x156: {  	[tilespmem:s7+$0x38] =	vst v2  }
0x157: {  	v2 =	vld.idx.msk [tilespmem:v3+s21+$0x0], $0xffff  }
0x158: {  	v3 =	vor.u32 s11, v1;
	_ =	sdelay $0x2  }
0x159: {  	s7 =	sadd.s32 $0xA0, s7  }
0x15a: {  	[tilespmem:s7+$0xFFFFFFB0] =	vst v2  }
0x15b: {  	s13 =	sadd.s32 $0x1, s11;
	v2 =	vld.idx.msk [tilespmem:v3+s21+$0x0], $0xffff  }
0x15c: {  	v3 =	vor.u32 s13, v0;
	_ =	sdelay $0x3  }
0x15d: {  	[tilespmem:s7+$0xFFFFFFC0] =	vst v2  }
0x15e: {  	v2 =	vld.idx.msk [tilespmem:v3+s21+$0x0], $0xffff  }
0x15f: {  	v3 =	vor.u32 s13, v1;
	_ =	sdelay $0x3  }
0x160: {  	[tilespmem:s7+$0xFFFFFFD8] =	vst v2  }
0x161: {  	s16 =	sadd.s32 $0x2, s11;
	v2 =	vld.idx.msk [tilespmem:v3+s21+$0x0], $0xffff  }
0x162: {  	v3 =	vor.u32 s16, v0;
	_ =	sdelay $0x3  }
0x163: {  	[tilespmem:s7+$0xFFFFFFE8] =	vst v2  }
0x164: {  	v2 =	vld.idx.msk [tilespmem:v3+s21+$0x0], $0xffff  }
0x165: {  	v3 =	vor.u32 s16, v1;
	_ =	sdelay $0x3  }
0x166: {  	[tilespmem:s7+$0x0] =	vst v2  }
0x167: {  	s13 =	sadd.s32 $0x3, s11;
	v2 =	vld.idx.msk [tilespmem:v3+s21+$0x0], $0xffff  }
0x168: {  	v3 =	vor.u32 s13, v0;
	_ =	sdelay $0x3  }
0x169: {  	[tilespmem:s7+$0x10] =	vst v2  }
0x16a: {  	v2 =	vld.idx.msk [tilespmem:v3+s21+$0x0], $0xffff  }
0x16b: {  	v3 =	vor.u32 s13, v1;
	_ =	sdelay $0x3  }
0x16c: {  	[tilespmem:s7+$0x28] =	vst v2  }
0x16d: {  	s2 =	sadd.s32 $0x1, s2;
	v2 =	vld.idx.msk [tilespmem:v3+s21+$0x0], $0xffff  }
0x16e: {  	p1 =	sne.s32 s2, $0x7B  }
.Ltmp3:
0x16f: {  	_ = 	snop;
	(pc) =	sbr.rel @p1 .LBB2_4-.Ltmp3, $3  }
0x170: {  	s14 =	smul.u32 $0x280, s12;
	_ =	sdelay $0x1  }
0x171: {  	s16 =	sadd.s32 s5, s14;
	[tilespmem:s7+$0x38] =	vst v2  }
0x172: {  	[hbm4b:s16+s4] =	stream.linear.scatter [tilespmem:s29], [sflag:$0x4], $0x1400, $0x38;
	[tilespmem:$0x7A00] =	vst v63  }
0x173: {  	_ =	swait.ge [sflag:s25], $0x1000  }
0x174: {  	[sflag:s25] =	ssyncset.done $0x0  }
0x175: {  	[sflag:s25] =	ssyncadd.s32 $0xFFFFF000  }
0x176: {  	_ =	swait.ge [sflag:s30], $0x1400  }
0x177: {  	[sflag:s30] =	ssyncset.done $0x0  }
0x178: {  	[sflag:s30] =	ssyncadd.s32 $0xFFFFEC00  }
0x179: {  	_ =	swait.ge [sflag:s31], $0x1400  }
0x17a: {  	s0 =	sadd.s32 $0x1, s0;
	s2 =	rddreg [dreg:$0x5]  }
0x17b: {  	p1 =	sne.s32 s0, s2  }
.Ltmp4:
0x17c: {  	_ = 	snop;
	(pc) =	sbr.rel @p1 .LBB2_1-.Ltmp4, $3  }
0x17d: {  	_ =	sdelay $0x1  }
0x17e: {  	[sflag:s31] =	ssyncset.done $0x0  }
0x17f: {  	[sflag:s31] =	ssyncadd.s32 $0xFFFFEC00  }
0x180: {  	_ =	sfence.sel $0x180000  }
0x181: {  	[bflag:$0x0] =	sbarrier.arrive $0xFFFF  }
0x182: {  	_ =	strace $0x90000047  }
0x183: {  	s0 =	stileid.u32;
	[bflag:$0x2] =	sbarrier.arrive $0xFFFF  }
0x184: {  	p0 =	sne.s32 s0, $0x0;
	s0 =	rddreg [dreg:$0x3]  }
0x185: {  	s0 =	sadd.s32 @!p0 $0x100000, s0  }
0x186: {  	[sflag:s0] =	ssyncadd.tile.s32 @!p0 $0x1;
	_ =	shalt  }
.Lfunc_end2:
_tile_overlayer_lowered:
.L_overlay_start_2:
0x187: {  	(tag) =	ssettag $0x2  }
0x188: {  	s0 =	rddreg [dreg:$0x0];
	s2 =	stileid.u32  }
0x189: {  	s1 =	rddreg [dreg:$0x1];
	p0 =	sne.s32 s2, $0x0  }
0x18a: {  	s3 =	rddreg [dreg:$0x2];
	[bflag:$0x3] =	sbarrier.arrive $0xFFFF;
	s2 =	simm.s32 @!p0 $0x1C05  }
0x18b: {  	[timem:s3], [sflag:s2] =	dma.local @!p0 [hbm:s0], s1  }
0x18c: {  	s0 =	simm.s32 @!p0 $0x5  }
0x18d: {  	_ =	swait.ge @!p0 [sflag:s0], s1  }
0x18e: {  	s1 =	ssub.s32 @!p0 $0x0, s1;
	[sflag:s0] =	ssyncset.done @!p0 $0x0  }
0x18f: {  	[sflag:s0] =	ssyncadd.s32 @!p0 s1  }
0x190: {  	[bflag:$0x3] =	sbarrier.arrive $0xFFFF  }
0x191: {  	_ =	shalt  }

// kernel: _run.7.cloned.1.call-start
scs
__scs_entry_jumppad:
0x0: {  	(pc) =	sbr.rel $0x88, $3  }
0x1: {  	(tag) =	ssettag $0x0;
	lr =	simm.s32 $0x1  }
0x2: {  	[smem:$0x3F9D] =	sst lr;
	_ =	strace $0xD0000000  }
0x3: {  	_ = 	snop  }
0x4: {  	_ = 	snop  }
0x5: {  	_ = 	snop  }
0x6: {  	_ = 	snop  }
0x7: {  	_ = 	snop  }
__scs_overlays_trampoline_lowered:
0x8: {  	[smem:$0x3FAC] =	sst s0  }
0x9: {  	[smem:$0x3FAD] =	sst s1  }
0xa: {  	[smem:$0x3FAE] =	sst s2  }
0xb: {  	[smem:$0x3FAF] =	sst s3  }
0xc: {  	[smem:$0x3FB0] =	sst s4  }
0xd: {  	[smem:$0x3FB1] =	sst s5  }
0xe: {  	[smem:$0x3FB2] =	sst s6  }
0xf: {  	[smem:$0x3FB3] =	sst s7  }
0x10: {  	[smem:$0x3FB4] =	sst s8  }
0x11: {  	[smem:$0x3FB5] =	sst s9;
	s0 =	simm.s32 @!p0 $0x0  }
0x12: {  	s1 =	sld [smem:$0x3F9B];
	s0 =	simm.s32 @p0 $0x1  }
0x13: {  	[smem:$0x3FB6] =	sst s0;
	s0 =	simm.s32 @!p1 $0x0  }
0x14: {  	s2 =	sld [smem:$0x3F9A];
	s0 =	simm.s32 @p1 $0x1  }
0x15: {  	[smem:$0x3FB7] =	sst s0;
	s0 =	simm.s32 @!p2 $0x0  }
0x16: {  	s3 =	sld [smem:$0x3FDB];
	s0 =	simm.s32 @p2 $0x1  }
0x17: {  	s4 =	simm.s32 $0x1BF5;
	[smem:$0x3FB9] =	sst s0  }
0x18: {  	s0 =	sld [smem:$0x3F9C];
	_ =	swait.ge [sflag:s4], $0x0  }
0x19: {  	s7 =	sld [smem:$0x3F9D]  }
0x1a: {  	s8 =	sadd.s32 $0xFFFFE003, lr  }
0x1b: {  	s9 =	sadd.s32 $0xFFFFFEF7, lr;
	s5 =	simm.s32 $0xFFFFFFFF;
	p2 =	slt.u32 s8, $0xFFFFF086  }
0x1c: {  	p1 =	slt.u32 s9, $0xF7A;
	s5 =	simm.s32 @!p2 $0x0  }
0x1d: {  	s5 =	simm.s32 @p1 $0x1;
	p0 =	seq.s32 s7, s2  }
0x1e: {  	s7 =	smul.u32 @!p0 $0xF7A, s2;
	p2 =	seq.s32 @!p0 s5, $0x0  }
0x1f: {  	s9 =	smul.u32 $0xF7A, s1;
	s8 =	simm.s32 @!p0 $0x1BF5;
	p2 =	por !p2, p0  }
0x20: {  	[sflag:s8] =	ssyncset.s32 @!p0 $0xFFFFF086;
	s6 =	sadd.s32 @!p0 s3, s7;
	s7 =	simm.s32 @!p0 $0x108  }
0x21: {  	s3 =	sadd.s32 s3, s9;
	s6 =	sadd.s32 @!p0 $0x88, s6;
	s7 =	simm.s32 @p2 $0x1082  }
0x22: {  	[simem:s7], [sflag:s8] =	dma.local @!p0 [hbm:s6], $0xF7A  }
0x23: {  	s9 =	sor.u32 $0xD0000000, s2;
	s6 =	simm.s32 $0x108;
	_ =	swait.ge @!p0 [sflag:s8], $0x0  }
0x24: {  	s3 =	sadd.s32 $0x88, s3;
	s6 =	simm.s32 @!p1 $0x1082;
	[sflag:s4] =	ssyncset.s32 $0xFFFFF086  }
0x25: {  	[simem:s6], [sflag:s4] =	dma.local [hbm:s3], $0xF7A  }
0x26: {  	[smem:$0x3F9D] =	sst s1;
	(tag) =	ssettag s2;
	_ =	strace s9  }
0x27: {  	s1 =	sld [smem:$0x3FAD]  }
0x28: {  	s2 =	sld [smem:$0x3FAE]  }
0x29: {  	s4 =	sld [smem:$0x3FB0]  }
0x2a: {  	p0 =	seq.s32 s5, $0x0;
	s5 =	sld [smem:$0x3FB1]  }
0x2b: {  	s6 =	sld [smem:$0x3FB2]  }
0x2c: {  	s7 =	sld [smem:$0x3FB3]  }
0x2d: {  	s3 =	simm.s32 $0x108;
	s8 =	sld [smem:$0x3FB4]  }
0x2e: {  	s3 =	simm.s32 @!p0 $0x1082;
	s9 =	sld [smem:$0x3FB5]  }
0x2f: {  	lr =	sadd.s32 s0, s3;
	s0 =	sld [smem:$0x3FAC]  }
0x30: {  	s3 =	sld [smem:$0x3FAF]  }
0x31: {  	[smem:$0x3FB8] =	sst s10  }
0x32: {  	s10 =	sld [smem:$0x3FB6];
	_ =	sdelay $0x3  }
0x33: {  	p0 =	seq.s32 s10, $0x1;
	s10 =	sld [smem:$0x3FB8];
	_ =	sdelay $0x3  }
0x34: {  	[smem:$0x3FB8] =	sst s10  }
0x35: {  	s10 =	sld [smem:$0x3FB7];
	_ =	sdelay $0x3  }
0x36: {  	p1 =	seq.s32 s10, $0x1;
	s10 =	sld [smem:$0x3FB8];
	_ =	sdelay $0x3  }
0x37: {  	[smem:$0x3FB8] =	sst s10  }
0x38: {  	s10 =	sld [smem:$0x3FB9]  }
0x39: {  	_ = 	snop;
	(pc) =	sbr.ind lr, $3  }
0x3a: {  	_ = 	snop  }
0x3b: {  	_ = 	snop  }
0x3c: {  	p2 =	seq.s32 s10, $0x1;
	s10 =	sld [smem:$0x3FB8]  }
0x3d: {  	_ =	shalt  }
0x3e: {  	_ =	shalt  }
0x3f: {  	_ =	shalt  }
0x40: {  	_ =	shalt  }
0x41: {  	_ =	shalt  }
0x42: {  	_ =	shalt  }
0x43: {  	_ =	shalt  }
0x44: {  	_ =	shalt  }
0x45: {  	_ =	shalt  }
0x46: {  	_ =	shalt  }
0x47: {  	_ =	shalt  }
0x48: {  	_ =	shalt  }
0x49: {  	_ =	shalt  }
0x4a: {  	_ =	shalt  }
0x4b: {  	_ =	shalt  }
0x4c: {  	_ =	shalt  }
0x4d: {  	_ =	shalt  }
0x4e: {  	_ =	shalt  }
0x4f: {  	_ =	shalt  }
0x50: {  	_ =	shalt  }
0x51: {  	_ =	shalt  }
0x52: {  	_ =	shalt  }
0x53: {  	_ =	shalt  }
0x54: {  	_ =	shalt  }
0x55: {  	_ =	shalt  }
0x56: {  	_ =	shalt  }
0x57: {  	_ =	shalt  }
0x58: {  	_ =	shalt  }
0x59: {  	_ =	shalt  }
0x5a: {  	_ =	shalt  }
0x5b: {  	_ =	shalt  }
0x5c: {  	_ =	shalt  }
0x5d: {  	_ =	shalt  }
0x5e: {  	_ =	shalt  }
0x5f: {  	_ =	shalt  }
0x60: {  	_ =	shalt  }
0x61: {  	_ =	shalt  }
0x62: {  	_ =	shalt  }
0x63: {  	_ =	shalt  }
0x64: {  	_ =	shalt  }
0x65: {  	_ =	shalt  }
0x66: {  	_ =	shalt  }
0x67: {  	_ =	shalt  }
0x68: {  	_ =	shalt  }
0x69: {  	_ =	shalt  }
0x6a: {  	_ =	shalt  }
0x6b: {  	_ =	shalt  }
0x6c: {  	_ =	shalt  }
0x6d: {  	_ =	shalt  }
0x6e: {  	_ =	shalt  }
0x6f: {  	_ =	shalt  }
0x70: {  	_ =	shalt  }
0x71: {  	_ =	shalt  }
0x72: {  	_ =	shalt  }
0x73: {  	_ =	shalt  }
0x74: {  	_ =	shalt  }
0x75: {  	_ =	shalt  }
0x76: {  	_ =	shalt  }
0x77: {  	_ =	shalt  }
0x78: {  	_ =	shalt  }
0x79: {  	_ =	shalt  }
0x7a: {  	_ =	shalt  }
0x7b: {  	_ =	shalt  }
0x7c: {  	_ =	shalt  }
0x7d: {  	_ =	shalt  }
0x7e: {  	_ =	shalt  }
0x7f: {  	_ =	shalt  }
0x80: {  	_ =	shalt  }
0x81: {  	_ =	shalt  }
0x82: {  	_ =	shalt  }
0x83: {  	_ =	shalt  }
0x84: {  	_ =	shalt  }
0x85: {  	_ =	shalt  }
0x86: {  	_ =	shalt  }
0x87: {  	_ =	shalt  }
.Lfunc_end0:
.L_simem_size_0:
called_computation.1_lowered:
.L_overlay_start_0:
0x88: {  	s2 =	sld [smem:$0x3FD9]  }
0x89: {  	s3 =	sld [smem:$0x3FFE];
	_ =	sdelay $0x1  }
0x8a: {  	s1 =	srdreg.scid  }
0x8b: {  	s0 =	sand.u32 $0x1, s1  }
0x8c: {  	s17 =	sshll.u32 s0, $0xA;
	s2 =	sadd.s32 s3, s2  }
0x8d: {  	s2 =	sadd.s32 s2, s17  }
0x8e: {  	[smem:$0x3FC4] =	sst s2  }
0x8f: {  	_ = 	snop  }
0x90: {  	s2 =	sld [smem:$0x3FC7]  }
0x91: {  	s18 =	sld [smem:$0x3FC6]  }
0x92: {  	s4 =	sld [smem:$0x3FD0];
	(tm) =	ssettm $0x1  }
0x93: {  	s5 =	sld [smem:$0x3FFB];
	_ =	sdelay $0x3  }
0x94: {  	_ =	strace s5  }
0x95: {  	s5 =	sld [smem:$0x3FFC];
	_ =	sdelay $0x3  }
0x96: {  	_ =	strace s5  }
0x97: {  	s5 =	sld [smem:$0x3FFD];
	_ =	sdelay $0x3  }
0x98: {  	_ =	strace s5  }
0x99: {  	_ =	strace $0x8FFFFFFF  }
0x9a: {  	s19 =	sld [smem:$0x3FDB];
	_ =	sdelay $0x1  }
0x9b: {  	s6 =	simm.s32 $_scs_section_size  }
0x9c: {  	s7 =	simm.s32 $_size__tile_overlayer_lowered;
	s8 =	simm.s32 $_tile_overlayer_lowered  }
0x9d: {  	s22 =	simm.s32 $0x1BFF;
	s21 =	sshll.u32 s8, $0x1;
	s5 =	sadd.s32 s6, s19  }
0x9e: {  	s9 =	simm.s32 $0x0;
	s20 =	sshll.u32 s7, $0x1;
	s7 =	sadd.s32 s21, s5  }
0x9f: {  	[timem:s9], [sflag:s22] =	dma.local [hbm:s7], s20  }
0xa0: {  	_ =	swait.ge [sflag:s22], s20  }
0xa1: {  	s6 =	ssub.s32 $0x0, s20;
	[sflag:s22] =	ssyncset.done $0x0  }
0xa2: {  	[sflag:s22] =	ssyncadd.s32 s6;
	_ =	sdelay $0x1  }
0xa3: {  	s23 =	simm.s32 $0x1B8B  }
0xa4: {  	_ =	swait.ge [sflag:s23], $0x1  }
0xa5: {  	[sflag:s23] =	ssyncset.done $0x0  }
0xa6: {  	s25 =	simm.s32 $0x1B8E;
	s24 =	sld [smem:$0x3FFE];
	[sflag:s23] =	ssyncadd.s32 $0xFFFFFFFF  }
0xa7: {  	s26 =	simm.s32 $execute0_lowered;
	[smem:$0x3FD2] =	sst s25  }
0xa8: {  	s7 =	sshll.u32 s26, $0x1;
	_ =	strace $0x80000049;
	[dreg:$0x1] =	wrdreg $0xFFFFFFFF  }
0xa9: {  	s28 =	simm.s32 $_size_execute0_lowered;
	s5 =	sadd.s32 s5, s7;
	[dreg:$0x0] =	wrdreg $0x0  }
0xaa: {  	s7 =	sshll.u32 s28, $0x1;
	[dreg:$0x2] =	wrdreg s5  }
0xab: {  	[dreg:$0x3] =	wrdreg s7  }
0xac: {  	[dreg:$0x4] =	wrdreg $0xC0  }
0xad: {  	_ =	task [dreg:s9], $0x5FFFF  }
0xae: {  	[dreg:$0x1] =	wrdreg $0xFFFFFFFF  }
0xaf: {  	[dreg:$0x0] =	wrdreg $0x60  }
0xb0: {  	[dreg:$0x2] =	wrdreg s2  }
0xb1: {  	[dreg:$0x3] =	wrdreg s24  }
0xb2: {  	[dreg:$0x4] =	wrdreg s18  }
0xb3: {  	[dreg:$0x5] =	wrdreg s4  }
0xb4: {  	[dreg:$0x6] =	wrdreg $0x9  }
0xb5: {  	_ =	task.clear_ibuf [dreg:s9], $0x7FFFF;
	_ =	strace $0x90000049  }
0xb6: {  	s29 =	simm.s32 $0x9;
	_ =	strace $0x8000004B  }
0xb7: {  	_ =	swait.ge [sflag:s29], $0x1  }
0xb8: {  	[sflag:s29] =	ssyncadd.s32 $0xFFFFFFFF  }
0xb9: {  	_ =	strace $0x9000004B  }
0xba: {  	_ =	sfence  }
0xbb: {  	s30 =	sld [smem:$0x0];
	_ =	sdelay $0x2  }
0xbc: {  	s31 =	sshll.u32 s1, $0xD;
	s1 =	sshrl.u32 s1, $0x2  }
0xbd: {  	s3 =	sand.u32 $0x4000, s31;
	s1 =	sadd.s32 s1, s30  }
0xbe: {  	s0 =	sor.u32 s3, s0;
	s1 =	sshll.u32 s1, $0x11  }
0xbf: {  	s0 =	sor.u32 s1, s0  }
0xc0: {  	s0 =	sadd.s32 $0x8F2B, s0  }
0xc1: {  	[sflag:s0] =	ssyncadd.remote.s32 $0x1  }
0xc2: {  	_ =	sfence.sel $0xFFFF  }
0xc3: {  	[dreg:$0x0] =	wrdreg $0xFFFFFFFF;
	(pc) =	sbr.abs _section_cstart, $3  }
0xc4: {  	[dreg:$0x1] =	wrdreg $0xFFFFFFFF  }
0xc5: {  	_ =	task.clear_ibuf [dreg:s9], $0x2FFFF;
	_ =	strace $0x9FFFFFFF  }
0xc6: {  	(tm) =	ssettm $0x7FFFFFFF  }
0xc7: {  	_ =	shalt  }
tec
execute0_lowered:
.L_overlay_start_1:
0x0: {  	(tag) =	ssettag $0x1  }
0x1: {  	s0 =	rddreg [dreg:$0x0]  }
0x2: {  	s1 =	rddreg [dreg:$0x1]  }
0x3: {  	s4 =	rddreg [dreg:$0x2]  }
0x4: {  	s2 =	rddreg [dreg:$0x3];
	s3 =	simm.s32 $0x0  }
0x5: {  	s5 =	srdreg.scid;
	s7 =	stileid.u32;
	s16 =	simm.s32 $0x100  }
0x6: {  	s17 =	simm.s32 $0x6400;
	s18 =	simm.s32 $0x1;
	s19 =	simm.s32 $0x8C00  }
0x7: {  	s28 =	simm.s32 $0xD000;
	s29 =	simm.s32 $0x2;
	s30 =	simm.s32 $0x3  }
0x8: {  	s31 =	simm.s32 $0x4;
	s6 =	sand.u32 $0x1, s5;
	s20 =	sshll.u32 s7, $0x1  }
0x9: {  	s7 =	smul.u32 $0x190, s7;
	[smem:$0x7FF] =	sst s3;
	s5 =	sadd.s32 $0x800, s1  }
0xa: {  	s11 =	sadd.s32 $0x3000, s2;
	s8 =	sor.u32 s6, s20;
	s9 =	smul.u32 $0xC8, s6  }
0xb: {  	_ =	strace $0x8000004A;
	s21 =	ssub.s32 $0x2, s6;
	s10 =	smul.u32 $0xC8, s8  }
0xc: {  	s6 =	sshrl.u32 s21, $0x1;
	s8 =	smul.u32 $0xC80, s8;
	s9 =	sadd.s32 s9, s7  }
0xd: {  	v0 =	vlaneseq.u32;
	s1 =	ssub.s32 s21, s6;
	[dreg:$0x5] =	wrdreg s10;
	s22 =	sshrl.u32 s10, $0x5  }
0xe: {  	v0 =	vmul.u32 $0x28, v0;
	[dreg:$0x6] =	wrdreg s9;
	s9 =	sshrl.u32 s9, $0x5;
	s0 =	sadd.s32 s0, s8  }
0xf: {  	s10 =	sadd.s32 $0x2000, s2;
	s1 =	smax.u32 s1, $0x1;
	[dreg:$0x7] =	wrdreg s0  }
0x10: {  	v1 =	vadd.s32 $0x280, v0;
	v2 =	vadd.s32 $0x500, v0;
	v3 =	vadd.s32 $0x780, v0;
	s7 =	smin.u32 s22, $0xC0;
	s9 =	smin.u32 s9, $0xC0;
	[dreg:$0x9] =	wrdreg s1  }
0x11: {  	v4 =	vadd.s32 $0xA00, v0;
	v5 =	vadd.s32 $0xC80, v0;
	v6 =	vadd.s32 $0xF00, v0;
	s1 =	simm.s32 $0x0;
	s23 =	sshll.u32 s7, $0x6;
	s24 =	sshll.u32 s9, $0xB  }
0x12: {  	v7 =	vadd.s32 $0x1180, v0;
	v8 =	vor.u32 $0x1400, v0;
	v9 =	vadd.s32 $0x1680, v0;
	s9 =	sadd.s32 $0x1000, s2;
	s25 =	sadd.s32 s4, s23;
	s26 =	ssub.s32 $0x0, s24  }
0x13: {  	v10 =	vadd.s32 $0x1900, v0;
	v11 =	vadd.s32 $0x1B80, v0;
	v12 =	vadd.s32 $0x1E00, v0;
	s24 =	simm.s32 $0xC400;
	[dreg:$0x8] =	wrdreg s25;
	s0 =	sshra.s32 s26, $0x2  }
0x14: {  	v13 =	vadd.s32 $0x2080, v0;
	v14 =	vadd.s32 $0x2300, v0;
	v15 =	vadd.s32 $0x2580, v0;
	s25 =	simm.s32 $0xC800;
	s26 =	simm.s32 $0xCC00;
	s13 =	sadd.s32 $0xD400, s0  }
.LBB2_1:
0x15: {  	[dreg:$0xa] =	wrdreg s1  }
0x16: {  	s0 =	rddreg [dreg:$0x7];
	s22 =	simm.s32 $0x5  }
0x17: {  	[tilespmem:s3], [sflag:$0x5] =	stream.linear.gather [hbm4b:s0+s3], $0x6400, $0x38;
	[tilespmem:$0xE400] =	vst v63  }
0x18: {  	_ =	swait.ge [sflag:s22], $0x6400  }
0x19: {  	[sflag:s22] =	ssyncset.done $0x0  }
0x1a: {  	s4 =	simm.s32 $0xD400;
	s23 =	rddreg [dreg:$0x8];
	[sflag:s22] =	ssyncadd.s32 $0xFFFF9C00  }
0x1b: {  	[tilespmem:s4], [sflag:$0x5] =	stream.linear.gather [hbm4b:s23+s3], $0x1000, $0x38;
	[tilespmem:$0xE400] =	vst v63  }
0x1c: {  	_ =	swait.ge [sflag:s22], $0x1000  }
0x1d: {  	[sflag:s22] =	ssyncset.done $0x0  }
0x1e: {  	[sflag:s22] =	ssyncadd.s32 $0xFFFFF000  }
0x1f: {  	[tilespmem:s17], [sflag:$0x1] =	stream.indirect.gather [hbm4b:s5+s16], $0x28, s3, s16, $0xb8;
	[tilespmem:$0xE400] =	vst v63  }
0x20: {  	_ =	swait.ge [sflag:s18], $0x2800  }
0x21: {  	[sflag:s18] =	ssyncset.done $0x0  }
0x22: {  	s15 =	simm.s32 $0x0;
	s6 =	rddreg [dreg:$0x6];
	[sflag:s18] =	ssyncadd.s32 $0xFFFFD800  }
.LBB2_2:
0x23: {  	s0 =	sshll.u32 s15, $0x9  }
0x24: {  	s1 =	simm.s32 $0x0;
	s0 =	sand.u32 $0x3FFFFE00, s0  }
0x25: {  	p0 =	seq.s32 s15, $0x0;
	v16 =	vmov s1;
	s0 =	sor.u32 $0x100, s0  }
0x26: {  	v16 =	vand.u32 $0x1F, v16;
	[tilespmem:s19], [sflag:$0x2] =	stream.indirect.gather [hbm4b:s5+s16], $0x28, s0, s16, $0xb8;
	[tilespmem:$0xE400] =	vst v63  }
0x27: {  	v17 =	vadd.s32 v0, v16;
	s0 =	simm.s32 @!p0 $0x3  }
0x28: {  	s22 =	sshll.u32 s6, $0x4;
	_ =	swait.ge @!p0 [sflag:s0], $0x1000  }
0x29: {  	s14 =	sand.u32 $0x3FFFFE00, s22;
	[sflag:s0] =	ssyncset.done @!p0 $0x0  }
0x2a: {  	[sflag:s0] =	ssyncadd.s32 @!p0 $0xFFFFF000;
	s0 =	sadd.s32 s14, s13  }
0x2b: {  	v18 =	vld [tilespmem:s0+$0x0]  }
0x2c: {  	v17 =	vld.idx.msk [tilespmem:v17+s17+$0x0], $0xffff;
	_ =	sdelay $0x2  }
0x2d: {  	v19 =	vadd.s32 v1, v16;
	_ =	sdelay $0x1  }
0x2e: {  	v17 =	vadd.f32 v17, v18  }
0x2f: {  	s8 =	simm.s32 $0xB440  }
0x30: {  	[tilespmem:s8+$0xFFFFFFC0] =	vst v17  }
0x31: {  	v17 =	vld.idx.msk [tilespmem:v19+s17+$0x0], $0xffff;
	_ =	sdelay $0x2  }
0x32: {  	v19 =	vadd.s32 v2, v16;
	_ =	sdelay $0x1  }
0x33: {  	v17 =	vadd.f32 v17, v18;
	_ =	sdelay $0x1  }
0x34: {  	[tilespmem:s8+$0xFFFFFFD0] =	vst v17  }
0x35: {  	v17 =	vld.idx.msk [tilespmem:v19+s17+$0x0], $0xffff;
	_ =	sdelay $0x2  }
0x36: {  	v19 =	vadd.s32 v3, v16;
	_ =	sdelay $0x1  }
0x37: {  	v17 =	vadd.f32 v17, v18;
	_ =	sdelay $0x1  }
0x38: {  	[tilespmem:s8+$0xFFFFFFE0] =	vst v17  }
0x39: {  	v17 =	vld.idx.msk [tilespmem:v19+s17+$0x0], $0xffff;
	_ =	sdelay $0x2  }
0x3a: {  	v19 =	vadd.s32 v4, v16;
	_ =	sdelay $0x1  }
0x3b: {  	v17 =	vadd.f32 v17, v18;
	_ =	sdelay $0x1  }
0x3c: {  	[tilespmem:s8+$0xFFFFFFF0] =	vst v17  }
0x3d: {  	v17 =	vld.idx.msk [tilespmem:v19+s17+$0x0], $0xffff;
	_ =	sdelay $0x2  }
0x3e: {  	v19 =	vadd.s32 v5, v16;
	_ =	sdelay $0x1  }
0x3f: {  	v17 =	vadd.f32 v17, v18;
	_ =	sdelay $0x1  }
0x40: {  	[tilespmem:s8+$0x0] =	vst v17  }
0x41: {  	v17 =	vld.idx.msk [tilespmem:v19+s17+$0x0], $0xffff;
	_ =	sdelay $0x2  }
0x42: {  	v19 =	vadd.s32 v6, v16;
	_ =	sdelay $0x1  }
0x43: {  	v17 =	vadd.f32 v17, v18;
	_ =	sdelay $0x1  }
0x44: {  	[tilespmem:s8+$0x10] =	vst v17  }
0x45: {  	v17 =	vld.idx.msk [tilespmem:v19+s17+$0x0], $0xffff;
	_ =	sdelay $0x2  }
0x46: {  	v16 =	vadd.s32 v7, v16;
	_ =	sdelay $0x1  }
0x47: {  	v17 =	vadd.f32 v17, v18;
	_ =	sdelay $0x1  }
0x48: {  	[tilespmem:s8+$0x20] =	vst v17  }
0x49: {  	s4 =	simm.s32 $0x1;
	v19 =	vld.idx.msk [tilespmem:v16+s17+$0x0], $0xffff  }
0x4a: {  	v16 =	vmov s4  }
0x4b: {  	v16 =	vand.u32 $0x1F, v16  }
0x4c: {  	s1 =	sshll.u32 s15, $0x2;
	s23 =	rddreg [dreg:$0x5];
	v17 =	vadd.s32 v0, v16  }
0x4d: {  	s21 =	simm.s32 $0x2;
	s7 =	sadd.s32 s14, s13;
	s4 =	sadd.s32 s23, s1  }
0x4e: {  	s12 =	sadd.s32 s14, s13;
	s14 =	sadd.s32 s14, s13;
	s20 =	sshrl.u32 s4, $0x5;
	v18 =	vadd.f32 v19, v18  }
.LBB2_3:
0x4f: {  	s0 =	sadd.s32 $0x10, s0  }
0x50: {  	s22 =	smov.u32 s21;
	s23 =	sadd.s32 $0x1, s21;
	[tilespmem:s8+$0x30] =	vst v18;
	s8 =	sadd.s32 $0x80, s8  }
0x51: {  	p1 =	sne.s32 s21, $0x1F;
	v17 =	vld.idx.msk [tilespmem:v17+s17+$0x0], $0xffff  }
0x52: {  	v18 =	vld [tilespmem:s0+$0x0];
	_ =	sdelay $0x2  }
0x53: {  	v19 =	vadd.s32 v1, v16;
	_ =	sdelay $0x1  }
0x54: {  	v17 =	vadd.f32 v17, v18;
	_ =	sdelay $0x1  }
0x55: {  	[tilespmem:s8+$0xFFFFFFC0] =	vst v17  }
0x56: {  	v17 =	vld.idx.msk [tilespmem:v19+s17+$0x0], $0xffff;
	_ =	sdelay $0x3  }
0x57: {  	v19 =	vadd.s32 v2, v16;
	_ =	sdelay $0x1  }
0x58: {  	v17 =	vadd.f32 v17, v18;
	_ =	sdelay $0x1  }
0x59: {  	[tilespmem:s8+$0xFFFFFFD0] =	vst v17  }
0x5a: {  	v17 =	vld.idx.msk [tilespmem:v19+s17+$0x0], $0xffff;
	_ =	sdelay $0x3  }
0x5b: {  	v19 =	vadd.s32 v3, v16;
	_ =	sdelay $0x1  }
0x5c: {  	v17 =	vadd.f32 v17, v18;
	_ =	sdelay $0x1  }
0x5d: {  	[tilespmem:s8+$0xFFFFFFE0] =	vst v17  }
0x5e: {  	v17 =	vld.idx.msk [tilespmem:v19+s17+$0x0], $0xffff;
	_ =	sdelay $0x3  }
0x5f: {  	v19 =	vadd.s32 v4, v16;
	_ =	sdelay $0x1  }
0x60: {  	v17 =	vadd.f32 v17, v18;
	_ =	sdelay $0x1  }
0x61: {  	[tilespmem:s8+$0xFFFFFFF0] =	vst v17  }
0x62: {  	v17 =	vld.idx.msk [tilespmem:v19+s17+$0x0], $0xffff;
	_ =	sdelay $0x3  }
0x63: {  	v19 =	vadd.s32 v5, v16;
	_ =	sdelay $0x1  }
0x64: {  	v17 =	vadd.f32 v17, v18;
	_ =	sdelay $0x1  }
0x65: {  	[tilespmem:s8+$0x0] =	vst v17  }
0x66: {  	v17 =	vld.idx.msk [tilespmem:v19+s17+$0x0], $0xffff;
	_ =	sdelay $0x3  }
0x67: {  	v19 =	vadd.s32 v6, v16;
	_ =	sdelay $0x1  }
0x68: {  	v17 =	vadd.f32 v17, v18;
	_ =	sdelay $0x1  }
0x69: {  	[tilespmem:s8+$0x10] =	vst v17  }
0x6a: {  	v17 =	vld.idx.msk [tilespmem:v19+s17+$0x0], $0xffff;
	_ =	sdelay $0x3  }
0x6b: {  	v16 =	vadd.s32 v7, v16;
	_ =	sdelay $0x1  }
0x6c: {  	v17 =	vadd.f32 v17, v18;
	_ =	sdelay $0x1  }
0x6d: {  	[tilespmem:s8+$0x20] =	vst v17  }
0x6e: {  	v19 =	vld.idx.msk [tilespmem:v16+s17+$0x0], $0xffff;
	_ =	sdelay $0x1  }
.Ltmp0:
0x6f: {  	v16 =	vmov s22;
	(pc) =	sbr.rel @p1 .LBB2_3-.Ltmp0, $3  }
0x70: {  	v16 =	vand.u32 $0x1F, v16  }
0x71: {  	v17 =	vadd.s32 v0, v16;
	_ =	sdelay $0x1  }
0x72: {  	s21 =	smov.u32 s23;
	v18 =	vadd.f32 v19, v18  }
0x73: {  	_ =	sdelay $0x2  }
0x74: {  	[tilespmem:s8+$0x30] =	vst v18  }
0x75: {  	s0 =	sadd.s32 $0x10, s0;
	v17 =	vld.idx.msk [tilespmem:v17+s17+$0x0], $0xffff  }
0x76: {  	v18 =	vld [tilespmem:s0+$0x0];
	_ =	sdelay $0x2  }
0x77: {  	v19 =	vadd.s32 v1, v16;
	_ =	sdelay $0x1  }
0x78: {  	v17 =	vadd.f32 v17, v18  }
0x79: {  	s21 =	sadd.s32 $0x80, s8  }
0x7a: {  	[tilespmem:s21+$0xFFFFFFC0] =	vst v17  }
0x7b: {  	v17 =	vld.idx.msk [tilespmem:v19+s17+$0x0], $0xffff;
	_ =	sdelay $0x2  }
0x7c: {  	v19 =	vadd.s32 v2, v16;
	_ =	sdelay $0x1  }
0x7d: {  	v17 =	vadd.f32 v17, v18;
	_ =	sdelay $0x1  }
0x7e: {  	[tilespmem:s21+$0xFFFFFFD0] =	vst v17  }
0x7f: {  	v17 =	vld.idx.msk [tilespmem:v19+s17+$0x0], $0xffff;
	_ =	sdelay $0x2  }
0x80: {  	v19 =	vadd.s32 v3, v16;
	_ =	sdelay $0x1  }
0x81: {  	v17 =	vadd.f32 v17, v18;
	_ =	sdelay $0x1  }
0x82: {  	[tilespmem:s21+$0xFFFFFFE0] =	vst v17  }
0x83: {  	v17 =	vld.idx.msk [tilespmem:v19+s17+$0x0], $0xffff;
	_ =	sdelay $0x2  }
0x84: {  	v19 =	vadd.s32 v4, v16;
	_ =	sdelay $0x1  }
0x85: {  	v17 =	vadd.f32 v17, v18;
	_ =	sdelay $0x1  }
0x86: {  	[tilespmem:s21+$0xFFFFFFF0] =	vst v17  }
0x87: {  	v17 =	vld.idx.msk [tilespmem:v19+s17+$0x0], $0xffff;
	_ =	sdelay $0x2  }
0x88: {  	v19 =	vadd.s32 v5, v16;
	_ =	sdelay $0x1  }
0x89: {  	v17 =	vadd.f32 v17, v18;
	_ =	sdelay $0x1  }
0x8a: {  	[tilespmem:s21+$0x0] =	vst v17  }
0x8b: {  	v17 =	vld.idx.msk [tilespmem:v19+s17+$0x0], $0xffff;
	_ =	sdelay $0x2  }
0x8c: {  	v19 =	vadd.s32 v6, v16;
	_ =	sdelay $0x1  }
0x8d: {  	v17 =	vadd.f32 v17, v18;
	_ =	sdelay $0x1  }
0x8e: {  	[tilespmem:s21+$0x10] =	vst v17  }
0x8f: {  	v17 =	vld.idx.msk [tilespmem:v19+s17+$0x0], $0xffff;
	_ =	sdelay $0x2  }
0x90: {  	v16 =	vadd.s32 v7, v16;
	_ =	sdelay $0x1  }
0x91: {  	v17 =	vadd.f32 v17, v18;
	_ =	sdelay $0x1  }
0x92: {  	[tilespmem:s21+$0x20] =	vst v17  }
0x93: {  	v16 =	vld.idx.msk [tilespmem:v16+s17+$0x0], $0xffff;
	_ =	sdelay $0x2  }
0x94: {  	s4 =	sshll.u32 s4, $0xA  }
0x95: {  	s22 =	sshll.u32 s20, $0x11;
	s4 =	sand.u32 $0x7000, s4  }
0x96: {  	s4 =	sor.u32 s4, s22;
	v16 =	vadd.f32 v16, v18  }
0x97: {  	s8 =	sshrl.u32 s4, $0x3  }
0x98: {  	s22 =	simm.s32 $0xB400;
	s23 =	sadd.s32 s2, s8;
	[tilespmem:s21+$0x30] =	vst v16  }
0x99: {  	[hbm4b:s23+s3] =	stream.linear.scatter [tilespmem:s22], [sflag:$0x3], $0x400, $0x38;
	[tilespmem:$0xE400] =	vst v63  }
0x9a: {  	s4 =	sadd.s32 s8, s9;
	s23 =	simm.s32 $0xB800  }
0x9b: {  	[hbm4b:s4+s3] =	stream.linear.scatter [tilespmem:s23], [sflag:$0x3], $0x400, $0x38;
	[tilespmem:$0xE400] =	vst v63  }
0x9c: {  	s4 =	simm.s32 $0x0  }
0x9d: {  	s20 =	sadd.s32 s8, s10;
	s21 =	simm.s32 $0xBC00;
	v16 =	vmov s4  }
0x9e: {  	[hbm4b:s20+s3] =	stream.linear.scatter [tilespmem:s21], [sflag:$0x3], $0x400, $0x38;
	v16 =	vand.u32 $0x1F, v16;
	[tilespmem:$0xE400] =	vst v63  }
0x9f: {  	s0 =	simm.s32 @!p0 $0x4;
	s4 =	sadd.s32 s8, s11;
	s20 =	simm.s32 $0xC000;
	v17 =	vadd.s32 v8, v16  }
0xa0: {  	[hbm4b:s4+s3] =	stream.linear.scatter [tilespmem:s20], [sflag:$0x3], $0x400, $0x38;
	[tilespmem:$0xE400] =	vst v63  }
0xa1: {  	_ =	swait.ge @!p0 [sflag:s0], $0x1000  }
0xa2: {  	[sflag:s0] =	ssyncset.done @!p0 $0x0  }
0xa3: {  	[sflag:s0] =	ssyncadd.s32 @!p0 $0xFFFFF000  }
0xa4: {  	v17 =	vld.idx.msk [tilespmem:v17+s17+$0x0], $0xffff  }
0xa5: {  	v18 =	vld [tilespmem:s14+$0x0];
	_ =	sdelay $0x2  }
0xa6: {  	v19 =	vadd.s32 v9, v16;
	_ =	sdelay $0x1  }
0xa7: {  	v17 =	vadd.f32 v17, v18  }
0xa8: {  	s0 =	simm.s32 $0xC440  }
0xa9: {  	[tilespmem:s0+$0xFFFFFFC0] =	vst v17  }
0xaa: {  	v17 =	vld.idx.msk [tilespmem:v19+s17+$0x0], $0xffff;
	_ =	sdelay $0x2  }
0xab: {  	v19 =	vadd.s32 v10, v16;
	_ =	sdelay $0x1  }
0xac: {  	v17 =	vadd.f32 v17, v18;
	_ =	sdelay $0x1  }
0xad: {  	[tilespmem:s0+$0xFFFFFFD0] =	vst v17  }
0xae: {  	v17 =	vld.idx.msk [tilespmem:v19+s17+$0x0], $0xffff;
	_ =	sdelay $0x2  }
0xaf: {  	v19 =	vadd.s32 v11, v16;
	_ =	sdelay $0x1  }
0xb0: {  	v17 =	vadd.f32 v17, v18;
	_ =	sdelay $0x1  }
0xb1: {  	[tilespmem:s0+$0xFFFFFFE0] =	vst v17  }
0xb2: {  	v17 =	vld.idx.msk [tilespmem:v19+s17+$0x0], $0xffff;
	_ =	sdelay $0x2  }
0xb3: {  	v19 =	vadd.s32 v12, v16;
	_ =	sdelay $0x1  }
0xb4: {  	v17 =	vadd.f32 v17, v18;
	_ =	sdelay $0x1  }
0xb5: {  	[tilespmem:s0+$0xFFFFFFF0] =	vst v17  }
0xb6: {  	v17 =	vld.idx.msk [tilespmem:v19+s17+$0x0], $0xffff;
	_ =	sdelay $0x2  }
0xb7: {  	v19 =	vadd.s32 v13, v16;
	_ =	sdelay $0x1  }
0xb8: {  	v17 =	vadd.f32 v17, v18;
	_ =	sdelay $0x1  }
0xb9: {  	[tilespmem:s0+$0x0] =	vst v17  }
0xba: {  	v17 =	vld.idx.msk [tilespmem:v19+s17+$0x0], $0xffff;
	_ =	sdelay $0x2  }
0xbb: {  	v19 =	vadd.s32 v14, v16;
	_ =	sdelay $0x1  }
0xbc: {  	v17 =	vadd.f32 v17, v18;
	_ =	sdelay $0x1  }
0xbd: {  	[tilespmem:s0+$0x10] =	vst v17  }
0xbe: {  	v17 =	vld.idx.msk [tilespmem:v19+s17+$0x0], $0xffff;
	_ =	sdelay $0x2  }
0xbf: {  	v16 =	vadd.s32 v15, v16;
	_ =	sdelay $0x1  }
0xc0: {  	v17 =	vadd.f32 v17, v18;
	_ =	sdelay $0x1  }
0xc1: {  	[tilespmem:s0+$0x20] =	vst v17  }
0xc2: {  	s21 =	simm.s32 $0x1;
	v19 =	vld.idx.msk [tilespmem:v16+s17+$0x0], $0xffff  }
0xc3: {  	v16 =	vmov s21  }
0xc4: {  	v16 =	vand.u32 $0x1F, v16  }
0xc5: {  	v17 =	vadd.s32 v8, v16;
	_ =	sdelay $0x1  }
0xc6: {  	s21 =	simm.s32 $0x2;
	v18 =	vadd.f32 v19, v18  }
.LBB2_5:
0xc7: {  	s14 =	sadd.s32 $0x10, s14  }
0xc8: {  	s20 =	smov.u32 s21;
	s4 =	sadd.s32 $0x1, s21;
	[tilespmem:s0+$0x30] =	vst v18;
	s0 =	sadd.s32 $0x80, s0  }
0xc9: {  	p0 =	sne.s32 s21, $0x1F;
	v17 =	vld.idx.msk [tilespmem:v17+s17+$0x0], $0xffff  }
0xca: {  	v18 =	vld [tilespmem:s14+$0x0];
	_ =	sdelay $0x2  }
0xcb: {  	v19 =	vadd.s32 v9, v16;
	_ =	sdelay $0x1  }
0xcc: {  	v17 =	vadd.f32 v17, v18;
	_ =	sdelay $0x1  }
0xcd: {  	[tilespmem:s0+$0xFFFFFFC0] =	vst v17  }
0xce: {  	v17 =	vld.idx.msk [tilespmem:v19+s17+$0x0], $0xffff;
	_ =	sdelay $0x3  }
0xcf: {  	v19 =	vadd.s32 v10, v16;
	_ =	sdelay $0x1  }
0xd0: {  	v17 =	vadd.f32 v17, v18;
	_ =	sdelay $0x1  }
0xd1: {  	[tilespmem:s0+$0xFFFFFFD0] =	vst v17  }
0xd2: {  	v17 =	vld.idx.msk [tilespmem:v19+s17+$0x0], $0xffff;
	_ =	sdelay $0x3  }
0xd3: {  	v19 =	vadd.s32 v11, v16;
	_ =	sdelay $0x1  }
0xd4: {  	v17 =	vadd.f32 v17, v18;
	_ =	sdelay $0x1  }
0xd5: {  	[tilespmem:s0+$0xFFFFFFE0] =	vst v17  }
0xd6: {  	v17 =	vld.idx.msk [tilespmem:v19+s17+$0x0], $0xffff;
	_ =	sdelay $0x3  }
0xd7: {  	v19 =	vadd.s32 v12, v16;
	_ =	sdelay $0x1  }
0xd8: {  	v17 =	vadd.f32 v17, v18;
	_ =	sdelay $0x1  }
0xd9: {  	[tilespmem:s0+$0xFFFFFFF0] =	vst v17  }
0xda: {  	v17 =	vld.idx.msk [tilespmem:v19+s17+$0x0], $0xffff;
	_ =	sdelay $0x3  }
0xdb: {  	v19 =	vadd.s32 v13, v16;
	_ =	sdelay $0x1  }
0xdc: {  	v17 =	vadd.f32 v17, v18;
	_ =	sdelay $0x1  }
0xdd: {  	[tilespmem:s0+$0x0] =	vst v17  }
0xde: {  	v17 =	vld.idx.msk [tilespmem:v19+s17+$0x0], $0xffff;
	_ =	sdelay $0x3  }
0xdf: {  	v19 =	vadd.s32 v14, v16;
	_ =	sdelay $0x1  }
0xe0: {  	v17 =	vadd.f32 v17, v18;
	_ =	sdelay $0x1  }
0xe1: {  	[tilespmem:s0+$0x10] =	vst v17  }
0xe2: {  	v17 =	vld.idx.msk [tilespmem:v19+s17+$0x0], $0xffff;
	_ =	sdelay $0x3  }
0xe3: {  	v16 =	vadd.s32 v15, v16;
	_ =	sdelay $0x1  }
0xe4: {  	v17 =	vadd.f32 v17, v18;
	_ =	sdelay $0x1  }
0xe5: {  	[tilespmem:s0+$0x20] =	vst v17  }
0xe6: {  	v19 =	vld.idx.msk [tilespmem:v16+s17+$0x0], $0xffff;
	_ =	sdelay $0x1  }
.Ltmp1:
0xe7: {  	v16 =	vmov s20;
	(pc) =	sbr.rel @p0 .LBB2_5-.Ltmp1, $3  }
0xe8: {  	v16 =	vand.u32 $0x1F, v16  }
0xe9: {  	v17 =	vadd.s32 v8, v16;
	_ =	sdelay $0x1  }
0xea: {  	s21 =	smov.u32 s4;
	v18 =	vadd.f32 v19, v18  }
0xeb: {  	_ =	sdelay $0x2  }
0xec: {  	[tilespmem:s0+$0x30] =	vst v18  }
0xed: {  	s4 =	sadd.s32 $0x10, s14;
	v17 =	vld.idx.msk [tilespmem:v17+s17+$0x0], $0xffff  }
0xee: {  	v18 =	vld [tilespmem:s4+$0x0];
	_ =	sdelay $0x2  }
0xef: {  	v19 =	vadd.s32 v9, v16;
	_ =	sdelay $0x1  }
0xf0: {  	v17 =	vadd.f32 v17, v18  }
0xf1: {  	s20 =	sadd.s32 $0x80, s0  }
0xf2: {  	[tilespmem:s20+$0xFFFFFFC0] =	vst v17  }
0xf3: {  	v17 =	vld.idx.msk [tilespmem:v19+s17+$0x0], $0xffff;
	_ =	sdelay $0x2  }
0xf4: {  	v19 =	vadd.s32 v10, v16;
	_ =	sdelay $0x1  }
0xf5: {  	v17 =	vadd.f32 v17, v18;
	_ =	sdelay $0x1  }
0xf6: {  	[tilespmem:s20+$0xFFFFFFD0] =	vst v17  }
0xf7: {  	v17 =	vld.idx.msk [tilespmem:v19+s17+$0x0], $0xffff;
	_ =	sdelay $0x2  }
0xf8: {  	v19 =	vadd.s32 v11, v16;
	_ =	sdelay $0x1  }
0xf9: {  	v17 =	vadd.f32 v17, v18;
	_ =	sdelay $0x1  }
0xfa: {  	[tilespmem:s20+$0xFFFFFFE0] =	vst v17  }
0xfb: {  	v17 =	vld.idx.msk [tilespmem:v19+s17+$0x0], $0xffff;
	_ =	sdelay $0x2  }
0xfc: {  	v19 =	vadd.s32 v12, v16;
	_ =	sdelay $0x1  }
0xfd: {  	v17 =	vadd.f32 v17, v18;
	_ =	sdelay $0x1  }
0xfe: {  	[tilespmem:s20+$0xFFFFFFF0] =	vst v17  }
0xff: {  	v17 =	vld.idx.msk [tilespmem:v19+s17+$0x0], $0xffff;
	_ =	sdelay $0x2  }
0x100: {  	v19 =	vadd.s32 v13, v16;
	_ =	sdelay $0x1  }
0x101: {  	v17 =	vadd.f32 v17, v18;
	_ =	sdelay $0x1  }
0x102: {  	[tilespmem:s20+$0x0] =	vst v17  }
0x103: {  	v17 =	vld.idx.msk [tilespmem:v19+s17+$0x0], $0xffff;
	_ =	sdelay $0x2  }
0x104: {  	v19 =	vadd.s32 v14, v16;
	_ =	sdelay $0x1  }
0x105: {  	v17 =	vadd.f32 v17, v18;
	_ =	sdelay $0x1  }
0x106: {  	[tilespmem:s20+$0x10] =	vst v17  }
0x107: {  	v17 =	vld.idx.msk [tilespmem:v19+s17+$0x0], $0xffff;
	_ =	sdelay $0x2  }
0x108: {  	v16 =	vadd.s32 v15, v16;
	_ =	sdelay $0x1  }
0x109: {  	v17 =	vadd.f32 v17, v18;
	_ =	sdelay $0x1  }
0x10a: {  	[tilespmem:s20+$0x20] =	vst v17  }
0x10b: {  	v16 =	vld.idx.msk [tilespmem:v16+s17+$0x0], $0xffff;
	_ =	sdelay $0x4  }
0x10c: {  	v16 =	vadd.f32 v16, v18  }
0x10d: {  	s4 =	sor.u32 $0x80, s8  }
0x10e: {  	s14 =	simm.s32 $0x0;
	s21 =	sadd.s32 s2, s4;
	[tilespmem:s20+$0x30] =	vst v16  }
0x10f: {  	[hbm4b:s21+s14] =	stream.linear.scatter [tilespmem:s24], [sflag:$0x4], $0x400, $0x38;
	[tilespmem:$0xE400] =	vst v63  }
0x110: {  	s20 =	sadd.s32 s4, s9  }
0x111: {  	[hbm4b:s20+s14] =	stream.linear.scatter [tilespmem:s25], [sflag:$0x4], $0x400, $0x38;
	[tilespmem:$0xE400] =	vst v63  }
0x112: {  	s21 =	sadd.s32 s4, s10  }
0x113: {  	[hbm4b:s21+s14] =	stream.linear.scatter [tilespmem:s26], [sflag:$0x4], $0x400, $0x38;
	[tilespmem:$0xE400] =	vst v63  }
0x114: {  	s4 =	sadd.s32 s4, s11  }
0x115: {  	[hbm4b:s4+s14] =	stream.linear.scatter [tilespmem:s28], [sflag:$0x4], $0x400, $0x38;
	[tilespmem:$0xE400] =	vst v63  }
0x116: {  	v16 =	vmov s14;
	s20 =	smin.u32 s1, $0xC2;
	_ =	swait.ge [sflag:s29], $0x2800  }
0x117: {  	v16 =	vand.u32 $0x1F, v16;
	s0 =	sshll.u32 s20, $0x7;
	[sflag:s29] =	ssyncset.done $0x0  }
0x118: {  	v17 =	vadd.s32 v0, v16;
	s0 =	sadd.s32 $0x200, s0;
	[sflag:s29] =	ssyncadd.s32 $0xFFFFD800  }
0x119: {  	[tilespmem:s17], [sflag:$0x1] =	stream.indirect.gather [hbm4b:s5+s16], $0x28, s0, s16, $0xb8;
	[tilespmem:$0xE400] =	vst v63  }
0x11a: {  	_ =	swait.ge [sflag:s30], $0x1000  }
0x11b: {  	[sflag:s30] =	ssyncset.done $0x0  }
0x11c: {  	[sflag:s30] =	ssyncadd.s32 $0xFFFFF000  }
0x11d: {  	v17 =	vld.idx.msk [tilespmem:v17+s19+$0x0], $0xffff  }
0x11e: {  	v18 =	vld [tilespmem:s12+$0x0];
	_ =	sdelay $0x2  }
0x11f: {  	v19 =	vadd.s32 v1, v16;
	_ =	sdelay $0x1  }
0x120: {  	v17 =	vadd.f32 v17, v18  }
0x121: {  	s0 =	simm.s32 $0xB440  }
0x122: {  	[tilespmem:s0+$0xFFFFFFC0] =	vst v17  }
0x123: {  	v17 =	vld.idx.msk [tilespmem:v19+s19+$0x0], $0xffff;
	_ =	sdelay $0x2  }
0x124: {  	v19 =	vadd.s32 v2, v16;
	_ =	sdelay $0x1  }
0x125: {  	v17 =	vadd.f32 v17, v18;
	_ =	sdelay $0x1  }
0x126: {  	[tilespmem:s0+$0xFFFFFFD0] =	vst v17  }
0x127: {  	v17 =	vld.idx.msk [tilespmem:v19+s19+$0x0], $0xffff;
	_ =	sdelay $0x2  }
0x128: {  	v19 =	vadd.s32 v3, v16;
	_ =	sdelay $0x1  }
0x129: {  	v17 =	vadd.f32 v17, v18;
	_ =	sdelay $0x1  }
0x12a: {  	[tilespmem:s0+$0xFFFFFFE0] =	vst v17  }
0x12b: {  	v17 =	vld.idx.msk [tilespmem:v19+s19+$0x0], $0xffff;
	_ =	sdelay $0x2  }
0x12c: {  	v19 =	vadd.s32 v4, v16;
	_ =	sdelay $0x1  }
0x12d: {  	v17 =	vadd.f32 v17, v18;
	_ =	sdelay $0x1  }
0x12e: {  	[tilespmem:s0+$0xFFFFFFF0] =	vst v17  }
0x12f: {  	v17 =	vld.idx.msk [tilespmem:v19+s19+$0x0], $0xffff;
	_ =	sdelay $0x2  }
0x130: {  	v19 =	vadd.s32 v5, v16;
	_ =	sdelay $0x1  }
0x131: {  	v17 =	vadd.f32 v17, v18;
	_ =	sdelay $0x1  }
0x132: {  	[tilespmem:s0+$0x0] =	vst v17  }
0x133: {  	v17 =	vld.idx.msk [tilespmem:v19+s19+$0x0], $0xffff;
	_ =	sdelay $0x2  }
0x134: {  	v19 =	vadd.s32 v6, v16;
	_ =	sdelay $0x1  }
0x135: {  	v17 =	vadd.f32 v17, v18;
	_ =	sdelay $0x1  }
0x136: {  	[tilespmem:s0+$0x10] =	vst v17  }
0x137: {  	v17 =	vld.idx.msk [tilespmem:v19+s19+$0x0], $0xffff;
	_ =	sdelay $0x2  }
0x138: {  	v16 =	vadd.s32 v7, v16;
	_ =	sdelay $0x1  }
0x139: {  	v17 =	vadd.f32 v17, v18;
	_ =	sdelay $0x1  }
0x13a: {  	[tilespmem:s0+$0x20] =	vst v17  }
0x13b: {  	s21 =	simm.s32 $0x1;
	v19 =	vld.idx.msk [tilespmem:v16+s19+$0x0], $0xffff  }
0x13c: {  	v16 =	vmov s21  }
0x13d: {  	v16 =	vand.u32 $0x1F, v16  }
0x13e: {  	v17 =	vadd.s32 v0, v16;
	_ =	sdelay $0x1  }
0x13f: {  	s14 =	simm.s32 $0x2;
	v18 =	vadd.f32 v19, v18  }
.LBB2_7:
0x140: {  	s12 =	sadd.s32 $0x10, s12  }
0x141: {  	s4 =	smov.u32 s14;
	s1 =	sadd.s32 $0x1, s14;
	[tilespmem:s0+$0x30] =	vst v18;
	s0 =	sadd.s32 $0x80, s0  }
0x142: {  	p0 =	sne.s32 s14, $0x1F;
	v17 =	vld.idx.msk [tilespmem:v17+s19+$0x0], $0xffff  }
0x143: {  	v18 =	vld [tilespmem:s12+$0x0];
	_ =	sdelay $0x2  }
0x144: {  	v19 =	vadd.s32 v1, v16;
	_ =	sdelay $0x1  }
0x145: {  	v17 =	vadd.f32 v17, v18;
	_ =	sdelay $0x1  }
0x146: {  	[tilespmem:s0+$0xFFFFFFC0] =	vst v17  }
0x147: {  	v17 =	vld.idx.msk [tilespmem:v19+s19+$0x0], $0xffff;
	_ =	sdelay $0x3  }
0x148: {  	v19 =	vadd.s32 v2, v16;
	_ =	sdelay $0x1  }
0x149: {  	v17 =	vadd.f32 v17, v18;
	_ =	sdelay $0x1  }
0x14a: {  	[tilespmem:s0+$0xFFFFFFD0] =	vst v17  }
0x14b: {  	v17 =	vld.idx.msk [tilespmem:v19+s19+$0x0], $0xffff;
	_ =	sdelay $0x3  }
0x14c: {  	v19 =	vadd.s32 v3, v16;
	_ =	sdelay $0x1  }
0x14d: {  	v17 =	vadd.f32 v17, v18;
	_ =	sdelay $0x1  }
0x14e: {  	[tilespmem:s0+$0xFFFFFFE0] =	vst v17  }
0x14f: {  	v17 =	vld.idx.msk [tilespmem:v19+s19+$0x0], $0xffff;
	_ =	sdelay $0x3  }
0x150: {  	v19 =	vadd.s32 v4, v16;
	_ =	sdelay $0x1  }
0x151: {  	v17 =	vadd.f32 v17, v18;
	_ =	sdelay $0x1  }
0x152: {  	[tilespmem:s0+$0xFFFFFFF0] =	vst v17  }
0x153: {  	v17 =	vld.idx.msk [tilespmem:v19+s19+$0x0], $0xffff;
	_ =	sdelay $0x3  }
0x154: {  	v19 =	vadd.s32 v5, v16;
	_ =	sdelay $0x1  }
0x155: {  	v17 =	vadd.f32 v17, v18;
	_ =	sdelay $0x1  }
0x156: {  	[tilespmem:s0+$0x0] =	vst v17  }
0x157: {  	v17 =	vld.idx.msk [tilespmem:v19+s19+$0x0], $0xffff;
	_ =	sdelay $0x3  }
0x158: {  	v19 =	vadd.s32 v6, v16;
	_ =	sdelay $0x1  }
0x159: {  	v17 =	vadd.f32 v17, v18;
	_ =	sdelay $0x1  }
0x15a: {  	[tilespmem:s0+$0x10] =	vst v17  }
0x15b: {  	v17 =	vld.idx.msk [tilespmem:v19+s19+$0x0], $0xffff;
	_ =	sdelay $0x3  }
0x15c: {  	v16 =	vadd.s32 v7, v16;
	_ =	sdelay $0x1  }
0x15d: {  	v17 =	vadd.f32 v17, v18;
	_ =	sdelay $0x1  }
0x15e: {  	[tilespmem:s0+$0x20] =	vst v17  }
0x15f: {  	v19 =	vld.idx.msk [tilespmem:v16+s19+$0x0], $0xffff;
	_ =	sdelay $0x1  }
.Ltmp2:
0x160: {  	v16 =	vmov s4;
	(pc) =	sbr.rel @p0 .LBB2_7-.Ltmp2, $3  }
0x161: {  	v16 =	vand.u32 $0x1F, v16  }
0x162: {  	v17 =	vadd.s32 v0, v16;
	_ =	sdelay $0x1  }
0x163: {  	s14 =	smov.u32 s1;
	v18 =	vadd.f32 v19, v18  }
0x164: {  	_ =	sdelay $0x2  }
0x165: {  	[tilespmem:s0+$0x30] =	vst v18  }
0x166: {  	s1 =	sadd.s32 $0x10, s12;
	v17 =	vld.idx.msk [tilespmem:v17+s19+$0x0], $0xffff  }
0x167: {  	v18 =	vld [tilespmem:s1+$0x0];
	_ =	sdelay $0x2  }
0x168: {  	v19 =	vadd.s32 v1, v16;
	_ =	sdelay $0x1  }
0x169: {  	v17 =	vadd.f32 v17, v18  }
0x16a: {  	s20 =	sadd.s32 $0x80, s0  }
0x16b: {  	[tilespmem:s20+$0xFFFFFFC0] =	vst v17  }
0x16c: {  	v17 =	vld.idx.msk [tilespmem:v19+s19+$0x0], $0xffff;
	_ =	sdelay $0x2  }
0x16d: {  	v19 =	vadd.s32 v2, v16;
	_ =	sdelay $0x1  }
0x16e: {  	v17 =	vadd.f32 v17, v18;
	_ =	sdelay $0x1  }
0x16f: {  	[tilespmem:s20+$0xFFFFFFD0] =	vst v17  }
0x170: {  	v17 =	vld.idx.msk [tilespmem:v19+s19+$0x0], $0xffff;
	_ =	sdelay $0x2  }
0x171: {  	v19 =	vadd.s32 v3, v16;
	_ =	sdelay $0x1  }
0x172: {  	v17 =	vadd.f32 v17, v18;
	_ =	sdelay $0x1  }
0x173: {  	[tilespmem:s20+$0xFFFFFFE0] =	vst v17  }
0x174: {  	v17 =	vld.idx.msk [tilespmem:v19+s19+$0x0], $0xffff;
	_ =	sdelay $0x2  }
0x175: {  	v19 =	vadd.s32 v4, v16;
	_ =	sdelay $0x1  }
0x176: {  	v17 =	vadd.f32 v17, v18;
	_ =	sdelay $0x1  }
0x177: {  	[tilespmem:s20+$0xFFFFFFF0] =	vst v17  }
0x178: {  	v17 =	vld.idx.msk [tilespmem:v19+s19+$0x0], $0xffff;
	_ =	sdelay $0x2  }
0x179: {  	v19 =	vadd.s32 v5, v16;
	_ =	sdelay $0x1  }
0x17a: {  	v17 =	vadd.f32 v17, v18;
	_ =	sdelay $0x1  }
0x17b: {  	[tilespmem:s20+$0x0] =	vst v17  }
0x17c: {  	v17 =	vld.idx.msk [tilespmem:v19+s19+$0x0], $0xffff;
	_ =	sdelay $0x2  }
0x17d: {  	v19 =	vadd.s32 v6, v16;
	_ =	sdelay $0x1  }
0x17e: {  	v17 =	vadd.f32 v17, v18;
	_ =	sdelay $0x1  }
0x17f: {  	[tilespmem:s20+$0x10] =	vst v17  }
0x180: {  	v17 =	vld.idx.msk [tilespmem:v19+s19+$0x0], $0xffff;
	_ =	sdelay $0x2  }
0x181: {  	v16 =	vadd.s32 v7, v16;
	_ =	sdelay $0x1  }
0x182: {  	v17 =	vadd.f32 v17, v18;
	_ =	sdelay $0x1  }
0x183: {  	[tilespmem:s20+$0x20] =	vst v17  }
0x184: {  	v16 =	vld.idx.msk [tilespmem:v16+s19+$0x0], $0xffff;
	_ =	sdelay $0x4  }
0x185: {  	v16 =	vadd.f32 v16, v18  }
0x186: {  	s1 =	sor.u32 $0x100, s8  }
0x187: {  	s4 =	simm.s32 $0x0;
	s21 =	sadd.s32 s2, s1;
	[tilespmem:s20+$0x30] =	vst v16  }
0x188: {  	[hbm4b:s21+s4] =	stream.linear.scatter [tilespmem:s22], [sflag:$0x3], $0x400, $0x38;
	[tilespmem:$0xE400] =	vst v63  }
0x189: {  	s12 =	sadd.s32 s1, s9  }
0x18a: {  	[hbm4b:s12+s4] =	stream.linear.scatter [tilespmem:s23], [sflag:$0x3], $0x400, $0x38;
	[tilespmem:$0xE400] =	vst v63  }
0x18b: {  	s14 =	sadd.s32 s1, s10;
	v16 =	vmov s4;
	s20 =	simm.s32 $0xBC00  }
0x18c: {  	v16 =	vand.u32 $0x1F, v16;
	[hbm4b:s14+s4] =	stream.linear.scatter [tilespmem:s20], [sflag:$0x3], $0x400, $0x38;
	[tilespmem:$0xE400] =	vst v63  }
0x18d: {  	s21 =	sadd.s32 s1, s11;
	s22 =	simm.s32 $0xC000;
	v17 =	vadd.s32 v8, v16  }
0x18e: {  	[hbm4b:s21+s4] =	stream.linear.scatter [tilespmem:s22], [sflag:$0x3], $0x400, $0x38;
	[tilespmem:$0xE400] =	vst v63  }
0x18f: {  	_ =	swait.ge [sflag:s31], $0x1000  }
0x190: {  	[sflag:s31] =	ssyncset.done $0x0  }
0x191: {  	[sflag:s31] =	ssyncadd.s32 $0xFFFFF000  }
0x192: {  	v17 =	vld.idx.msk [tilespmem:v17+s19+$0x0], $0xffff  }
0x193: {  	v18 =	vld [tilespmem:s7+$0x0];
	_ =	sdelay $0x2  }
0x194: {  	v19 =	vadd.s32 v9, v16;
	_ =	sdelay $0x1  }
0x195: {  	v17 =	vadd.f32 v17, v18  }
0x196: {  	s0 =	simm.s32 $0xC440  }
0x197: {  	[tilespmem:s0+$0xFFFFFFC0] =	vst v17  }
0x198: {  	v17 =	vld.idx.msk [tilespmem:v19+s19+$0x0], $0xffff;
	_ =	sdelay $0x2  }
0x199: {  	v19 =	vadd.s32 v10, v16;
	_ =	sdelay $0x1  }
0x19a: {  	v17 =	vadd.f32 v17, v18;
	_ =	sdelay $0x1  }
0x19b: {  	[tilespmem:s0+$0xFFFFFFD0] =	vst v17  }
0x19c: {  	v17 =	vld.idx.msk [tilespmem:v19+s19+$0x0], $0xffff;
	_ =	sdelay $0x2  }
0x19d: {  	v19 =	vadd.s32 v11, v16;
	_ =	sdelay $0x1  }
0x19e: {  	v17 =	vadd.f32 v17, v18;
	_ =	sdelay $0x1  }
0x19f: {  	[tilespmem:s0+$0xFFFFFFE0] =	vst v17  }
0x1a0: {  	v17 =	vld.idx.msk [tilespmem:v19+s19+$0x0], $0xffff;
	_ =	sdelay $0x2  }
0x1a1: {  	v19 =	vadd.s32 v12, v16;
	_ =	sdelay $0x1  }
0x1a2: {  	v17 =	vadd.f32 v17, v18;
	_ =	sdelay $0x1  }
0x1a3: {  	[tilespmem:s0+$0xFFFFFFF0] =	vst v17  }
0x1a4: {  	v17 =	vld.idx.msk [tilespmem:v19+s19+$0x0], $0xffff;
	_ =	sdelay $0x2  }
0x1a5: {  	v19 =	vadd.s32 v13, v16;
	_ =	sdelay $0x1  }
0x1a6: {  	v17 =	vadd.f32 v17, v18;
	_ =	sdelay $0x1  }
0x1a7: {  	[tilespmem:s0+$0x0] =	vst v17  }
0x1a8: {  	v17 =	vld.idx.msk [tilespmem:v19+s19+$0x0], $0xffff;
	_ =	sdelay $0x2  }
0x1a9: {  	v19 =	vadd.s32 v14, v16;
	_ =	sdelay $0x1  }
0x1aa: {  	v17 =	vadd.f32 v17, v18;
	_ =	sdelay $0x1  }
0x1ab: {  	[tilespmem:s0+$0x10] =	vst v17  }
0x1ac: {  	v17 =	vld.idx.msk [tilespmem:v19+s19+$0x0], $0xffff;
	_ =	sdelay $0x2  }
0x1ad: {  	v16 =	vadd.s32 v15, v16;
	_ =	sdelay $0x1  }
0x1ae: {  	v17 =	vadd.f32 v17, v18;
	_ =	sdelay $0x1  }
0x1af: {  	[tilespmem:s0+$0x20] =	vst v17  }
0x1b0: {  	s23 =	simm.s32 $0x1;
	v19 =	vld.idx.msk [tilespmem:v16+s19+$0x0], $0xffff  }
0x1b1: {  	v16 =	vmov s23  }
0x1b2: {  	v16 =	vand.u32 $0x1F, v16  }
0x1b3: {  	v17 =	vadd.s32 v8, v16;
	_ =	sdelay $0x1  }
0x1b4: {  	s12 =	simm.s32 $0x2;
	v18 =	vadd.f32 v19, v18  }
.LBB2_9:
0x1b5: {  	s7 =	sadd.s32 $0x10, s7  }
0x1b6: {  	s4 =	smov.u32 s12;
	s1 =	sadd.s32 $0x1, s12;
	[tilespmem:s0+$0x30] =	vst v18;
	s0 =	sadd.s32 $0x80, s0  }
0x1b7: {  	p0 =	sne.s32 s12, $0x1F;
	v17 =	vld.idx.msk [tilespmem:v17+s19+$0x0], $0xffff  }
0x1b8: {  	v18 =	vld [tilespmem:s7+$0x0];
	_ =	sdelay $0x2  }
0x1b9: {  	v19 =	vadd.s32 v9, v16;
	_ =	sdelay $0x1  }
0x1ba: {  	v17 =	vadd.f32 v17, v18;
	_ =	sdelay $0x1  }
0x1bb: {  	[tilespmem:s0+$0xFFFFFFC0] =	vst v17  }
0x1bc: {  	v17 =	vld.idx.msk [tilespmem:v19+s19+$0x0], $0xffff;
	_ =	sdelay $0x3  }
0x1bd: {  	v19 =	vadd.s32 v10, v16;
	_ =	sdelay $0x1  }
0x1be: {  	v17 =	vadd.f32 v17, v18;
	_ =	sdelay $0x1  }
0x1bf: {  	[tilespmem:s0+$0xFFFFFFD0] =	vst v17  }
0x1c0: {  	v17 =	vld.idx.msk [tilespmem:v19+s19+$0x0], $0xffff;
	_ =	sdelay $0x3  }
0x1c1: {  	v19 =	vadd.s32 v11, v16;
	_ =	sdelay $0x1  }
0x1c2: {  	v17 =	vadd.f32 v17, v18;
	_ =	sdelay $0x1  }
0x1c3: {  	[tilespmem:s0+$0xFFFFFFE0] =	vst v17  }
0x1c4: {  	v17 =	vld.idx.msk [tilespmem:v19+s19+$0x0], $0xffff;
	_ =	sdelay $0x3  }
0x1c5: {  	v19 =	vadd.s32 v12, v16;
	_ =	sdelay $0x1  }
0x1c6: {  	v17 =	vadd.f32 v17, v18;
	_ =	sdelay $0x1  }
0x1c7: {  	[tilespmem:s0+$0xFFFFFFF0] =	vst v17  }
0x1c8: {  	v17 =	vld.idx.msk [tilespmem:v19+s19+$0x0], $0xffff;
	_ =	sdelay $0x3  }
0x1c9: {  	v19 =	vadd.s32 v13, v16;
	_ =	sdelay $0x1  }
0x1ca: {  	v17 =	vadd.f32 v17, v18;
	_ =	sdelay $0x1  }
0x1cb: {  	[tilespmem:s0+$0x0] =	vst v17  }
0x1cc: {  	v17 =	vld.idx.msk [tilespmem:v19+s19+$0x0], $0xffff;
	_ =	sdelay $0x3  }
0x1cd: {  	v19 =	vadd.s32 v14, v16;
	_ =	sdelay $0x1  }
0x1ce: {  	v17 =	vadd.f32 v17, v18;
	_ =	sdelay $0x1  }
0x1cf: {  	[tilespmem:s0+$0x10] =	vst v17  }
0x1d0: {  	v17 =	vld.idx.msk [tilespmem:v19+s19+$0x0], $0xffff;
	_ =	sdelay $0x3  }
0x1d1: {  	v16 =	vadd.s32 v15, v16;
	_ =	sdelay $0x1  }
0x1d2: {  	v17 =	vadd.f32 v17, v18;
	_ =	sdelay $0x1  }
0x1d3: {  	[tilespmem:s0+$0x20] =	vst v17  }
0x1d4: {  	v19 =	vld.idx.msk [tilespmem:v16+s19+$0x0], $0xffff;
	_ =	sdelay $0x1  }
.Ltmp3:
0x1d5: {  	v16 =	vmov s4;
	(pc) =	sbr.rel @p0 .LBB2_9-.Ltmp3, $3  }
0x1d6: {  	v16 =	vand.u32 $0x1F, v16  }
0x1d7: {  	v17 =	vadd.s32 v8, v16;
	_ =	sdelay $0x1  }
0x1d8: {  	s12 =	smov.u32 s1;
	v18 =	vadd.f32 v19, v18  }
0x1d9: {  	_ =	sdelay $0x2  }
0x1da: {  	[tilespmem:s0+$0x30] =	vst v18  }
0x1db: {  	s1 =	sadd.s32 $0x10, s7;
	v17 =	vld.idx.msk [tilespmem:v17+s19+$0x0], $0xffff  }
0x1dc: {  	v18 =	vld [tilespmem:s1+$0x0];
	_ =	sdelay $0x2  }
0x1dd: {  	v19 =	vadd.s32 v9, v16;
	_ =	sdelay $0x1  }
0x1de: {  	v17 =	vadd.f32 v17, v18  }
0x1df: {  	s12 =	sadd.s32 $0x80, s0  }
0x1e0: {  	[tilespmem:s12+$0xFFFFFFC0] =	vst v17  }
0x1e1: {  	v17 =	vld.idx.msk [tilespmem:v19+s19+$0x0], $0xffff;
	_ =	sdelay $0x2  }
0x1e2: {  	v59 =	vadd.s32 v10, v16;
	_ =	sdelay $0x1  }
0x1e3: {  	v17 =	vadd.f32 v17, v18;
	_ =	sdelay $0x1  }
0x1e4: {  	[tilespmem:s12+$0xFFFFFFD0] =	vst v17  }
0x1e5: {  	v17 =	vld.idx.msk [tilespmem:v59+s19+$0x0], $0xffff;
	_ =	sdelay $0x2  }
0x1e6: {  	v60 =	vadd.s32 v11, v16;
	_ =	sdelay $0x1  }
0x1e7: {  	v17 =	vadd.f32 v17, v18;
	_ =	sdelay $0x1  }
0x1e8: {  	[tilespmem:s12+$0xFFFFFFE0] =	vst v17  }
0x1e9: {  	v17 =	vld.idx.msk [tilespmem:v60+s19+$0x0], $0xffff;
	_ =	sdelay $0x2  }
0x1ea: {  	v61 =	vadd.s32 v12, v16;
	_ =	sdelay $0x1  }
0x1eb: {  	v17 =	vadd.f32 v17, v18;
	_ =	sdelay $0x1  }
0x1ec: {  	[tilespmem:s12+$0xFFFFFFF0] =	vst v17  }
0x1ed: {  	v17 =	vld.idx.msk [tilespmem:v61+s19+$0x0], $0xffff;
	_ =	sdelay $0x2  }
0x1ee: {  	v62 =	vadd.s32 v13, v16;
	_ =	sdelay $0x1  }
0x1ef: {  	v17 =	vadd.f32 v17, v18;
	_ =	sdelay $0x1  }
0x1f0: {  	[tilespmem:s12+$0x0] =	vst v17  }
0x1f1: {  	v17 =	vld.idx.msk [tilespmem:v62+s19+$0x0], $0xffff;
	_ =	sdelay $0x2  }
0x1f2: {  	v63 =	vadd.s32 v14, v16;
	_ =	sdelay $0x1  }
0x1f3: {  	v17 =	vadd.f32 v17, v18;
	_ =	sdelay $0x1  }
0x1f4: {  	[tilespmem:s12+$0x10] =	vst v17  }
0x1f5: {  	v17 =	vld.idx.msk [tilespmem:v63+s19+$0x0], $0xffff;
	_ =	sdelay $0x2  }
0x1f6: {  	v16 =	vadd.s32 v15, v16;
	_ =	sdelay $0x1  }
0x1f7: {  	v17 =	vadd.f32 v17, v18;
	_ =	sdelay $0x1  }
0x1f8: {  	[tilespmem:s12+$0x20] =	vst v17  }
0x1f9: {  	v16 =	vld.idx.msk [tilespmem:v16+s19+$0x0], $0xffff;
	_ =	sdelay $0x4  }
0x1fa: {  	v16 =	vadd.f32 v16, v18  }
0x1fb: {  	s14 =	sor.u32 $0x180, s8  }
0x1fc: {  	s20 =	sadd.s32 s2, s14;
	[tilespmem:s12+$0x30] =	vst v16  }
0x1fd: {  	[hbm4b:s20+s3] =	stream.linear.scatter [tilespmem:s24], [sflag:$0x4], $0x400, $0x38;
	[tilespmem:$0xE400] =	vst v63  }
0x1fe: {  	s15 =	sadd.s32 $0x1, s15;
	s21 =	sadd.s32 s14, s9  }
0x1ff: {  	[hbm4b:s21+s3] =	stream.linear.scatter [tilespmem:s25], [sflag:$0x4], $0x400, $0x38;
	[tilespmem:$0xE400] =	vst v63  }
0x200: {  	s22 =	sadd.s32 s14, s10;
	p0 =	sne.s32 s15, $0x32  }
0x201: {  	[hbm4b:s22+s3] =	stream.linear.scatter [tilespmem:s26], [sflag:$0x4], $0x400, $0x38;
	[tilespmem:$0xE400] =	vst v63  }
.Ltmp4:
0x202: {  	s23 =	sadd.s32 s14, s11;
	(pc) =	sbr.rel @p0 .LBB2_2-.Ltmp4, $4  }
0x203: {  	[hbm4b:s23+s3] =	stream.linear.scatter [tilespmem:s28], [sflag:$0x4], $0x400, $0x38;
	[tilespmem:$0xE400] =	vst v63  }
0x204: {  	_ =	swait.ge [sflag:s18], $0x2800  }
0x205: {  	[sflag:s18] =	ssyncset.done $0x0  }
0x206: {  	s6 =	sadd.s32 $0x4, s6;
	[sflag:s18] =	ssyncadd.s32 $0xFFFFD800  }
0x207: {  	_ =	swait.ge [sflag:s30], $0x1000  }
0x208: {  	[sflag:s30] =	ssyncset.done $0x0  }
0x209: {  	[sflag:s30] =	ssyncadd.s32 $0xFFFFF000  }
0x20a: {  	_ =	swait.ge [sflag:s31], $0x1000  }
0x20b: {  	s1 =	rddreg [dreg:$0xa]  }
0x20c: {  	s0 =	rddreg [dreg:$0x9];
	s1 =	sadd.s32 $0x1, s1  }
0x20d: {  	p0 =	sne.s32 s1, s0  }
.Ltmp5:
0x20e: {  	_ = 	snop;
	(pc) =	sbr.rel @p0 .LBB2_1-.Ltmp5, $3  }
0x20f: {  	_ =	sdelay $0x1  }
0x210: {  	[sflag:s31] =	ssyncset.done $0x0  }
0x211: {  	[sflag:s31] =	ssyncadd.s32 $0xFFFFF000  }
0x212: {  	_ =	sfence.sel $0x180000  }
0x213: {  	[bflag:$0x0] =	sbarrier.arrive $0xFFFF  }
0x214: {  	_ =	strace $0x9000004A  }
0x215: {  	s0 =	stileid.u32;
	[bflag:$0x2] =	sbarrier.arrive $0xFFFF  }
0x216: {  	p0 =	sne.s32 s0, $0x0;
	s0 =	rddreg [dreg:$0x4]  }
0x217: {  	s0 =	sadd.s32 @!p0 $0x100000, s0  }
0x218: {  	[sflag:s0] =	ssyncadd.tile.s32 @!p0 $0x1;
	_ =	shalt  }
.Lfunc_end2:
_tile_overlayer_lowered:
.L_overlay_start_2:
0x219: {  	(tag) =	ssettag $0x2  }
0x21a: {  	s0 =	rddreg [dreg:$0x0];
	s2 =	stileid.u32  }
0x21b: {  	s1 =	rddreg [dreg:$0x1];
	p0 =	sne.s32 s2, $0x0  }
0x21c: {  	s3 =	rddreg [dreg:$0x2];
	[bflag:$0x3] =	sbarrier.arrive $0xFFFF;
	s2 =	simm.s32 @!p0 $0x1C05  }
0x21d: {  	[timem:s3], [sflag:s2] =	dma.local @!p0 [hbm:s0], s1  }
0x21e: {  	s0 =	simm.s32 @!p0 $0x5  }
0x21f: {  	_ =	swait.ge @!p0 [sflag:s0], s1  }
0x220: {  	s1 =	ssub.s32 @!p0 $0x0, s1;
	[sflag:s0] =	ssyncset.done @!p0 $0x0  }
0x221: {  	[sflag:s0] =	ssyncadd.s32 @!p0 s1  }
0x222: {  	[bflag:$0x3] =	sbarrier.arrive $0xFFFF  }
0x223: {  	_ =	shalt  }

</sc_bundles>
